<compile_context>
chip_gen: v7x
topology: tpu7x:2x2x1
jax: 0.10.2.dev20260603
libtpu: 0.0.44.dev20260713+nightly
codegen_flags: <defaults>
</compile_context>

<pallas_src>
import functools

import jax
import jax.numpy as jnp
from jax import lax
from jax.experimental import pallas as pl
from jax.experimental.pallas import tpu as pltpu
from jax.experimental.pallas import tpu_sc as plsc

_RADIUS = 0.2
_R2 = _RADIUS * _RADIUS
_EPS = 1e-5


def _select_body(xyz8_ref, xyzt8_ref, out_ref, *, n_total, bn_total, cb):
    b = pl.program_id(0)
    nb = pl.program_id(1)
    ctr = xyz8_ref[0]
    xt = xyzt8_ref[0]
    colid = lax.broadcasted_iota(jnp.int32, (cb, n_total), 1)
    rowid = lax.broadcasted_iota(jnp.int32, (cb, n_total), 0) + nb * cb
    d0 = xt[0:1, :] - ctr[:, 0:1]
    d1 = xt[1:2, :] - ctr[:, 1:2]
    d2 = xt[2:3, :] - ctr[:, 2:3]
    dist = (d0 * d0 + d1 * d1) + d2 * d2
    r2 = jnp.float32(_R2)
    big = jnp.float32(1e10)
    base = (dist > 1e-10) & (dist < r2)
    eye = colid == rowid
    sub = ((jnp.where((d0 + 1.0) >= 1.0, jnp.int32(4), jnp.int32(0))
            + jnp.where((d1 + 1.0) >= 1.0, jnp.int32(2), jnp.int32(0)))
           + jnp.where((d2 + 1.0) >= 1.0, jnp.int32(1), jnp.int32(0)))
    val_base = jnp.where(base, dist, big)
    val_base = jnp.where(eye, r2, val_base)
    for i in range(8):
        sel = (sub == i) | eye
        val = jnp.where(sel, val_base, big)
        mn = jnp.min(val, axis=1, keepdims=True)
        cand = jnp.where(val == mn, colid, jnp.int32(n_total))
        pj = jnp.min(cand, axis=1)
        out_ref[(i >> 1) + 4 * (i & 1), :] = (
            pj + (b * n_total + (i & 1) * bn_total))


def _select_call(xyz8, xyzt8, cb=512):
    b, n, _ = xyz8.shape
    nb = n // cb
    return pl.pallas_call(
        functools.partial(_select_body, n_total=n, bn_total=b * n, cb=cb),
        grid=(b, nb),
        in_specs=[
            pl.BlockSpec((1, cb, 8), lambda bi, ni: (bi, ni, 0)),
            pl.BlockSpec((1, 8, n), lambda bi, ni: (bi, 0, 0)),
        ],
        out_specs=pl.BlockSpec((8, cb), lambda bi, ni: (0, bi * nb + ni)),
        out_shape=jax.ShapeDtypeStruct((8, b * n), jnp.int32),
    )(xyz8, xyzt8)


def _pack_bf16(y):
    h = y.shape[-1] // 2
    yb = y.astype(jnp.bfloat16)
    lo = lax.bitcast_convert_type(yb[:, :h], jnp.uint16).astype(jnp.uint32)
    hi = lax.bitcast_convert_type(yb[:, h:], jnp.uint16).astype(jnp.uint32)
    return lo | (hi << 16)


def _unpack_bf16(g):
    lo = lax.bitcast_convert_type(g.astype(jnp.uint16), jnp.bfloat16)
    hi = lax.bitcast_convert_type((g >> 16).astype(jnp.uint16), jnp.bfloat16)
    return jnp.concatenate([lo, hi], axis=-1).astype(jnp.float32)


def _table_body(feat_ref, xyz8_ref, wf_ref, wx_ref, out_ref):
    y = (jnp.dot(feat_ref[...], wf_ref[0],
                 preferred_element_type=jnp.float32)
         + jnp.dot(xyz8_ref[...], wx_ref[0],
                   preferred_element_type=jnp.float32))
    out_ref[0] = _pack_bf16(y) if out_ref.dtype == jnp.uint32 else y


def _table_affine_body(y_ref, s_ref, t_ref, xyz8_ref, wf_ref, wx_ref, out_ref):
    z = jnp.maximum(y_ref[...] * s_ref[...] + t_ref[...], 0.0)
    y = (jnp.dot(z, wf_ref[0], preferred_element_type=jnp.float32)
         + jnp.dot(xyz8_ref[...], wx_ref[0],
                   preferred_element_type=jnp.float32))
    out_ref[0] = _pack_bf16(y) if out_ref.dtype == jnp.uint32 else y


def _table_call(feat, xyz8f, wf, wx, rb=512, pack=True):
    m, c = feat.shape
    o = wf.shape[-1]
    oo = o // 2 if pack else o
    odt = jnp.uint32 if pack else jnp.float32
    return pl.pallas_call(
        _table_body,
        grid=(2, m // rb),
        in_specs=[
            pl.BlockSpec((rb, c), lambda p, i: (i, 0)),
            pl.BlockSpec((rb, 8), lambda p, i: (i, 0)),
            pl.BlockSpec((1, c, o), lambda p, i: (p, 0, 0)),
            pl.BlockSpec((1, 8, o), lambda p, i: (p, 0, 0)),
        ],
        out_specs=pl.BlockSpec((1, rb, oo), lambda p, i: (p, i, 0)),
        out_shape=jax.ShapeDtypeStruct((2, m, oo), odt),
    )(feat, xyz8f, wf, wx)


def _table_affine_call(y, s, t, xyz8f, wf, wx, rb=512, pack=True):
    m, c = y.shape
    o = wf.shape[-1]
    oo = o // 2 if pack else o
    odt = jnp.uint32 if pack else jnp.float32
    return pl.pallas_call(
        _table_affine_body,
        grid=(2, m // rb),
        in_specs=[
            pl.BlockSpec((rb, c), lambda p, i: (i, 0)),
            pl.BlockSpec((1, c), lambda p, i: (0, 0)),
            pl.BlockSpec((1, c), lambda p, i: (0, 0)),
            pl.BlockSpec((rb, 8), lambda p, i: (i, 0)),
            pl.BlockSpec((1, c, o), lambda p, i: (p, 0, 0)),
            pl.BlockSpec((1, 8, o), lambda p, i: (p, 0, 0)),
        ],
        out_specs=pl.BlockSpec((1, rb, oo), lambda p, i: (p, i, 0)),
        out_shape=jax.ShapeDtypeStruct((2, m, oo), odt),
    )(y, s, t, xyz8f, wf, wx)


def _sc_gather_call(table, idx_flat):
    v, d = table.shape
    dt = table.dtype
    (r,) = idx_flat.shape
    nc, ns = 2, 16
    nw = nc * ns
    per_w = r // nw
    ch = 128
    nchunk = per_w // ch
    mesh = plsc.VectorSubcoreMesh(core_axis_name="c", subcore_axis_name="s")

    nbuf = 4

    @functools.partial(
        pl.kernel,
        out_type=jax.ShapeDtypeStruct((r, d), dt),
        mesh=mesh,
        scratch_types=(
            [pltpu.VMEM((per_w,), jnp.int32)]
            + [pltpu.VMEM((ch, d), dt) for _ in range(nbuf)]
            + [pltpu.SemaphoreType.DMA for _ in range(2 * nbuf)]
        ),
    )
    def gk(table_hbm, idx_hbm, out_hbm, idx_v, *bufs):
        row_v = bufs[:nbuf]
        gsem = bufs[nbuf:2 * nbuf]
        wsem = bufs[2 * nbuf:]
        wid = lax.axis_index("s") * nc + lax.axis_index("c")
        base = wid * per_w
        pltpu.sync_copy(idx_hbm.at[pl.ds(base, per_w)], idx_v)
        gh = [None] * nchunk
        wh = [None] * nchunk
        for i in range(min(nbuf, nchunk)):
            gh[i] = pltpu.async_copy(
                table_hbm.at[idx_v.at[pl.ds(i * ch, ch)]], row_v[i], gsem[i])
        for i in range(nchunk):
            cur = i % nbuf
            gh[i].wait()
            wh[i] = pltpu.async_copy(
                row_v[cur], out_hbm.at[pl.ds(base + i * ch, ch)], wsem[cur])
            if i + nbuf < nchunk:
                wh[i].wait()
                gh[i + nbuf] = pltpu.async_copy(
                    table_hbm.at[idx_v.at[pl.ds((i + nbuf) * ch, ch)]],
                    row_v[cur], gsem[cur])
        for i in range(max(0, nchunk - nbuf), nchunk):
            wh[i].wait()

    return gk(table, idx_flat)


def _gsum(ga_ref, gb_ref, xt_ref, wxn_ref, bias_ref):
    cc = lax.dot_general(xt_ref[...], wxn_ref[...],
                         (((0,), (0,)), ((), ())),
                         preferred_element_type=jnp.float32)
    ga = ga_ref[0, 0]
    gb = gb_ref[0, 0]
    if ga.dtype == jnp.uint32:
        ga = _unpack_bf16(ga)
        gb = _unpack_bf16(gb)
    return ga + gb + cc + bias_ref[...]


def _finalize_bn(acc, gam_ref, bet_ref, s_ref, t_ref, count):
    inv = jnp.float32(1.0 / count)
    mean = acc[0:1, :] * inv
    var = acc[1:2, :] * inv - mean * mean
    sc = gam_ref[...] / jnp.sqrt(var + _EPS)
    s_ref[...] = sc
    t_ref[...] = bet_ref[...] - mean * sc


def _gstats_body(ga_ref, gb_ref, xt_ref, wxn_ref, bias_ref, gam_ref, bet_ref,
                 s_ref, t_ref, acc, *, kdim, nsteps, count):
    k = pl.program_id(0)
    i = pl.program_id(1)

    @pl.when((k == 0) & (i == 0))
    def _init():
        acc[...] = jnp.zeros_like(acc)

    y = _gsum(ga_ref, gb_ref, xt_ref, wxn_ref, bias_ref)
    acc[0:1, :] = acc[0:1, :] + jnp.sum(y, axis=0, keepdims=True)
    acc[1:2, :] = acc[1:2, :] + jnp.sum(y * y, axis=0, keepdims=True)

    @pl.when((k == kdim - 1) & (i == nsteps - 1))
    def _fin():
        _finalize_bn(acc, gam_ref, bet_ref, s_ref, t_ref, count)


def _gstats_call(g4, xt, wxn, bias, gam, bet, rb=2048):
    _, kdim, m, gw = g4.shape
    d = bias.shape[-1]
    nsteps = m // rb
    count = kdim * m
    return pl.pallas_call(
        functools.partial(_gstats_body, kdim=kdim, nsteps=nsteps,
                          count=count),
        grid=(kdim, nsteps),
        in_specs=[
            pl.BlockSpec((1, 1, rb, gw), lambda k, i: (0, k, i, 0)),
            pl.BlockSpec((1, 1, rb, gw), lambda k, i: (1, k, i, 0)),
            pl.BlockSpec((8, rb), lambda k, i: (0, i)),
            pl.BlockSpec((8, d), lambda k, i: (0, 0)),
            pl.BlockSpec((1, d), lambda k, i: (0, 0)),
            pl.BlockSpec((1, d), lambda k, i: (0, 0)),
            pl.BlockSpec((1, d), lambda k, i: (0, 0)),
        ],
        out_specs=[
            pl.BlockSpec((1, d), lambda k, i: (0, 0)),
            pl.BlockSpec((1, d), lambda k, i: (0, 0)),
        ],
        out_shape=[
            jax.ShapeDtypeStruct((1, d), jnp.float32),
            jax.ShapeDtypeStruct((1, d), jnp.float32),
        ],
        scratch_shapes=[pltpu.VMEM((2, d), jnp.float32)],
    )(g4, g4, xt, wxn, bias, gam, bet)


def _dualmm_g_body(ga0_ref, gb0_ref, ga1_ref, gb1_ref, xt_ref, wxn_ref,
                   b1_ref, sp_ref, tp_ref, wa_ref, wb_ref, b2_ref,
                   gam_ref, bet_ref, o_ref, s_ref, t_ref, acc,
                   *, jdim, nsteps, count):
    j = pl.program_id(0)
    i = pl.program_id(1)

    @pl.when((j == 0) & (i == 0))
    def _init():
        acc[...] = jnp.zeros_like(acc)

    sp = sp_ref[...]
    tp = tp_ref[...]
    ya = _gsum(ga0_ref, gb0_ref, xt_ref, wxn_ref, b1_ref)
    yb = _gsum(ga1_ref, gb1_ref, xt_ref, wxn_ref, b1_ref)
    za = jnp.maximum(ya * sp + tp, 0.0)
    zb = jnp.maximum(yb * sp + tp, 0.0)
    y = (jnp.dot(za, wa_ref[0], preferred_element_type=jnp.float32)
         + jnp.dot(zb, wb_ref[0], preferred_element_type=jnp.float32)
         + b2_ref[...])
    o_ref[0] = y
    acc[0:1, :] = acc[0:1, :] + jnp.sum(y, axis=0, keepdims=True)
    acc[1:2, :] = acc[1:2, :] + jnp.sum(y * y, axis=0, keepdims=True)

    @pl.when((j == jdim - 1) & (i == nsteps - 1))
    def _fin():
        _finalize_bn(acc, gam_ref, bet_ref, s_ref, t_ref, count)


def _dualmm_g_call(g4, xt, wxn, b1, sp, tp, w2, b2, gam, bet, rb=2048):
    _, _, m, gw = g4.shape
    d = b2.shape[-1]
    jdim = 2
    nsteps = m // rb
    count = jdim * m
    return pl.pallas_call(
        functools.partial(_dualmm_g_body, jdim=jdim, nsteps=nsteps,
                          count=count),
        grid=(jdim, nsteps),
        in_specs=[
            pl.BlockSpec((1, 1, rb, gw), lambda j, i: (0, 2 * j, i, 0)),
            pl.BlockSpec((1, 1, rb, gw), lambda j, i: (1, 2 * j, i, 0)),
            pl.BlockSpec((1, 1, rb, gw), lambda j, i: (0, 2 * j + 1, i, 0)),
            pl.BlockSpec((1, 1, rb, gw), lambda j, i: (1, 2 * j + 1, i, 0)),
            pl.BlockSpec((8, rb), lambda j, i: (0, i)),
            pl.BlockSpec((8, d), lambda j, i: (0, 0)),
            pl.BlockSpec((1, d), lambda j, i: (0, 0)),
            pl.BlockSpec((1, d), lambda j, i: (0, 0)),
            pl.BlockSpec((1, d), lambda j, i: (0, 0)),
            pl.BlockSpec((1, d, d), lambda j, i: (0, 0, 0)),
            pl.BlockSpec((1, d, d), lambda j, i: (1, 0, 0)),
            pl.BlockSpec((1, d), lambda j, i: (0, 0)),
            pl.BlockSpec((1, d), lambda j, i: (0, 0)),
            pl.BlockSpec((1, d), lambda j, i: (0, 0)),
        ],
        out_specs=[
            pl.BlockSpec((1, rb, d), lambda j, i: (j, i, 0)),
            pl.BlockSpec((1, d), lambda j, i: (0, 0)),
            pl.BlockSpec((1, d), lambda j, i: (0, 0)),
        ],
        out_shape=[
            jax.ShapeDtypeStruct((jdim, m, d), jnp.float32),
            jax.ShapeDtypeStruct((1, d), jnp.float32),
            jax.ShapeDtypeStruct((1, d), jnp.float32),
        ],
        scratch_shapes=[pltpu.VMEM((2, d), jnp.float32)],
    )(g4, g4, g4, g4, xt, wxn, b1, sp, tp, w2, w2, b2, gam, bet)


def _dualmm_body(ya_ref, yb_ref, sp_ref, tp_ref, wa_ref, wb_ref, b_ref,
                 gam_ref, bet_ref, o_ref, s_ref, t_ref, acc,
                 *, jdim, nsteps, count):
    j = pl.program_id(0)
    i = pl.program_id(1)

    @pl.when((j == 0) & (i == 0))
    def _init():
        acc[...] = jnp.zeros_like(acc)

    sp = sp_ref[...]
    tp = tp_ref[...]
    za = jnp.maximum(ya_ref[0] * sp + tp, 0.0)
    zb = jnp.maximum(yb_ref[0] * sp + tp, 0.0)
    y = (jnp.dot(za, wa_ref[0], preferred_element_type=jnp.float32)
         + jnp.dot(zb, wb_ref[0], preferred_element_type=jnp.float32)
         + b_ref[...])
    o_ref[0] = y
    acc[0:1, :] = acc[0:1, :] + jnp.sum(y, axis=0, keepdims=True)
    acc[1:2, :] = acc[1:2, :] + jnp.sum(y * y, axis=0, keepdims=True)

    @pl.when((j == jdim - 1) & (i == nsteps - 1))
    def _fin():
        inv = jnp.float32(1.0 / count)
        mean = acc[0:1, :] * inv
        var = acc[1:2, :] * inv - mean * mean
        sc = gam_ref[...] / jnp.sqrt(var + _EPS)
        s_ref[...] = sc
        t_ref[...] = bet_ref[...] - mean * sc


def _dualmm_call(yk, sp, tp, w2, bias, gam, bet, rb=2048):
    kin, m, d = yk.shape
    jdim = kin // 2
    nsteps = m // rb
    count = jdim * m
    return pl.pallas_call(
        functools.partial(_dualmm_body, jdim=jdim, nsteps=nsteps,
                          count=count),
        grid=(jdim, nsteps),
        in_specs=[
            pl.BlockSpec((1, rb, d), lambda j, i: (2 * j, i, 0)),
            pl.BlockSpec((1, rb, d), lambda j, i: (2 * j + 1, i, 0)),
            pl.BlockSpec((1, d), lambda j, i: (0, 0)),
            pl.BlockSpec((1, d), lambda j, i: (0, 0)),
            pl.BlockSpec((1, d, d), lambda j, i: (0, 0, 0)),
            pl.BlockSpec((1, d, d), lambda j, i: (1, 0, 0)),
            pl.BlockSpec((1, d), lambda j, i: (0, 0)),
            pl.BlockSpec((1, d), lambda j, i: (0, 0)),
            pl.BlockSpec((1, d), lambda j, i: (0, 0)),
        ],
        out_specs=[
            pl.BlockSpec((1, rb, d), lambda j, i: (j, i, 0)),
            pl.BlockSpec((1, d), lambda j, i: (0, 0)),
            pl.BlockSpec((1, d), lambda j, i: (0, 0)),
        ],
        out_shape=[
            jax.ShapeDtypeStruct((jdim, m, d), jnp.float32),
            jax.ShapeDtypeStruct((1, d), jnp.float32),
            jax.ShapeDtypeStruct((1, d), jnp.float32),
        ],
        scratch_shapes=[pltpu.VMEM((2, d), jnp.float32)],
    )(yk, yk, sp, tp, w2, w2, bias, gam, bet)


def _final_body(y_ref, s_ref, t_ref, p_ref, o_ref):
    o_ref[...] = jnp.maximum(
        y_ref[...] * s_ref[...] + t_ref[...] + p_ref[...], 0.0)


def _final_call(y, s, t, pts, rb=2048):
    m, d = y.shape
    return pl.pallas_call(
        _final_body,
        grid=(m // rb,),
        in_specs=[
            pl.BlockSpec((rb, d), lambda i: (i, 0)),
            pl.BlockSpec((1, d), lambda i: (0, 0)),
            pl.BlockSpec((1, d), lambda i: (0, 0)),
            pl.BlockSpec((rb, d), lambda i: (i, 0)),
        ],
        out_specs=pl.BlockSpec((rb, d), lambda i: (i, 0)),
        out_shape=jax.ShapeDtypeStruct((m, d), jnp.float32),
    )(y, s, t, pts)


def _tap_weights(w):
    wx = jnp.stack([w[:, :3, 0, 0].T, w[:, :3, 0, 1].T])
    wx8 = jnp.pad(wx, ((0, 0), (0, 5), (0, 0)))
    wf = jnp.stack([w[:, 3:, 0, 0].T, w[:, 3:, 0, 1].T])
    return wx8, wf


def _pair_weight(w):
    return jnp.stack([w[:, :, 0, 0].T, w[:, :, 0, 1].T])


def kernel(xyz, points, conv1_params, conv2_params):
    b, n, _ = xyz.shape
    c = points.shape[-1]
    m = b * n

    xyz8 = jnp.pad(xyz, ((0, 0), (0, 0), (0, 5)))
    xyzt8 = jnp.transpose(xyz8, (0, 2, 1))
    idx_flat = _select_call(xyz8, xyzt8).reshape(-1)

    xyz8f = xyz8.reshape(m, 8)
    xt = jnp.transpose(xyz8, (2, 0, 1)).reshape(8, m)
    pts = points.reshape(m, c)

    (w1, b1, g1, be1), (w2, b2, g2, be2), (w3, b3, g3, be3) = conv1_params
    (v1, c1, h1, ce1), (v2, c2, h2, ce2), (v3, c3, h3, ce3) = conv2_params

    wx8, wf = _tap_weights(w1)
    tt = _table_call(pts, xyz8f, wf, wx8)
    gw = tt.shape[-1]
    o = b1.shape[0]
    gg = _sc_gather_call(tt.reshape(2 * m, gw), idx_flat)
    wxn = -(wx8[0] + wx8[1])
    gg4 = gg.reshape(2, 4, m, gw)
    s1, t1 = _gstats_call(gg4, xt, wxn, b1[None], g1[None], be1[None])
    y2, s2, t2 = _dualmm_g_call(gg4, xt, wxn, b1[None], s1, t1,
                                _pair_weight(w2), b2[None],
                                g2[None], be2[None])
    y3, s3, t3 = _dualmm_call(y2, s2, t2, _pair_weight(w3),
                              b3[None], g3[None], be3[None])

    vx8, vf = _tap_weights(v1)
    uu = _table_affine_call(y3.reshape(m, o), s3, t3, xyz8f, vf, vx8)
    hh = _sc_gather_call(uu.reshape(2 * m, gw), idx_flat)
    vxn = -(vx8[0] + vx8[1])
    hh4 = hh.reshape(2, 4, m, gw)
    s4, t4 = _gstats_call(hh4, xt, vxn, c1[None], h1[None], ce1[None])
    y5, s5, t5 = _dualmm_g_call(hh4, xt, vxn, c1[None], s4, t4,
                                _pair_weight(v2), c2[None],
                                h2[None], ce2[None])
    y6, s6, t6 = _dualmm_call(y5, s5, t5, _pair_weight(v3),
                              c3[None], h3[None], ce3[None])

    out = _final_call(y6.reshape(m, o), s6, t6, pts)
    return (xyz, out.reshape(b, n, o))

# --- scband reference (transcript-rebuilt; emitter-appended) ---
"""Pipeline reference for scband-point-sift-4389456577478 (READ-ONLY COPY).

The authoritative reference and input builder live on the scoring server;
editing this copy changes nothing except your own understanding.
"""

import jax, jax.numpy as jnp
import numpy as np

B, N, C, O = 8, 1024, 256, 256
RADIUS = 0.2


def index_points(points, idx):
    # points: [B, N, C], idx: [B, N, 8] -> [B, N, 8, C]
    return jax.vmap(lambda p, i: p[i])(points, idx)


def pointsift_select(radius, xyz):
    # vectorized, faithful to the torch per-center loop:
    # for each center n and each of 8 spatial octants, pick the nearest point
    # within radius in that octant; fall back to n itself if none.
    Bn, Nn, _ = xyz.shape
    r2 = radius * radius
    diff = xyz[:, None, :, :] - xyz[:, :, None, :]  # [B, n(center), p, 3] = xyz[p]-xyz[n]
    dist = jnp.sum(diff * diff, -1)                 # [B, N, N]
    t = jnp.trunc(diff + 1.0).astype(jnp.int32)     # torch .int() truncates toward zero
    sub = t[..., 0] * 4 + t[..., 1] * 2 + t[..., 2]  # octant id per (n, p)
    eye = jnp.eye(Nn, dtype=bool)[None]
    cols = []
    for i in range(8):
        mask = (sub == i) & (dist > 1e-10) & (dist < r2)
        val = jnp.where(mask, dist, 1e10)
        val = jnp.where(eye, r2, val)  # distance[:, n, :] = judge_dist at p == n
        cols.append(jnp.argmin(val, axis=-1))  # [B, N]
    return jnp.stack(cols, -1)  # [B, N, 8] int32


def conv_bn(x, W, b, g, beta, relu=True):
    # Conv2d kernel (1,2) stride (1,2) + BatchNorm2d (training-mode batch stats) [+ ReLU]
    y = jax.lax.conv_general_dilated(x, W, (1, 2), 'VALID',
                                     dimension_numbers=('NCHW', 'OIHW', 'NCHW'))
    y = y + b[None, :, None, None]
    m = jnp.mean(y, axis=(0, 2, 3), keepdims=True)
    v = jnp.var(y, axis=(0, 2, 3), keepdims=True)
    y = g[None, :, None, None] * (y - m) / jnp.sqrt(v + 1e-5) + beta[None, :, None, None]
    if relu:
        y = jax.nn.relu(y)
    return y


def _make_params(key, dims):
    ps = []
    for j, (ci, co) in enumerate(dims):
        k1, k2 = jax.random.split(jax.random.fold_in(key, j))
        W = jax.random.normal(k1, (co, ci, 1, 2), jnp.float32) * np.float32(1.0 / np.sqrt(ci * 2))
        b = jax.random.normal(k2, (co,), jnp.float32) * 0.01
        ps.append((W, b, jnp.ones((co,), jnp.float32), jnp.zeros((co,), jnp.float32)))
    return ps


def setup_inputs(seed: int = 0) -> dict:
    key = jax.random.key(seed)
    ks = jax.random.split(key, 4)
    xyz = jax.random.normal(ks[0], (B, N, 3), jnp.float32)
    points = jax.random.normal(ks[1], (B, N, C), jnp.float32)
    conv1_params = _make_params(ks[2], [(3 + C, O), (O, O), (O, O)])
    conv2_params = _make_params(ks[3], [(3 + O, O), (O, O), (O, O)])
    return {"xyz": xyz, "points": points,
            "conv1_params": conv1_params, "conv2_params": conv2_params}


def _forward(xyz, points, conv1_params, conv2_params):
    idx = pointsift_select(RADIUS, xyz)
    grouped_xyz = index_points(xyz, idx) - xyz[:, :, None, :]  # [B, N, 8, 3]
    grouped = jnp.concatenate([grouped_xyz, index_points(points, idx)], -1)  # [B, N, 8, 3+C]
    x = jnp.transpose(grouped, (0, 3, 1, 2))  # [B, 3+C, N, 8]
    for (W, b, g, be) in conv1_params:
        x = conv_bn(x, W, b, g, be, relu=True)
    new_points = jnp.transpose(x[..., 0], (0, 2, 1))  # [B, N, O]
    grouped2 = jnp.concatenate([grouped_xyz, index_points(new_points, idx)], -1)
    x = jnp.transpose(grouped2, (0, 3, 1, 2))
    for j, (W, b, g, be) in enumerate(conv2_params):
        x = conv_bn(x, W, b, g, be, relu=(j < 2))
    x = x[..., 0]  # [B, O, N]
    x = x + jnp.transpose(points, (0, 2, 1))  # merge == 'add'
    x = jax.nn.relu(x)
    return jnp.transpose(x, (0, 2, 1))  # [B, N, O]


def reference(xyz, points, conv1_params, conv2_params):
    return (xyz, _forward(xyz, points, conv1_params, conv2_params))

if __name__ == "__main__":
    import jax
    _d = setup_inputs()
    print(jax.jit(kernel)(*tuple(_d.values())))

</pallas_src>

<mosaic_0001>
#map = affine_map<(d0, d1) -> (0, 0)>
#map1 = affine_map<(d0, d1) -> (0)>
module attributes {stable_mosaic.version = 14 : i64} {
  func.func @gk(%arg0: i32, %arg1: i32, %arg2: memref<16384x128xi32, #tpu.memory_space<hbm>>, %arg3: memref<65536xi32, #tpu.memory_space<hbm>>, %arg4: memref<65536x128xi32, #tpu.memory_space<hbm>>, %arg5: memref<2048xi32, #tpu.memory_space<vmem>>, %arg6: memref<128x128xi32, #tpu.memory_space<vmem>>, %arg7: memref<128x128xi32, #tpu.memory_space<vmem>>, %arg8: memref<128x128xi32, #tpu.memory_space<vmem>>, %arg9: memref<128x128xi32, #tpu.memory_space<vmem>>, %arg10: memref<!tpu.dma_semaphore, #tpu.memory_space<semaphore_mem>>, %arg11: memref<!tpu.dma_semaphore, #tpu.memory_space<semaphore_mem>>, %arg12: memref<!tpu.dma_semaphore, #tpu.memory_space<semaphore_mem>>, %arg13: memref<!tpu.dma_semaphore, #tpu.memory_space<semaphore_mem>>, %arg14: memref<!tpu.dma_semaphore, #tpu.memory_space<semaphore_mem>>, %arg15: memref<!tpu.dma_semaphore, #tpu.memory_space<semaphore_mem>>, %arg16: memref<!tpu.dma_semaphore, #tpu.memory_space<semaphore_mem>>, %arg17: memref<!tpu.dma_semaphore, #tpu.memory_space<semaphore_mem>>) attributes {dimension_semantics = [#tpu.dimension_semantics<core_parallel>, #tpu.dimension_semantics<subcore_parallel>], iteration_bounds = array<i64: 2, 16>, scalar_prefetch = 0 : i64, scratch_operands = 13 : i64, tpu.core_type = #tpu.core_type<sc_vector_subcore>, window_params = [{transform_indices = #map}, {transform_indices = #map1}, {transform_indices = #map}]} {
    %mul3A = arith.constant 2 : i32
    %mul3A_0 = arith.muli %arg1, %mul3A : i32
    %add3A = arith.addi %mul3A_0, %arg0 : i32
    %mul3A_1 = arith.constant 2048 : i32
    %mul3A_2 = arith.muli %add3A, %mul3A_1 : i32
    "tpu.region"() ({
      %run_scoped3A = tpu.sem_alloc : memref<!tpu.dma_semaphore, #tpu.memory_space<semaphore_mem>>
      %dma_start3A_321 = tpu.memref_slice %arg3[%mul3A_2] : memref<65536xi32, #tpu.memory_space<hbm>> -> memref<2048xi32, #tpu.memory_space<hbm>>
      %dma_start3A_322 = tpu.memref_slice %arg3[%mul3A_2] : memref<65536xi32, #tpu.memory_space<hbm>> -> memref<2048xi32, #tpu.memory_space<hbm>>
      tpu.enqueue_dma source(%dma_start3A_322 : memref<2048xi32, #tpu.memory_space<hbm>>) target(%arg5 : memref<2048xi32, #tpu.memory_space<vmem>>) target_semaphore(%run_scoped3A : memref<!tpu.dma_semaphore, #tpu.memory_space<semaphore_mem>>)
      %dma_wait3A_323 = tpu.memref_slice %arg3[%mul3A_2] : memref<65536xi32, #tpu.memory_space<hbm>> -> memref<2048xi32, #tpu.memory_space<hbm>>
      %dma_wait3A_324 = tpu.memref_slice %arg3[%mul3A_2] : memref<65536xi32, #tpu.memory_space<hbm>> -> memref<2048xi32, #tpu.memory_space<hbm>>
      tpu.wait_dma2 semaphore(%run_scoped3A : memref<!tpu.dma_semaphore, #tpu.memory_space<semaphore_mem>>) src(%dma_wait3A_324 : memref<2048xi32, #tpu.memory_space<hbm>>) dst(%arg5 : memref<2048xi32, #tpu.memory_space<vmem>>)
      tpu.yield
    }) : () -> ()
    %dma_start3A = arith.constant 0 : i32
    %dma_start3A_3 = tpu.memref_slice %arg5[%dma_start3A] : memref<2048xi32, #tpu.memory_space<vmem>> -> memref<128xi32, #tpu.memory_space<vmem>>
    %dma_start3A_4 = arith.constant 0 : i32
    %dma_start3A_5 = arith.constant 0 : i32
    %dma_start3A_6 = tpu.memref_slice %arg2[%dma_start3A_4, %dma_start3A_5] : memref<16384x128xi32, #tpu.memory_space<hbm>> -> memref<16384x128xi32, #tpu.memory_space<hbm>>
    tpu.enqueue_indirect_dma source(%dma_start3A_6 : memref<16384x128xi32, #tpu.memory_space<hbm>>) target(%arg6 : memref<128x128xi32, #tpu.memory_space<vmem>>) offsets(%dma_start3A_3 : memref<128xi32, #tpu.memory_space<vmem>>) semaphore(%arg10 : memref<!tpu.dma_semaphore, #tpu.memory_space<semaphore_mem>>)
    %dma_start3A_7 = arith.constant 128 : i32
    %dma_start3A_8 = tpu.memref_slice %arg5[%dma_start3A_7] : memref<2048xi32, #tpu.memory_space<vmem>> -> memref<128xi32, #tpu.memory_space<vmem>>
    %dma_start3A_9 = arith.constant 0 : i32
    %dma_start3A_10 = arith.constant 0 : i32
    %dma_start3A_11 = tpu.memref_slice %arg2[%dma_start3A_9, %dma_start3A_10] : memref<16384x128xi32, #tpu.memory_space<hbm>> -> memref<16384x128xi32, #tpu.memory_space<hbm>>
    tpu.enqueue_indirect_dma source(%dma_start3A_11 : memref<16384x128xi32, #tpu.memory_space<hbm>>) target(%arg7 : memref<128x128xi32, #tpu.memory_space<vmem>>) offsets(%dma_start3A_8 : memref<128xi32, #tpu.memory_space<vmem>>) semaphore(%arg11 : memref<!tpu.dma_semaphore, #tpu.memory_space<semaphore_mem>>)
    %dma_start3A_12 = arith.constant 256 : i32
    %dma_start3A_13 = tpu.memref_slice %arg5[%dma_start3A_12] : memref<2048xi32, #tpu.memory_space<vmem>> -> memref<128xi32, #tpu.memory_space<vmem>>
    %dma_start3A_14 = arith.constant 0 : i32
    %dma_start3A_15 = arith.constant 0 : i32
    %dma_start3A_16 = tpu.memref_slice %arg2[%dma_start3A_14, %dma_start3A_15] : memref<16384x128xi32, #tpu.memory_space<hbm>> -> memref<16384x128xi32, #tpu.memory_space<hbm>>
    tpu.enqueue_indirect_dma source(%dma_start3A_16 : memref<16384x128xi32, #tpu.memory_space<hbm>>) target(%arg8 : memref<128x128xi32, #tpu.memory_space<vmem>>) offsets(%dma_start3A_13 : memref<128xi32, #tpu.memory_space<vmem>>) semaphore(%arg12 : memref<!tpu.dma_semaphore, #tpu.memory_space<semaphore_mem>>)
    %dma_start3A_17 = arith.constant 384 : i32
    %dma_start3A_18 = tpu.memref_slice %arg5[%dma_start3A_17] : memref<2048xi32, #tpu.memory_space<vmem>> -> memref<128xi32, #tpu.memory_space<vmem>>
    %dma_start3A_19 = arith.constant 0 : i32
    %dma_start3A_20 = arith.constant 0 : i32
    %dma_start3A_21 = tpu.memref_slice %arg2[%dma_start3A_19, %dma_start3A_20] : memref<16384x128xi32, #tpu.memory_space<hbm>> -> memref<16384x128xi32, #tpu.memory_space<hbm>>
    tpu.enqueue_indirect_dma source(%dma_start3A_21 : memref<16384x128xi32, #tpu.memory_space<hbm>>) target(%arg9 : memref<128x128xi32, #tpu.memory_space<vmem>>) offsets(%dma_start3A_18 : memref<128xi32, #tpu.memory_space<vmem>>) semaphore(%arg13 : memref<!tpu.dma_semaphore, #tpu.memory_space<semaphore_mem>>)
    %dma_wait3A = arith.constant 0 : i32
    %dma_wait3A_22 = tpu.memref_slice %arg5[%dma_wait3A] : memref<2048xi32, #tpu.memory_space<vmem>> -> memref<128xi32, #tpu.memory_space<vmem>>
    %dma_wait3A_23 = arith.constant 0 : i32
    %dma_wait3A_24 = arith.constant 0 : i32
    %dma_wait3A_25 = tpu.memref_slice %arg2[%dma_wait3A_23, %dma_wait3A_24] : memref<16384x128xi32, #tpu.memory_space<hbm>> -> memref<16384x128xi32, #tpu.memory_space<hbm>>
    tpu.wait_indirect_dma semaphore(%arg10 : memref<!tpu.dma_semaphore, #tpu.memory_space<semaphore_mem>>) src(%dma_wait3A_25 : memref<16384x128xi32, #tpu.memory_space<hbm>>) dst(%arg6 : memref<128x128xi32, #tpu.memory_space<vmem>>)
    %add3A_26 = arith.constant 0 : i32
    %add3A_27 = arith.addi %mul3A_2, %add3A_26 : i32
    %dma_start3A_28 = arith.constant 0 : i32
    %dma_start3A_29 = tpu.memref_slice %arg4[%add3A_27, %dma_start3A_28] : memref<65536x128xi32, #tpu.memory_space<hbm>> -> memref<128x128xi32, #tpu.memory_space<hbm>>
    %dma_start3A_30 = arith.constant 0 : i32
    %dma_start3A_31 = tpu.memref_slice %arg4[%add3A_27, %dma_start3A_30] : memref<65536x128xi32, #tpu.memory_space<hbm>> -> memref<128x128xi32, #tpu.memory_space<hbm>>
    tpu.enqueue_dma source(%arg6 : memref<128x128xi32, #tpu.memory_space<vmem>>) target(%dma_start3A_31 : memref<128x128xi32, #tpu.memory_space<hbm>>) target_semaphore(%arg14 : memref<!tpu.dma_semaphore, #tpu.memory_space<semaphore_mem>>)
    %dma_wait3A_32 = arith.constant 0 : i32
    %dma_wait3A_33 = tpu.memref_slice %arg4[%add3A_27, %dma_wait3A_32] : memref<65536x128xi32, #tpu.memory_space<hbm>> -> memref<128x128xi32, #tpu.memory_space<hbm>>
    %dma_wait3A_34 = arith.constant 0 : i32
    %dma_wait3A_35 = tpu.memref_slice %arg4[%add3A_27, %dma_wait3A_34] : memref<65536x128xi32, #tpu.memory_space<hbm>> -> memref<128x128xi32, #tpu.memory_space<hbm>>
    tpu.wait_dma2 semaphore(%arg14 : memref<!tpu.dma_semaphore, #tpu.memory_space<semaphore_mem>>) src(%arg6 : memref<128x128xi32, #tpu.memory_space<vmem>>) dst(%dma_wait3A_35 : memref<128x128xi32, #tpu.memory_space<hbm>>)
    %dma_start3A_36 = arith.constant 512 : i32
    %dma_start3A_37 = tpu.memref_slice %arg5[%dma_start3A_36] : memref<2048xi32, #tpu.memory_space<vmem>> -> memref<128xi32, #tpu.memory_space<vmem>>
    %dma_start3A_38 = arith.constant 0 : i32
    %dma_start3A_39 = arith.constant 0 : i32
    %dma_start3A_40 = tpu.memref_slice %arg2[%dma_start3A_38, %dma_start3A_39] : memref<16384x128xi32, #tpu.memory_space<hbm>> -> memref<16384x128xi32, #tpu.memory_space<hbm>>
    tpu.enqueue_indirect_dma source(%dma_start3A_40 : memref<16384x128xi32, #tpu.memory_space<hbm>>) target(%arg6 : memref<128x128xi32, #tpu.memory_space<vmem>>) offsets(%dma_start3A_37 : memref<128xi32, #tpu.memory_space<vmem>>) semaphore(%arg10 : memref<!tpu.dma_semaphore, #tpu.memory_space<semaphore_mem>>)
    %dma_wait3A_41 = arith.constant 128 : i32
    %dma_wait3A_42 = tpu.memref_slice %arg5[%dma_wait3A_41] : memref<2048xi32, #tpu.memory_space<vmem>> -> memref<128xi32, #tpu.memory_space<vmem>>
    %dma_wait3A_43 = arith.constant 0 : i32
    %dma_wait3A_44 = arith.constant 0 : i32
    %dma_wait3A_45 = tpu.memref_slice %arg2[%dma_wait3A_43, %dma_wait3A_44] : memref<16384x128xi32, #tpu.memory_space<hbm>> -> memref<16384x128xi32, #tpu.memory_space<hbm>>
    tpu.wait_indirect_dma semaphore(%arg11 : memref<!tpu.dma_semaphore, #tpu.memory_space<semaphore_mem>>) src(%dma_wait3A_45 : memref<16384x128xi32, #tpu.memory_space<hbm>>) dst(%arg7 : memref<128x128xi32, #tpu.memory_space<vmem>>)
    %add3A_46 = arith.constant 128 : i32
    %add3A_47 = arith.addi %mul3A_2, %add3A_46 : i32
    %dma_start3A_48 = arith.constant 0 : i32
    %dma_start3A_49 = tpu.memref_slice %arg4[%add3A_47, %dma_start3A_48] : memref<65536x128xi32, #tpu.memory_space<hbm>> -> memref<128x128xi32, #tpu.memory_space<hbm>>
    %dma_start3A_50 = arith.constant 0 : i32
    %dma_start3A_51 = tpu.memref_slice %arg4[%add3A_47, %dma_start3A_50] : memref<65536x128xi32, #tpu.memory_space<hbm>> -> memref<128x128xi32, #tpu.memory_space<hbm>>
    tpu.enqueue_dma source(%arg7 : memref<128x128xi32, #tpu.memory_space<vmem>>) target(%dma_start3A_51 : memref<128x128xi32, #tpu.memory_space<hbm>>) target_semaphore(%arg15 : memref<!tpu.dma_semaphore, #tpu.memory_space<semaphore_mem>>)
    %dma_wait3A_52 = arith.constant 0 : i32
    %dma_wait3A_53 = tpu.memref_slice %arg4[%add3A_47, %dma_wait3A_52] : memref<65536x128xi32, #tpu.memory_space<hbm>> -> memref<128x128xi32, #tpu.memory_space<hbm>>
    %dma_wait3A_54 = arith.constant 0 : i32
    %dma_wait3A_55 = tpu.memref_slice %arg4[%add3A_47, %dma_wait3A_54] : memref<65536x128xi32, #tpu.memory_space<hbm>> -> memref<128x128xi32, #tpu.memory_space<hbm>>
    tpu.wait_dma2 semaphore(%arg15 : memref<!tpu.dma_semaphore, #tpu.memory_space<semaphore_mem>>) src(%arg7 : memref<128x128xi32, #tpu.memory_space<vmem>>) dst(%dma_wait3A_55 : memref<128x128xi32, #tpu.memory_space<hbm>>)
    %dma_start3A_56 = arith.constant 640 : i32
    %dma_start3A_57 = tpu.memref_slice %arg5[%dma_start3A_56] : memref<2048xi32, #tpu.memory_space<vmem>> -> memref<128xi32, #tpu.memory_space<vmem>>
    %dma_start3A_58 = arith.constant 0 : i32
    %dma_start3A_59 = arith.constant 0 : i32
    %dma_start3A_60 = tpu.memref_slice %arg2[%dma_start3A_58, %dma_start3A_59] : memref<16384x128xi32, #tpu.memory_space<hbm>> -> memref<16384x128xi32, #tpu.memory_space<hbm>>
    tpu.enqueue_indirect_dma source(%dma_start3A_60 : memref<16384x128xi32, #tpu.memory_space<hbm>>) target(%arg7 : memref<128x128xi32, #tpu.memory_space<vmem>>) offsets(%dma_start3A_57 : memref<128xi32, #tpu.memory_space<vmem>>) semaphore(%arg11 : memref<!tpu.dma_semaphore, #tpu.memory_space<semaphore_mem>>)
    %dma_wait3A_61 = arith.constant 256 : i32
    %dma_wait3A_62 = tpu.memref_slice %arg5[%dma_wait3A_61] : memref<2048xi32, #tpu.memory_space<vmem>> -> memref<128xi32, #tpu.memory_space<vmem>>
    %dma_wait3A_63 = arith.constant 0 : i32
    %dma_wait3A_64 = arith.constant 0 : i32
    %dma_wait3A_65 = tpu.memref_slice %arg2[%dma_wait3A_63, %dma_wait3A_64] : memref<16384x128xi32, #tpu.memory_space<hbm>> -> memref<16384x128xi32, #tpu.memory_space<hbm>>
    tpu.wait_indirect_dma semaphore(%arg12 : memref<!tpu.dma_semaphore, #tpu.memory_space<semaphore_mem>>) src(%dma_wait3A_65 : memref<16384x128xi32, #tpu.memory_space<hbm>>) dst(%arg8 : memref<128x128xi32, #tpu.memory_space<vmem>>)
    %add3A_66 = arith.constant 256 : i32
    %add3A_67 = arith.addi %mul3A_2, %add3A_66 : i32
    %dma_start3A_68 = arith.constant 0 : i32
    %dma_start3A_69 = tpu.memref_slice %arg4[%add3A_67, %dma_start3A_68] : memref<65536x128xi32, #tpu.memory_space<hbm>> -> memref<128x128xi32, #tpu.memory_space<hbm>>
    %dma_start3A_70 = arith.constant 0 : i32
    %dma_start3A_71 = tpu.memref_slice %arg4[%add3A_67, %dma_start3A_70] : memref<65536x128xi32, #tpu.memory_space<hbm>> -> memref<128x128xi32, #tpu.memory_space<hbm>>
    tpu.enqueue_dma source(%arg8 : memref<128x128xi32, #tpu.memory_space<vmem>>) target(%dma_start3A_71 : memref<128x128xi32, #tpu.memory_space<hbm>>) target_semaphore(%arg16 : memref<!tpu.dma_semaphore, #tpu.memory_space<semaphore_mem>>)
    %dma_wait3A_72 = arith.constant 0 : i32
    %dma_wait3A_73 = tpu.memref_slice %arg4[%add3A_67, %dma_wait3A_72] : memref<65536x128xi32, #tpu.memory_space<hbm>> -> memref<128x128xi32, #tpu.memory_space<hbm>>
    %dma_wait3A_74 = arith.constant 0 : i32
    %dma_wait3A_75 = tpu.memref_slice %arg4[%add3A_67, %dma_wait3A_74] : memref<65536x128xi32, #tpu.memory_space<hbm>> -> memref<128x128xi32, #tpu.memory_space<hbm>>
    tpu.wait_dma2 semaphore(%arg16 : memref<!tpu.dma_semaphore, #tpu.memory_space<semaphore_mem>>) src(%arg8 : memref<128x128xi32, #tpu.memory_space<vmem>>) dst(%dma_wait3A_75 : memref<128x128xi32, #tpu.memory_space<hbm>>)
    %dma_start3A_76 = arith.constant 768 : i32
    %dma_start3A_77 = tpu.memref_slice %arg5[%dma_start3A_76] : memref<2048xi32, #tpu.memory_space<vmem>> -> memref<128xi32, #tpu.memory_space<vmem>>
    %dma_start3A_78 = arith.constant 0 : i32
    %dma_start3A_79 = arith.constant 0 : i32
    %dma_start3A_80 = tpu.memref_slice %arg2[%dma_start3A_78, %dma_start3A_79] : memref<16384x128xi32, #tpu.memory_space<hbm>> -> memref<16384x128xi32, #tpu.memory_space<hbm>>
    tpu.enqueue_indirect_dma source(%dma_start3A_80 : memref<16384x128xi32, #tpu.memory_space<hbm>>) target(%arg8 : memref<128x128xi32, #tpu.memory_space<vmem>>) offsets(%dma_start3A_77 : memref<128xi32, #tpu.memory_space<vmem>>) semaphore(%arg12 : memref<!tpu.dma_semaphore, #tpu.memory_space<semaphore_mem>>)
    %dma_wait3A_81 = arith.constant 384 : i32
    %dma_wait3A_82 = tpu.memref_slice %arg5[%dma_wait3A_81] : memref<2048xi32, #tpu.memory_space<vmem>> -> memref<128xi32, #tpu.memory_space<vmem>>
    %dma_wait3A_83 = arith.constant 0 : i32
    %dma_wait3A_84 = arith.constant 0 : i32
    %dma_wait3A_85 = tpu.memref_slice %arg2[%dma_wait3A_83, %dma_wait3A_84] : memref<16384x128xi32, #tpu.memory_space<hbm>> -> memref<16384x128xi32, #tpu.memory_space<hbm>>
    tpu.wait_indirect_dma semaphore(%arg13 : memref<!tpu.dma_semaphore, #tpu.memory_space<semaphore_mem>>) src(%dma_wait3A_85 : memref<16384x128xi32, #tpu.memory_space<hbm>>) dst(%arg9 : memref<128x128xi32, #tpu.memory_space<vmem>>)
    %add3A_86 = arith.constant 384 : i32
    %add3A_87 = arith.addi %mul3A_2, %add3A_86 : i32
    %dma_start3A_88 = arith.constant 0 : i32
    %dma_start3A_89 = tpu.memref_slice %arg4[%add3A_87, %dma_start3A_88] : memref<65536x128xi32, #tpu.memory_space<hbm>> -> memref<128x128xi32, #tpu.memory_space<hbm>>
    %dma_start3A_90 = arith.constant 0 : i32
    %dma_start3A_91 = tpu.memref_slice %arg4[%add3A_87, %dma_start3A_90] : memref<65536x128xi32, #tpu.memory_space<hbm>> -> memref<128x128xi32, #tpu.memory_space<hbm>>
    tpu.enqueue_dma source(%arg9 : memref<128x128xi32, #tpu.memory_space<vmem>>) target(%dma_start3A_91 : memref<128x128xi32, #tpu.memory_space<hbm>>) target_semaphore(%arg17 : memref<!tpu.dma_semaphore, #tpu.memory_space<semaphore_mem>>)
    %dma_wait3A_92 = arith.constant 0 : i32
    %dma_wait3A_93 = tpu.memref_slice %arg4[%add3A_87, %dma_wait3A_92] : memref<65536x128xi32, #tpu.memory_space<hbm>> -> memref<128x128xi32, #tpu.memory_space<hbm>>
    %dma_wait3A_94 = arith.constant 0 : i32
    %dma_wait3A_95 = tpu.memref_slice %arg4[%add3A_87, %dma_wait3A_94] : memref<65536x128xi32, #tpu.memory_space<hbm>> -> memref<128x128xi32, #tpu.memory_space<hbm>>
    tpu.wait_dma2 semaphore(%arg17 : memref<!tpu.dma_semaphore, #tpu.memory_space<semaphore_mem>>) src(%arg9 : memref<128x128xi32, #tpu.memory_space<vmem>>) dst(%dma_wait3A_95 : memref<128x128xi32, #tpu.memory_space<hbm>>)
    %dma_start3A_96 = arith.constant 896 : i32
    %dma_start3A_97 = tpu.memref_slice %arg5[%dma_start3A_96] : memref<2048xi32, #tpu.memory_space<vmem>> -> memref<128xi32, #tpu.memory_space<vmem>>
    %dma_start3A_98 = arith.constant 0 : i32
    %dma_start3A_99 = arith.constant 0 : i32
    %dma_start3A_100 = tpu.memref_slice %arg2[%dma_start3A_98, %dma_start3A_99] : memref<16384x128xi32, #tpu.memory_space<hbm>> -> memref<16384x128xi32, #tpu.memory_space<hbm>>
    tpu.enqueue_indirect_dma source(%dma_start3A_100 : memref<16384x128xi32, #tpu.memory_space<hbm>>) target(%arg9 : memref<128x128xi32, #tpu.memory_space<vmem>>) offsets(%dma_start3A_97 : memref<128xi32, #tpu.memory_space<vmem>>) semaphore(%arg13 : memref<!tpu.dma_semaphore, #tpu.memory_space<semaphore_mem>>)
    %dma_wait3A_101 = arith.constant 512 : i32
    %dma_wait3A_102 = tpu.memref_slice %arg5[%dma_wait3A_101] : memref<2048xi32, #tpu.memory_space<vmem>> -> memref<128xi32, #tpu.memory_space<vmem>>
    %dma_wait3A_103 = arith.constant 0 : i32
    %dma_wait3A_104 = arith.constant 0 : i32
    %dma_wait3A_105 = tpu.memref_slice %arg2[%dma_wait3A_103, %dma_wait3A_104] : memref<16384x128xi32, #tpu.memory_space<hbm>> -> memref<16384x128xi32, #tpu.memory_space<hbm>>
    tpu.wait_indirect_dma semaphore(%arg10 : memref<!tpu.dma_semaphore, #tpu.memory_space<semaphore_mem>>) src(%dma_wait3A_105 : memref<16384x128xi32, #tpu.memory_space<hbm>>) dst(%arg6 : memref<128x128xi32, #tpu.memory_space<vmem>>)
    %add3A_106 = arith.constant 512 : i32
    %add3A_107 = arith.addi %mul3A_2, %add3A_106 : i32
    %dma_start3A_108 = arith.constant 0 : i32
    %dma_start3A_109 = tpu.memref_slice %arg4[%add3A_107, %dma_start3A_108] : memref<65536x128xi32, #tpu.memory_space<hbm>> -> memref<128x128xi32, #tpu.memory_space<hbm>>
    %dma_start3A_110 = arith.constant 0 : i32
    %dma_start3A_111 = tpu.memref_slice %arg4[%add3A_107, %dma_start3A_110] : memref<65536x128xi32, #tpu.memory_space<hbm>> -> memref<128x128xi32, #tpu.memory_space<hbm>>
    tpu.enqueue_dma source(%arg6 : memref<128x128xi32, #tpu.memory_space<vmem>>) target(%dma_start3A_111 : memref<128x128xi32, #tpu.memory_space<hbm>>) target_semaphore(%arg14 : memref<!tpu.dma_semaphore, #tpu.memory_space<semaphore_mem>>)
    %dma_wait3A_112 = arith.constant 0 : i32
    %dma_wait3A_113 = tpu.memref_slice %arg4[%add3A_107, %dma_wait3A_112] : memref<65536x128xi32, #tpu.memory_space<hbm>> -> memref<128x128xi32, #tpu.memory_space<hbm>>
    %dma_wait3A_114 = arith.constant 0 : i32
    %dma_wait3A_115 = tpu.memref_slice %arg4[%add3A_107, %dma_wait3A_114] : memref<65536x128xi32, #tpu.memory_space<hbm>> -> memref<128x128xi32, #tpu.memory_space<hbm>>
    tpu.wait_dma2 semaphore(%arg14 : memref<!tpu.dma_semaphore, #tpu.memory_space<semaphore_mem>>) src(%arg6 : memref<128x128xi32, #tpu.memory_space<vmem>>) dst(%dma_wait3A_115 : memref<128x128xi32, #tpu.memory_space<hbm>>)
    %dma_start3A_116 = arith.constant 1024 : i32
    %dma_start3A_117 = tpu.memref_slice %arg5[%dma_start3A_116] : memref<2048xi32, #tpu.memory_space<vmem>> -> memref<128xi32, #tpu.memory_space<vmem>>
    %dma_start3A_118 = arith.constant 0 : i32
    %dma_start3A_119 = arith.constant 0 : i32
    %dma_start3A_120 = tpu.memref_slice %arg2[%dma_start3A_118, %dma_start3A_119] : memref<16384x128xi32, #tpu.memory_space<hbm>> -> memref<16384x128xi32, #tpu.memory_space<hbm>>
    tpu.enqueue_indirect_dma source(%dma_start3A_120 : memref<16384x128xi32, #tpu.memory_space<hbm>>) target(%arg6 : memref<128x128xi32, #tpu.memory_space<vmem>>) offsets(%dma_start3A_117 : memref<128xi32, #tpu.memory_space<vmem>>) semaphore(%arg10 : memref<!tpu.dma_semaphore, #tpu.memory_space<semaphore_mem>>)
    %dma_wait3A_121 = arith.constant 640 : i32
    %dma_wait3A_122 = tpu.memref_slice %arg5[%dma_wait3A_121] : memref<2048xi32, #tpu.memory_space<vmem>> -> memref<128xi32, #tpu.memory_space<vmem>>
    %dma_wait3A_123 = arith.constant 0 : i32
    %dma_wait3A_124 = arith.constant 0 : i32
    %dma_wait3A_125 = tpu.memref_slice %arg2[%dma_wait3A_123, %dma_wait3A_124] : memref<16384x128xi32, #tpu.memory_space<hbm>> -> memref<16384x128xi32, #tpu.memory_space<hbm>>
    tpu.wait_indirect_dma semaphore(%arg11 : memref<!tpu.dma_semaphore, #tpu.memory_space<semaphore_mem>>) src(%dma_wait3A_125 : memref<16384x128xi32, #tpu.memory_space<hbm>>) dst(%arg7 : memref<128x128xi32, #tpu.memory_space<vmem>>)
    %add3A_126 = arith.constant 640 : i32
    %add3A_127 = arith.addi %mul3A_2, %add3A_126 : i32
    %dma_start3A_128 = arith.constant 0 : i32
    %dma_start3A_129 = tpu.memref_slice %arg4[%add3A_127, %dma_start3A_128] : memref<65536x128xi32, #tpu.memory_space<hbm>> -> memref<128x128xi32, #tpu.memory_space<hbm>>
    %dma_start3A_130 = arith.constant 0 : i32
    %dma_start3A_131 = tpu.memref_slice %arg4[%add3A_127, %dma_start3A_130] : memref<65536x128xi32, #tpu.memory_space<hbm>> -> memref<128x128xi32, #tpu.memory_space<hbm>>
    tpu.enqueue_dma source(%arg7 : memref<128x128xi32, #tpu.memory_space<vmem>>) target(%dma_start3A_131 : memref<128x128xi32, #tpu.memory_space<hbm>>) target_semaphore(%arg15 : memref<!tpu.dma_semaphore, #tpu.memory_space<semaphore_mem>>)
    %dma_wait3A_132 = arith.constant 0 : i32
    %dma_wait3A_133 = tpu.memref_slice %arg4[%add3A_127, %dma_wait3A_132] : memref<65536x128xi32, #tpu.memory_space<hbm>> -> memref<128x128xi32, #tpu.memory_space<hbm>>
    %dma_wait3A_134 = arith.constant 0 : i32
    %dma_wait3A_135 = tpu.memref_slice %arg4[%add3A_127, %dma_wait3A_134] : memref<65536x128xi32, #tpu.memory_space<hbm>> -> memref<128x128xi32, #tpu.memory_space<hbm>>
    tpu.wait_dma2 semaphore(%arg15 : memref<!tpu.dma_semaphore, #tpu.memory_space<semaphore_mem>>) src(%arg7 : memref<128x128xi32, #tpu.memory_space<vmem>>) dst(%dma_wait3A_135 : memref<128x128xi32, #tpu.memory_space<hbm>>)
    %dma_start3A_136 = arith.constant 1152 : i32
    %dma_start3A_137 = tpu.memref_slice %arg5[%dma_start3A_136] : memref<2048xi32, #tpu.memory_space<vmem>> -> memref<128xi32, #tpu.memory_space<vmem>>
    %dma_start3A_138 = arith.constant 0 : i32
    %dma_start3A_139 = arith.constant 0 : i32
    %dma_start3A_140 = tpu.memref_slice %arg2[%dma_start3A_138, %dma_start3A_139] : memref<16384x128xi32, #tpu.memory_space<hbm>> -> memref<16384x128xi32, #tpu.memory_space<hbm>>
    tpu.enqueue_indirect_dma source(%dma_start3A_140 : memref<16384x128xi32, #tpu.memory_space<hbm>>) target(%arg7 : memref<128x128xi32, #tpu.memory_space<vmem>>) offsets(%dma_start3A_137 : memref<128xi32, #tpu.memory_space<vmem>>) semaphore(%arg11 : memref<!tpu.dma_semaphore, #tpu.memory_space<semaphore_mem>>)
    %dma_wait3A_141 = arith.constant 768 : i32
    %dma_wait3A_142 = tpu.memref_slice %arg5[%dma_wait3A_141] : memref<2048xi32, #tpu.memory_space<vmem>> -> memref<128xi32, #tpu.memory_space<vmem>>
    %dma_wait3A_143 = arith.constant 0 : i32
    %dma_wait3A_144 = arith.constant 0 : i32
    %dma_wait3A_145 = tpu.memref_slice %arg2[%dma_wait3A_143, %dma_wait3A_144] : memref<16384x128xi32, #tpu.memory_space<hbm>> -> memref<16384x128xi32, #tpu.memory_space<hbm>>
    tpu.wait_indirect_dma semaphore(%arg12 : memref<!tpu.dma_semaphore, #tpu.memory_space<semaphore_mem>>) src(%dma_wait3A_145 : memref<16384x128xi32, #tpu.memory_space<hbm>>) dst(%arg8 : memref<128x128xi32, #tpu.memory_space<vmem>>)
    %add3A_146 = arith.constant 768 : i32
    %add3A_147 = arith.addi %mul3A_2, %add3A_146 : i32
    %dma_start3A_148 = arith.constant 0 : i32
    %dma_start3A_149 = tpu.memref_slice %arg4[%add3A_147, %dma_start3A_148] : memref<65536x128xi32, #tpu.memory_space<hbm>> -> memref<128x128xi32, #tpu.memory_space<hbm>>
    %dma_start3A_150 = arith.constant 0 : i32
    %dma_start3A_151 = tpu.memref_slice %arg4[%add3A_147, %dma_start3A_150] : memref<65536x128xi32, #tpu.memory_space<hbm>> -> memref<128x128xi32, #tpu.memory_space<hbm>>
    tpu.enqueue_dma source(%arg8 : memref<128x128xi32, #tpu.memory_space<vmem>>) target(%dma_start3A_151 : memref<128x128xi32, #tpu.memory_space<hbm>>) target_semaphore(%arg16 : memref<!tpu.dma_semaphore, #tpu.memory_space<semaphore_mem>>)
    %dma_wait3A_152 = arith.constant 0 : i32
    %dma_wait3A_153 = tpu.memref_slice %arg4[%add3A_147, %dma_wait3A_152] : memref<65536x128xi32, #tpu.memory_space<hbm>> -> memref<128x128xi32, #tpu.memory_space<hbm>>
    %dma_wait3A_154 = arith.constant 0 : i32
    %dma_wait3A_155 = tpu.memref_slice %arg4[%add3A_147, %dma_wait3A_154] : memref<65536x128xi32, #tpu.memory_space<hbm>> -> memref<128x128xi32, #tpu.memory_space<hbm>>
    tpu.wait_dma2 semaphore(%arg16 : memref<!tpu.dma_semaphore, #tpu.memory_space<semaphore_mem>>) src(%arg8 : memref<128x128xi32, #tpu.memory_space<vmem>>) dst(%dma_wait3A_155 : memref<128x128xi32, #tpu.memory_space<hbm>>)
    %dma_start3A_156 = arith.constant 1280 : i32
    %dma_start3A_157 = tpu.memref_slice %arg5[%dma_start3A_156] : memref<2048xi32, #tpu.memory_space<vmem>> -> memref<128xi32, #tpu.memory_space<vmem>>
    %dma_start3A_158 = arith.constant 0 : i32
    %dma_start3A_159 = arith.constant 0 : i32
    %dma_start3A_160 = tpu.memref_slice %arg2[%dma_start3A_158, %dma_start3A_159] : memref<16384x128xi32, #tpu.memory_space<hbm>> -> memref<16384x128xi32, #tpu.memory_space<hbm>>
    tpu.enqueue_indirect_dma source(%dma_start3A_160 : memref<16384x128xi32, #tpu.memory_space<hbm>>) target(%arg8 : memref<128x128xi32, #tpu.memory_space<vmem>>) offsets(%dma_start3A_157 : memref<128xi32, #tpu.memory_space<vmem>>) semaphore(%arg12 : memref<!tpu.dma_semaphore, #tpu.memory_space<semaphore_mem>>)
    %dma_wait3A_161 = arith.constant 896 : i32
    %dma_wait3A_162 = tpu.memref_slice %arg5[%dma_wait3A_161] : memref<2048xi32, #tpu.memory_space<vmem>> -> memref<128xi32, #tpu.memory_space<vmem>>
    %dma_wait3A_163 = arith.constant 0 : i32
    %dma_wait3A_164 = arith.constant 0 : i32
    %dma_wait3A_165 = tpu.memref_slice %arg2[%dma_wait3A_163, %dma_wait3A_164] : memref<16384x128xi32, #tpu.memory_space<hbm>> -> memref<16384x128xi32, #tpu.memory_space<hbm>>
    tpu.wait_indirect_dma semaphore(%arg13 : memref<!tpu.dma_semaphore, #tpu.memory_space<semaphore_mem>>) src(%dma_wait3A_165 : memref<16384x128xi32, #tpu.memory_space<hbm>>) dst(%arg9 : memref<128x128xi32, #tpu.memory_space<vmem>>)
    %add3A_166 = arith.constant 896 : i32
    %add3A_167 = arith.addi %mul3A_2, %add3A_166 : i32
    %dma_start3A_168 = arith.constant 0 : i32
    %dma_start3A_169 = tpu.memref_slice %arg4[%add3A_167, %dma_start3A_168] : memref<65536x128xi32, #tpu.memory_space<hbm>> -> memref<128x128xi32, #tpu.memory_space<hbm>>
    %dma_start3A_170 = arith.constant 0 : i32
    %dma_start3A_171 = tpu.memref_slice %arg4[%add3A_167, %dma_start3A_170] : memref<65536x128xi32, #tpu.memory_space<hbm>> -> memref<128x128xi32, #tpu.memory_space<hbm>>
    tpu.enqueue_dma source(%arg9 : memref<128x128xi32, #tpu.memory_space<vmem>>) target(%dma_start3A_171 : memref<128x128xi32, #tpu.memory_space<hbm>>) target_semaphore(%arg17 : memref<!tpu.dma_semaphore, #tpu.memory_space<semaphore_mem>>)
    %dma_wait3A_172 = arith.constant 0 : i32
    %dma_wait3A_173 = tpu.memref_slice %arg4[%add3A_167, %dma_wait3A_172] : memref<65536x128xi32, #tpu.memory_space<hbm>> -> memref<128x128xi32, #tpu.memory_space<hbm>>
    %dma_wait3A_174 = arith.constant 0 : i32
    %dma_wait3A_175 = tpu.memref_slice %arg4[%add3A_167, %dma_wait3A_174] : memref<65536x128xi32, #tpu.memory_space<hbm>> -> memref<128x128xi32, #tpu.memory_space<hbm>>
    tpu.wait_dma2 semaphore(%arg17 : memref<!tpu.dma_semaphore, #tpu.memory_space<semaphore_mem>>) src(%arg9 : memref<128x128xi32, #tpu.memory_space<vmem>>) dst(%dma_wait3A_175 : memref<128x128xi32, #tpu.memory_space<hbm>>)
    %dma_start3A_176 = arith.constant 1408 : i32
    %dma_start3A_177 = tpu.memref_slice %arg5[%dma_start3A_176] : memref<2048xi32, #tpu.memory_space<vmem>> -> memref<128xi32, #tpu.memory_space<vmem>>
    %dma_start3A_178 = arith.constant 0 : i32
    %dma_start3A_179 = arith.constant 0 : i32
    %dma_start3A_180 = tpu.memref_slice %arg2[%dma_start3A_178, %dma_start3A_179] : memref<16384x128xi32, #tpu.memory_space<hbm>> -> memref<16384x128xi32, #tpu.memory_space<hbm>>
    tpu.enqueue_indirect_dma source(%dma_start3A_180 : memref<16384x128xi32, #tpu.memory_space<hbm>>) target(%arg9 : memref<128x128xi32, #tpu.memory_space<vmem>>) offsets(%dma_start3A_177 : memref<128xi32, #tpu.memory_space<vmem>>) semaphore(%arg13 : memref<!tpu.dma_semaphore, #tpu.memory_space<semaphore_mem>>)
    %dma_wait3A_181 = arith.constant 1024 : i32
    %dma_wait3A_182 = tpu.memref_slice %arg5[%dma_wait3A_181] : memref<2048xi32, #tpu.memory_space<vmem>> -> memref<128xi32, #tpu.memory_space<vmem>>
    %dma_wait3A_183 = arith.constant 0 : i32
    %dma_wait3A_184 = arith.constant 0 : i32
    %dma_wait3A_185 = tpu.memref_slice %arg2[%dma_wait3A_183, %dma_wait3A_184] : memref<16384x128xi32, #tpu.memory_space<hbm>> -> memref<16384x128xi32, #tpu.memory_space<hbm>>
    tpu.wait_indirect_dma semaphore(%arg10 : memref<!tpu.dma_semaphore, #tpu.memory_space<semaphore_mem>>) src(%dma_wait3A_185 : memref<16384x128xi32, #tpu.memory_space<hbm>>) dst(%arg6 : memref<128x128xi32, #tpu.memory_space<vmem>>)
    %add3A_186 = arith.constant 1024 : i32
    %add3A_187 = arith.addi %mul3A_2, %add3A_186 : i32
    %dma_start3A_188 = arith.constant 0 : i32
    %dma_start3A_189 = tpu.memref_slice %arg4[%add3A_187, %dma_start3A_188] : memref<65536x128xi32, #tpu.memory_space<hbm>> -> memref<128x128xi32, #tpu.memory_space<hbm>>
    %dma_start3A_190 = arith.constant 0 : i32
    %dma_start3A_191 = tpu.memref_slice %arg4[%add3A_187, %dma_start3A_190] : memref<65536x128xi32, #tpu.memory_space<hbm>> -> memref<128x128xi32, #tpu.memory_space<hbm>>
    tpu.enqueue_dma source(%arg6 : memref<128x128xi32, #tpu.memory_space<vmem>>) target(%dma_start3A_191 : memref<128x128xi32, #tpu.memory_space<hbm>>) target_semaphore(%arg14 : memref<!tpu.dma_semaphore, #tpu.memory_space<semaphore_mem>>)
    %dma_wait3A_192 = arith.constant 0 : i32
    %dma_wait3A_193 = tpu.memref_slice %arg4[%add3A_187, %dma_wait3A_192] : memref<65536x128xi32, #tpu.memory_space<hbm>> -> memref<128x128xi32, #tpu.memory_space<hbm>>
    %dma_wait3A_194 = arith.constant 0 : i32
    %dma_wait3A_195 = tpu.memref_slice %arg4[%add3A_187, %dma_wait3A_194] : memref<65536x128xi32, #tpu.memory_space<hbm>> -> memref<128x128xi32, #tpu.memory_space<hbm>>
    tpu.wait_dma2 semaphore(%arg14 : memref<!tpu.dma_semaphore, #tpu.memory_space<semaphore_mem>>) src(%arg6 : memref<128x128xi32, #tpu.memory_space<vmem>>) dst(%dma_wait3A_195 : memref<128x128xi32, #tpu.memory_space<hbm>>)
    %dma_start3A_196 = arith.constant 1536 : i32
    %dma_start3A_197 = tpu.memref_slice %arg5[%dma_start3A_196] : memref<2048xi32, #tpu.memory_space<vmem>> -> memref<128xi32, #tpu.memory_space<vmem>>
    %dma_start3A_198 = arith.constant 0 : i32
    %dma_start3A_199 = arith.constant 0 : i32
    %dma_start3A_200 = tpu.memref_slice %arg2[%dma_start3A_198, %dma_start3A_199] : memref<16384x128xi32, #tpu.memory_space<hbm>> -> memref<16384x128xi32, #tpu.memory_space<hbm>>
    tpu.enqueue_indirect_dma source(%dma_start3A_200 : memref<16384x128xi32, #tpu.memory_space<hbm>>) target(%arg6 : memref<128x128xi32, #tpu.memory_space<vmem>>) offsets(%dma_start3A_197 : memref<128xi32, #tpu.memory_space<vmem>>) semaphore(%arg10 : memref<!tpu.dma_semaphore, #tpu.memory_space<semaphore_mem>>)
    %dma_wait3A_201 = arith.constant 1152 : i32
    %dma_wait3A_202 = tpu.memref_slice %arg5[%dma_wait3A_201] : memref<2048xi32, #tpu.memory_space<vmem>> -> memref<128xi32, #tpu.memory_space<vmem>>
    %dma_wait3A_203 = arith.constant 0 : i32
    %dma_wait3A_204 = arith.constant 0 : i32
    %dma_wait3A_205 = tpu.memref_slice %arg2[%dma_wait3A_203, %dma_wait3A_204] : memref<16384x128xi32, #tpu.memory_space<hbm>> -> memref<16384x128xi32, #tpu.memory_space<hbm>>
    tpu.wait_indirect_dma semaphore(%arg11 : memref<!tpu.dma_semaphore, #tpu.memory_space<semaphore_mem>>) src(%dma_wait3A_205 : memref<16384x128xi32, #tpu.memory_space<hbm>>) dst(%arg7 : memref<128x128xi32, #tpu.memory_space<vmem>>)
    %add3A_206 = arith.constant 1152 : i32
    %add3A_207 = arith.addi %mul3A_2, %add3A_206 : i32
    %dma_start3A_208 = arith.constant 0 : i32
    %dma_start3A_209 = tpu.memref_slice %arg4[%add3A_207, %dma_start3A_208] : memref<65536x128xi32, #tpu.memory_space<hbm>> -> memref<128x128xi32, #tpu.memory_space<hbm>>
    %dma_start3A_210 = arith.constant 0 : i32
    %dma_start3A_211 = tpu.memref_slice %arg4[%add3A_207, %dma_start3A_210] : memref<65536x128xi32, #tpu.memory_space<hbm>> -> memref<128x128xi32, #tpu.memory_space<hbm>>
    tpu.enqueue_dma source(%arg7 : memref<128x128xi32, #tpu.memory_space<vmem>>) target(%dma_start3A_211 : memref<128x128xi32, #tpu.memory_space<hbm>>) target_semaphore(%arg15 : memref<!tpu.dma_semaphore, #tpu.memory_space<semaphore_mem>>)
    %dma_wait3A_212 = arith.constant 0 : i32
    %dma_wait3A_213 = tpu.memref_slice %arg4[%add3A_207, %dma_wait3A_212] : memref<65536x128xi32, #tpu.memory_space<hbm>> -> memref<128x128xi32, #tpu.memory_space<hbm>>
    %dma_wait3A_214 = arith.constant 0 : i32
    %dma_wait3A_215 = tpu.memref_slice %arg4[%add3A_207, %dma_wait3A_214] : memref<65536x128xi32, #tpu.memory_space<hbm>> -> memref<128x128xi32, #tpu.memory_space<hbm>>
    tpu.wait_dma2 semaphore(%arg15 : memref<!tpu.dma_semaphore, #tpu.memory_space<semaphore_mem>>) src(%arg7 : memref<128x128xi32, #tpu.memory_space<vmem>>) dst(%dma_wait3A_215 : memref<128x128xi32, #tpu.memory_space<hbm>>)
    %dma_start3A_216 = arith.constant 1664 : i32
    %dma_start3A_217 = tpu.memref_slice %arg5[%dma_start3A_216] : memref<2048xi32, #tpu.memory_space<vmem>> -> memref<128xi32, #tpu.memory_space<vmem>>
    %dma_start3A_218 = arith.constant 0 : i32
    %dma_start3A_219 = arith.constant 0 : i32
    %dma_start3A_220 = tpu.memref_slice %arg2[%dma_start3A_218, %dma_start3A_219] : memref<16384x128xi32, #tpu.memory_space<hbm>> -> memref<16384x128xi32, #tpu.memory_space<hbm>>
    tpu.enqueue_indirect_dma source(%dma_start3A_220 : memref<16384x128xi32, #tpu.memory_space<hbm>>) target(%arg7 : memref<128x128xi32, #tpu.memory_space<vmem>>) offsets(%dma_start3A_217 : memref<128xi32, #tpu.memory_space<vmem>>) semaphore(%arg11 : memref<!tpu.dma_semaphore, #tpu.memory_space<semaphore_mem>>)
    %dma_wait3A_221 = arith.constant 1280 : i32
    %dma_wait3A_222 = tpu.memref_slice %arg5[%dma_wait3A_221] : memref<2048xi32, #tpu.memory_space<vmem>> -> memref<128xi32, #tpu.memory_space<vmem>>
    %dma_wait3A_223 = arith.constant 0 : i32
    %dma_wait3A_224 = arith.constant 0 : i32
    %dma_wait3A_225 = tpu.memref_slice %arg2[%dma_wait3A_223, %dma_wait3A_224] : memref<16384x128xi32, #tpu.memory_space<hbm>> -> memref<16384x128xi32, #tpu.memory_space<hbm>>
    tpu.wait_indirect_dma semaphore(%arg12 : memref<!tpu.dma_semaphore, #tpu.memory_space<semaphore_mem>>) src(%dma_wait3A_225 : memref<16384x128xi32, #tpu.memory_space<hbm>>) dst(%arg8 : memref<128x128xi32, #tpu.memory_space<vmem>>)
    %add3A_226 = arith.constant 1280 : i32
    %add3A_227 = arith.addi %mul3A_2, %add3A_226 : i32
    %dma_start3A_228 = arith.constant 0 : i32
    %dma_start3A_229 = tpu.memref_slice %arg4[%add3A_227, %dma_start3A_228] : memref<65536x128xi32, #tpu.memory_space<hbm>> -> memref<128x128xi32, #tpu.memory_space<hbm>>
    %dma_start3A_230 = arith.constant 0 : i32
    %dma_start3A_231 = tpu.memref_slice %arg4[%add3A_227, %dma_start3A_230] : memref<65536x128xi32, #tpu.memory_space<hbm>> -> memref<128x128xi32, #tpu.memory_space<hbm>>
    tpu.enqueue_dma source(%arg8 : memref<128x128xi32, #tpu.memory_space<vmem>>) target(%dma_start3A_231 : memref<128x128xi32, #tpu.memory_space<hbm>>) target_semaphore(%arg16 : memref<!tpu.dma_semaphore, #tpu.memory_space<semaphore_mem>>)
    %dma_wait3A_232 = arith.constant 0 : i32
    %dma_wait3A_233 = tpu.memref_slice %arg4[%add3A_227, %dma_wait3A_232] : memref<65536x128xi32, #tpu.memory_space<hbm>> -> memref<128x128xi32, #tpu.memory_space<hbm>>
    %dma_wait3A_234 = arith.constant 0 : i32
    %dma_wait3A_235 = tpu.memref_slice %arg4[%add3A_227, %dma_wait3A_234] : memref<65536x128xi32, #tpu.memory_space<hbm>> -> memref<128x128xi32, #tpu.memory_space<hbm>>
    tpu.wait_dma2 semaphore(%arg16 : memref<!tpu.dma_semaphore, #tpu.memory_space<semaphore_mem>>) src(%arg8 : memref<128x128xi32, #tpu.memory_space<vmem>>) dst(%dma_wait3A_235 : memref<128x128xi32, #tpu.memory_space<hbm>>)
    %dma_start3A_236 = arith.constant 1792 : i32
    %dma_start3A_237 = tpu.memref_slice %arg5[%dma_start3A_236] : memref<2048xi32, #tpu.memory_space<vmem>> -> memref<128xi32, #tpu.memory_space<vmem>>
    %dma_start3A_238 = arith.constant 0 : i32
    %dma_start3A_239 = arith.constant 0 : i32
    %dma_start3A_240 = tpu.memref_slice %arg2[%dma_start3A_238, %dma_start3A_239] : memref<16384x128xi32, #tpu.memory_space<hbm>> -> memref<16384x128xi32, #tpu.memory_space<hbm>>
    tpu.enqueue_indirect_dma source(%dma_start3A_240 : memref<16384x128xi32, #tpu.memory_space<hbm>>) target(%arg8 : memref<128x128xi32, #tpu.memory_space<vmem>>) offsets(%dma_start3A_237 : memref<128xi32, #tpu.memory_space<vmem>>) semaphore(%arg12 : memref<!tpu.dma_semaphore, #tpu.memory_space<semaphore_mem>>)
    %dma_wait3A_241 = arith.constant 1408 : i32
    %dma_wait3A_242 = tpu.memref_slice %arg5[%dma_wait3A_241] : memref<2048xi32, #tpu.memory_space<vmem>> -> memref<128xi32, #tpu.memory_space<vmem>>
    %dma_wait3A_243 = arith.constant 0 : i32
    %dma_wait3A_244 = arith.constant 0 : i32
    %dma_wait3A_245 = tpu.memref_slice %arg2[%dma_wait3A_243, %dma_wait3A_244] : memref<16384x128xi32, #tpu.memory_space<hbm>> -> memref<16384x128xi32, #tpu.memory_space<hbm>>
    tpu.wait_indirect_dma semaphore(%arg13 : memref<!tpu.dma_semaphore, #tpu.memory_space<semaphore_mem>>) src(%dma_wait3A_245 : memref<16384x128xi32, #tpu.memory_space<hbm>>) dst(%arg9 : memref<128x128xi32, #tpu.memory_space<vmem>>)
    %add3A_246 = arith.constant 1408 : i32
    %add3A_247 = arith.addi %mul3A_2, %add3A_246 : i32
    %dma_start3A_248 = arith.constant 0 : i32
    %dma_start3A_249 = tpu.memref_slice %arg4[%add3A_247, %dma_start3A_248] : memref<65536x128xi32, #tpu.memory_space<hbm>> -> memref<128x128xi32, #tpu.memory_space<hbm>>
    %dma_start3A_250 = arith.constant 0 : i32
    %dma_start3A_251 = tpu.memref_slice %arg4[%add3A_247, %dma_start3A_250] : memref<65536x128xi32, #tpu.memory_space<hbm>> -> memref<128x128xi32, #tpu.memory_space<hbm>>
    tpu.enqueue_dma source(%arg9 : memref<128x128xi32, #tpu.memory_space<vmem>>) target(%dma_start3A_251 : memref<128x128xi32, #tpu.memory_space<hbm>>) target_semaphore(%arg17 : memref<!tpu.dma_semaphore, #tpu.memory_space<semaphore_mem>>)
    %dma_wait3A_252 = arith.constant 0 : i32
    %dma_wait3A_253 = tpu.memref_slice %arg4[%add3A_247, %dma_wait3A_252] : memref<65536x128xi32, #tpu.memory_space<hbm>> -> memref<128x128xi32, #tpu.memory_space<hbm>>
    %dma_wait3A_254 = arith.constant 0 : i32
    %dma_wait3A_255 = tpu.memref_slice %arg4[%add3A_247, %dma_wait3A_254] : memref<65536x128xi32, #tpu.memory_space<hbm>> -> memref<128x128xi32, #tpu.memory_space<hbm>>
    tpu.wait_dma2 semaphore(%arg17 : memref<!tpu.dma_semaphore, #tpu.memory_space<semaphore_mem>>) src(%arg9 : memref<128x128xi32, #tpu.memory_space<vmem>>) dst(%dma_wait3A_255 : memref<128x128xi32, #tpu.memory_space<hbm>>)
    %dma_start3A_256 = arith.constant 1920 : i32
    %dma_start3A_257 = tpu.memref_slice %arg5[%dma_start3A_256] : memref<2048xi32, #tpu.memory_space<vmem>> -> memref<128xi32, #tpu.memory_space<vmem>>
    %dma_start3A_258 = arith.constant 0 : i32
    %dma_start3A_259 = arith.constant 0 : i32
    %dma_start3A_260 = tpu.memref_slice %arg2[%dma_start3A_258, %dma_start3A_259] : memref<16384x128xi32, #tpu.memory_space<hbm>> -> memref<16384x128xi32, #tpu.memory_space<hbm>>
    tpu.enqueue_indirect_dma source(%dma_start3A_260 : memref<16384x128xi32, #tpu.memory_space<hbm>>) target(%arg9 : memref<128x128xi32, #tpu.memory_space<vmem>>) offsets(%dma_start3A_257 : memref<128xi32, #tpu.memory_space<vmem>>) semaphore(%arg13 : memref<!tpu.dma_semaphore, #tpu.memory_space<semaphore_mem>>)
    %dma_wait3A_261 = arith.constant 1536 : i32
    %dma_wait3A_262 = tpu.memref_slice %arg5[%dma_wait3A_261] : memref<2048xi32, #tpu.memory_space<vmem>> -> memref<128xi32, #tpu.memory_space<vmem>>
    %dma_wait3A_263 = arith.constant 0 : i32
    %dma_wait3A_264 = arith.constant 0 : i32
    %dma_wait3A_265 = tpu.memref_slice %arg2[%dma_wait3A_263, %dma_wait3A_264] : memref<16384x128xi32, #tpu.memory_space<hbm>> -> memref<16384x128xi32, #tpu.memory_space<hbm>>
    tpu.wait_indirect_dma semaphore(%arg10 : memref<!tpu.dma_semaphore, #tpu.memory_space<semaphore_mem>>) src(%dma_wait3A_265 : memref<16384x128xi32, #tpu.memory_space<hbm>>) dst(%arg6 : memref<128x128xi32, #tpu.memory_space<vmem>>)
    %add3A_266 = arith.constant 1536 : i32
    %add3A_267 = arith.addi %mul3A_2, %add3A_266 : i32
    %dma_start3A_268 = arith.constant 0 : i32
    %dma_start3A_269 = tpu.memref_slice %arg4[%add3A_267, %dma_start3A_268] : memref<65536x128xi32, #tpu.memory_space<hbm>> -> memref<128x128xi32, #tpu.memory_space<hbm>>
    %dma_start3A_270 = arith.constant 0 : i32
    %dma_start3A_271 = tpu.memref_slice %arg4[%add3A_267, %dma_start3A_270] : memref<65536x128xi32, #tpu.memory_space<hbm>> -> memref<128x128xi32, #tpu.memory_space<hbm>>
    tpu.enqueue_dma source(%arg6 : memref<128x128xi32, #tpu.memory_space<vmem>>) target(%dma_start3A_271 : memref<128x128xi32, #tpu.memory_space<hbm>>) target_semaphore(%arg14 : memref<!tpu.dma_semaphore, #tpu.memory_space<semaphore_mem>>)
    %dma_wait3A_272 = arith.constant 1664 : i32
    %dma_wait3A_273 = tpu.memref_slice %arg5[%dma_wait3A_272] : memref<2048xi32, #tpu.memory_space<vmem>> -> memref<128xi32, #tpu.memory_space<vmem>>
    %dma_wait3A_274 = arith.constant 0 : i32
    %dma_wait3A_275 = arith.constant 0 : i32
    %dma_wait3A_276 = tpu.memref_slice %arg2[%dma_wait3A_274, %dma_wait3A_275] : memref<16384x128xi32, #tpu.memory_space<hbm>> -> memref<16384x128xi32, #tpu.memory_space<hbm>>
    tpu.wait_indirect_dma semaphore(%arg11 : memref<!tpu.dma_semaphore, #tpu.memory_space<semaphore_mem>>) src(%dma_wait3A_276 : memref<16384x128xi32, #tpu.memory_space<hbm>>) dst(%arg7 : memref<128x128xi32, #tpu.memory_space<vmem>>)
    %add3A_277 = arith.constant 1664 : i32
    %add3A_278 = arith.addi %mul3A_2, %add3A_277 : i32
    %dma_start3A_279 = arith.constant 0 : i32
    %dma_start3A_280 = tpu.memref_slice %arg4[%add3A_278, %dma_start3A_279] : memref<65536x128xi32, #tpu.memory_space<hbm>> -> memref<128x128xi32, #tpu.memory_space<hbm>>
    %dma_start3A_281 = arith.constant 0 : i32
    %dma_start3A_282 = tpu.memref_slice %arg4[%add3A_278, %dma_start3A_281] : memref<65536x128xi32, #tpu.memory_space<hbm>> -> memref<128x128xi32, #tpu.memory_space<hbm>>
    tpu.enqueue_dma source(%arg7 : memref<128x128xi32, #tpu.memory_space<vmem>>) target(%dma_start3A_282 : memref<128x128xi32, #tpu.memory_space<hbm>>) target_semaphore(%arg15 : memref<!tpu.dma_semaphore, #tpu.memory_space<semaphore_mem>>)
    %dma_wait3A_283 = arith.constant 1792 : i32
    %dma_wait3A_284 = tpu.memref_slice %arg5[%dma_wait3A_283] : memref<2048xi32, #tpu.memory_space<vmem>> -> memref<128xi32, #tpu.memory_space<vmem>>
    %dma_wait3A_285 = arith.constant 0 : i32
    %dma_wait3A_286 = arith.constant 0 : i32
    %dma_wait3A_287 = tpu.memref_slice %arg2[%dma_wait3A_285, %dma_wait3A_286] : memref<16384x128xi32, #tpu.memory_space<hbm>> -> memref<16384x128xi32, #tpu.memory_space<hbm>>
    tpu.wait_indirect_dma semaphore(%arg12 : memref<!tpu.dma_semaphore, #tpu.memory_space<semaphore_mem>>) src(%dma_wait3A_287 : memref<16384x128xi32, #tpu.memory_space<hbm>>) dst(%arg8 : memref<128x128xi32, #tpu.memory_space<vmem>>)
    %add3A_288 = arith.constant 1792 : i32
    %add3A_289 = arith.addi %mul3A_2, %add3A_288 : i32
    %dma_start3A_290 = arith.constant 0 : i32
    %dma_start3A_291 = tpu.memref_slice %arg4[%add3A_289, %dma_start3A_290] : memref<65536x128xi32, #tpu.memory_space<hbm>> -> memref<128x128xi32, #tpu.memory_space<hbm>>
    %dma_start3A_292 = arith.constant 0 : i32
    %dma_start3A_293 = tpu.memref_slice %arg4[%add3A_289, %dma_start3A_292] : memref<65536x128xi32, #tpu.memory_space<hbm>> -> memref<128x128xi32, #tpu.memory_space<hbm>>
    tpu.enqueue_dma source(%arg8 : memref<128x128xi32, #tpu.memory_space<vmem>>) target(%dma_start3A_293 : memref<128x128xi32, #tpu.memory_space<hbm>>) target_semaphore(%arg16 : memref<!tpu.dma_semaphore, #tpu.memory_space<semaphore_mem>>)
    %dma_wait3A_294 = arith.constant 1920 : i32
    %dma_wait3A_295 = tpu.memref_slice %arg5[%dma_wait3A_294] : memref<2048xi32, #tpu.memory_space<vmem>> -> memref<128xi32, #tpu.memory_space<vmem>>
    %dma_wait3A_296 = arith.constant 0 : i32
    %dma_wait3A_297 = arith.constant 0 : i32
    %dma_wait3A_298 = tpu.memref_slice %arg2[%dma_wait3A_296, %dma_wait3A_297] : memref<16384x128xi32, #tpu.memory_space<hbm>> -> memref<16384x128xi32, #tpu.memory_space<hbm>>
    tpu.wait_indirect_dma semaphore(%arg13 : memref<!tpu.dma_semaphore, #tpu.memory_space<semaphore_mem>>) src(%dma_wait3A_298 : memref<16384x128xi32, #tpu.memory_space<hbm>>) dst(%arg9 : memref<128x128xi32, #tpu.memory_space<vmem>>)
    %add3A_299 = arith.constant 1920 : i32
    %add3A_300 = arith.addi %mul3A_2, %add3A_299 : i32
    %dma_start3A_301 = arith.constant 0 : i32
    %dma_start3A_302 = tpu.memref_slice %arg4[%add3A_300, %dma_start3A_301] : memref<65536x128xi32, #tpu.memory_space<hbm>> -> memref<128x128xi32, #tpu.memory_space<hbm>>
    %dma_start3A_303 = arith.constant 0 : i32
    %dma_start3A_304 = tpu.memref_slice %arg4[%add3A_300, %dma_start3A_303] : memref<65536x128xi32, #tpu.memory_space<hbm>> -> memref<128x128xi32, #tpu.memory_space<hbm>>
    tpu.enqueue_dma source(%arg9 : memref<128x128xi32, #tpu.memory_space<vmem>>) target(%dma_start3A_304 : memref<128x128xi32, #tpu.memory_space<hbm>>) target_semaphore(%arg17 : memref<!tpu.dma_semaphore, #tpu.memory_space<semaphore_mem>>)
    %dma_wait3A_305 = arith.constant 0 : i32
    %dma_wait3A_306 = tpu.memref_slice %arg4[%add3A_267, %dma_wait3A_305] : memref<65536x128xi32, #tpu.memory_space<hbm>> -> memref<128x128xi32, #tpu.memory_space<hbm>>
    %dma_wait3A_307 = arith.constant 0 : i32
    %dma_wait3A_308 = tpu.memref_slice %arg4[%add3A_267, %dma_wait3A_307] : memref<65536x128xi32, #tpu.memory_space<hbm>> -> memref<128x128xi32, #tpu.memory_space<hbm>>
    tpu.wait_dma2 semaphore(%arg14 : memref<!tpu.dma_semaphore, #tpu.memory_space<semaphore_mem>>) src(%arg6 : memref<128x128xi32, #tpu.memory_space<vmem>>) dst(%dma_wait3A_308 : memref<128x128xi32, #tpu.memory_space<hbm>>)
    %dma_wait3A_309 = arith.constant 0 : i32
    %dma_wait3A_310 = tpu.memref_slice %arg4[%add3A_278, %dma_wait3A_309] : memref<65536x128xi32, #tpu.memory_space<hbm>> -> memref<128x128xi32, #tpu.memory_space<hbm>>
    %dma_wait3A_311 = arith.constant 0 : i32
    %dma_wait3A_312 = tpu.memref_slice %arg4[%add3A_278, %dma_wait3A_311] : memref<65536x128xi32, #tpu.memory_space<hbm>> -> memref<128x128xi32, #tpu.memory_space<hbm>>
    tpu.wait_dma2 semaphore(%arg15 : memref<!tpu.dma_semaphore, #tpu.memory_space<semaphore_mem>>) src(%arg7 : memref<128x128xi32, #tpu.memory_space<vmem>>) dst(%dma_wait3A_312 : memref<128x128xi32, #tpu.memory_space<hbm>>)
    %dma_wait3A_313 = arith.constant 0 : i32
    %dma_wait3A_314 = tpu.memref_slice %arg4[%add3A_289, %dma_wait3A_313] : memref<65536x128xi32, #tpu.memory_space<hbm>> -> memref<128x128xi32, #tpu.memory_space<hbm>>
    %dma_wait3A_315 = arith.constant 0 : i32
    %dma_wait3A_316 = tpu.memref_slice %arg4[%add3A_289, %dma_wait3A_315] : memref<65536x128xi32, #tpu.memory_space<hbm>> -> memref<128x128xi32, #tpu.memory_space<hbm>>
    tpu.wait_dma2 semaphore(%arg16 : memref<!tpu.dma_semaphore, #tpu.memory_space<semaphore_mem>>) src(%arg8 : memref<128x128xi32, #tpu.memory_space<vmem>>) dst(%dma_wait3A_316 : memref<128x128xi32, #tpu.memory_space<hbm>>)
    %dma_wait3A_317 = arith.constant 0 : i32
    %dma_wait3A_318 = tpu.memref_slice %arg4[%add3A_300, %dma_wait3A_317] : memref<65536x128xi32, #tpu.memory_space<hbm>> -> memref<128x128xi32, #tpu.memory_space<hbm>>
    %dma_wait3A_319 = arith.constant 0 : i32
    %dma_wait3A_320 = tpu.memref_slice %arg4[%add3A_300, %dma_wait3A_319] : memref<65536x128xi32, #tpu.memory_space<hbm>> -> memref<128x128xi32, #tpu.memory_space<hbm>>
    tpu.wait_dma2 semaphore(%arg17 : memref<!tpu.dma_semaphore, #tpu.memory_space<semaphore_mem>>) src(%arg9 : memref<128x128xi32, #tpu.memory_space<vmem>>) dst(%dma_wait3A_320 : memref<128x128xi32, #tpu.memory_space<hbm>>)
    return
  }
}

#map = affine_map<(d0, d1) -> (0, 0)>
#map1 = affine_map<(d0, d1) -> (0)>
module attributes {stable_mosaic.version = 14 : i64} {
  func.func @gk(%arg0: i32, %arg1: i32, %arg2: memref<16384x128xi32, #tpu.memory_space<hbm>>, %arg3: memref<65536xi32, #tpu.memory_space<hbm>>, %arg4: memref<65536x128xi32, #tpu.memory_space<hbm>>, %arg5: memref<2048xi32, #tpu.memory_space<vmem>>, %arg6: memref<128x128xi32, #tpu.memory_space<vmem>>, %arg7: memref<128x128xi32, #tpu.memory_space<vmem>>, %arg8: memref<128x128xi32, #tpu.memory_space<vmem>>, %arg9: memref<128x128xi32, #tpu.memory_space<vmem>>, %arg10: memref<!tpu.dma_semaphore, #tpu.memory_space<semaphore_mem>>, %arg11: memref<!tpu.dma_semaphore, #tpu.memory_space<semaphore_mem>>, %arg12: memref<!tpu.dma_semaphore, #tpu.memory_space<semaphore_mem>>, %arg13: memref<!tpu.dma_semaphore, #tpu.memory_space<semaphore_mem>>, %arg14: memref<!tpu.dma_semaphore, #tpu.memory_space<semaphore_mem>>, %arg15: memref<!tpu.dma_semaphore, #tpu.memory_space<semaphore_mem>>, %arg16: memref<!tpu.dma_semaphore, #tpu.memory_space<semaphore_mem>>, %arg17: memref<!tpu.dma_semaphore, #tpu.memory_space<semaphore_mem>>) attributes {dimension_semantics = [#tpu.dimension_semantics<core_parallel>, #tpu.dimension_semantics<subcore_parallel>], iteration_bounds = array<i64: 2, 16>, scalar_prefetch = 0 : i64, scratch_operands = 13 : i64, tpu.core_type = #tpu.core_type<sc_vector_subcore>, window_params = [{transform_indices = #map}, {transform_indices = #map1}, {transform_indices = #map}]} {
    %mul3A = arith.constant 2 : i32
    %mul3A_0 = arith.muli %arg1, %mul3A : i32
    %add3A = arith.addi %mul3A_0, %arg0 : i32
    %mul3A_1 = arith.constant 2048 : i32
    %mul3A_2 = arith.muli %add3A, %mul3A_1 : i32
    "tpu.region"() ({
      %run_scoped3A = tpu.sem_alloc : memref<!tpu.dma_semaphore, #tpu.memory_space<semaphore_mem>>
      %dma_start3A_321 = tpu.memref_slice %arg3[%mul3A_2] : memref<65536xi32, #tpu.memory_space<hbm>> -> memref<2048xi32, #tpu.memory_space<hbm>>
      %dma_start3A_322 = tpu.memref_slice %arg3[%mul3A_2] : memref<65536xi32, #tpu.memory_space<hbm>> -> memref<2048xi32, #tpu.memory_space<hbm>>
      tpu.enqueue_dma source(%dma_start3A_322 : memref<2048xi32, #tpu.memory_space<hbm>>) target(%arg5 : memref<2048xi32, #tpu.memory_space<vmem>>) target_semaphore(%run_scoped3A : memref<!tpu.dma_semaphore, #tpu.memory_space<semaphore_mem>>)
      %dma_wait3A_323 = tpu.memref_slice %arg3[%mul3A_2] : memref<65536xi32, #tpu.memory_space<hbm>> -> memref<2048xi32, #tpu.memory_space<hbm>>
      %dma_wait3A_324 = tpu.memref_slice %arg3[%mul3A_2] : memref<65536xi32, #tpu.memory_space<hbm>> -> memref<2048xi32, #tpu.memory_space<hbm>>
      tpu.wait_dma2 semaphore(%run_scoped3A : memref<!tpu.dma_semaphore, #tpu.memory_space<semaphore_mem>>) src(%dma_wait3A_324 : memref<2048xi32, #tpu.memory_space<hbm>>) dst(%arg5 : memref<2048xi32, #tpu.memory_space<vmem>>)
      tpu.yield
    }) : () -> ()
    %dma_start3A = arith.constant 0 : i32
    %dma_start3A_3 = tpu.memref_slice %arg5[%dma_start3A] : memref<2048xi32, #tpu.memory_space<vmem>> -> memref<128xi32, #tpu.memory_space<vmem>>
    %dma_start3A_4 = arith.constant 0 : i32
    %dma_start3A_5 = arith.constant 0 : i32
    %dma_start3A_6 = tpu.memref_slice %arg2[%dma_start3A_4, %dma_start3A_5] : memref<16384x128xi32, #tpu.memory_space<hbm>> -> memref<16384x128xi32, #tpu.memory_space<hbm>>
    tpu.enqueue_indirect_dma source(%dma_start3A_6 : memref<16384x128xi32, #tpu.memory_space<hbm>>) target(%arg6 : memref<128x128xi32, #tpu.memory_space<vmem>>) offsets(%dma_start3A_3 : memref<128xi32, #tpu.memory_space<vmem>>) semaphore(%arg10 : memref<!tpu.dma_semaphore, #tpu.memory_space<semaphore_mem>>)
    %dma_start3A_7 = arith.constant 128 : i32
    %dma_start3A_8 = tpu.memref_slice %arg5[%dma_start3A_7] : memref<2048xi32, #tpu.memory_space<vmem>> -> memref<128xi32, #tpu.memory_space<vmem>>
    %dma_start3A_9 = arith.constant 0 : i32
    %dma_start3A_10 = arith.constant 0 : i32
    %dma_start3A_11 = tpu.memref_slice %arg2[%dma_start3A_9, %dma_start3A_10] : memref<16384x128xi32, #tpu.memory_space<hbm>> -> memref<16384x128xi32, #tpu.memory_space<hbm>>
    tpu.enqueue_indirect_dma source(%dma_start3A_11 : memref<16384x128xi32, #tpu.memory_space<hbm>>) target(%arg7 : memref<128x128xi32, #tpu.memory_space<vmem>>) offsets(%dma_start3A_8 : memref<128xi32, #tpu.memory_space<vmem>>) semaphore(%arg11 : memref<!tpu.dma_semaphore, #tpu.memory_space<semaphore_mem>>)
    %dma_start3A_12 = arith.constant 256 : i32
    %dma_start3A_13 = tpu.memref_slice %arg5[%dma_start3A_12] : memref<2048xi32, #tpu.memory_space<vmem>> -> memref<128xi32, #tpu.memory_space<vmem>>
    %dma_start3A_14 = arith.constant 0 : i32
    %dma_start3A_15 = arith.constant 0 : i32
    %dma_start3A_16 = tpu.memref_slice %arg2[%dma_start3A_14, %dma_start3A_15] : memref<16384x128xi32, #tpu.memory_space<hbm>> -> memref<16384x128xi32, #tpu.memory_space<hbm>>
    tpu.enqueue_indirect_dma source(%dma_start3A_16 : memref<16384x128xi32, #tpu.memory_space<hbm>>) target(%arg8 : memref<128x128xi32, #tpu.memory_space<vmem>>) offsets(%dma_start3A_13 : memref<128xi32, #tpu.memory_space<vmem>>) semaphore(%arg12 : memref<!tpu.dma_semaphore, #tpu.memory_space<semaphore_mem>>)
    %dma_start3A_17 = arith.constant 384 : i32
    %dma_start3A_18 = tpu.memref_slice %arg5[%dma_start3A_17] : memref<2048xi32, #tpu.memory_space<vmem>> -> memref<128xi32, #tpu.memory_space<vmem>>
    %dma_start3A_19 = arith.constant 0 : i32
    %dma_start3A_20 = arith.constant 0 : i32
    %dma_start3A_21 = tpu.memref_slice %arg2[%dma_start3A_19, %dma_start3A_20] : memref<16384x128xi32, #tpu.memory_space<hbm>> -> memref<16384x128xi32, #tpu.memory_space<hbm>>
    tpu.enqueue_indirect_dma source(%dma_start3A_21 : memref<16384x128xi32, #tpu.memory_space<hbm>>) target(%arg9 : memref<128x128xi32, #tpu.memory_space<vmem>>) offsets(%dma_start3A_18 : memref<128xi32, #tpu.memory_space<vmem>>) semaphore(%arg13 : memref<!tpu.dma_semaphore, #tpu.memory_space<semaphore_mem>>)
    %dma_wait3A = arith.constant 0 : i32
    %dma_wait3A_22 = tpu.memref_slice %arg5[%dma_wait3A] : memref<2048xi32, #tpu.memory_space<vmem>> -> memref<128xi32, #tpu.memory_space<vmem>>
    %dma_wait3A_23 = arith.constant 0 : i32
    %dma_wait3A_24 = arith.constant 0 : i32
    %dma_wait3A_25 = tpu.memref_slice %arg2[%dma_wait3A_23, %dma_wait3A_24] : memref<16384x128xi32, #tpu.memory_space<hbm>> -> memref<16384x128xi32, #tpu.memory_space<hbm>>
    tpu.wait_indirect_dma semaphore(%arg10 : memref<!tpu.dma_semaphore, #tpu.memory_space<semaphore_mem>>) src(%dma_wait3A_25 : memref<16384x128xi32, #tpu.memory_space<hbm>>) dst(%arg6 : memref<128x128xi32, #tpu.memory_space<vmem>>)
    %add3A_26 = arith.constant 0 : i32
    %add3A_27 = arith.addi %mul3A_2, %add3A_26 : i32
    %dma_start3A_28 = arith.constant 0 : i32
    %dma_start3A_29 = tpu.memref_slice %arg4[%add3A_27, %dma_start3A_28] : memref<65536x128xi32, #tpu.memory_space<hbm>> -> memref<128x128xi32, #tpu.memory_space<hbm>>
    %dma_start3A_30 = arith.constant 0 : i32
    %dma_start3A_31 = tpu.memref_slice %arg4[%add3A_27, %dma_start3A_30] : memref<65536x128xi32, #tpu.memory_space<hbm>> -> memref<128x128xi32, #tpu.memory_space<hbm>>
    tpu.enqueue_dma source(%arg6 : memref<128x128xi32, #tpu.memory_space<vmem>>) target(%dma_start3A_31 : memref<128x128xi32, #tpu.memory_space<hbm>>) target_semaphore(%arg14 : memref<!tpu.dma_semaphore, #tpu.memory_space<semaphore_mem>>)
    %dma_wait3A_32 = arith.constant 0 : i32
    %dma_wait3A_33 = tpu.memref_slice %arg4[%add3A_27, %dma_wait3A_32] : memref<65536x128xi32, #tpu.memory_space<hbm>> -> memref<128x128xi32, #tpu.memory_space<hbm>>
    %dma_wait3A_34 = arith.constant 0 : i32
    %dma_wait3A_35 = tpu.memref_slice %arg4[%add3A_27, %dma_wait3A_34] : memref<65536x128xi32, #tpu.memory_space<hbm>> -> memref<128x128xi32, #tpu.memory_space<hbm>>
    tpu.wait_dma2 semaphore(%arg14 : memref<!tpu.dma_semaphore, #tpu.memory_space<semaphore_mem>>) src(%arg6 : memref<128x128xi32, #tpu.memory_space<vmem>>) dst(%dma_wait3A_35 : memref<128x128xi32, #tpu.memory_space<hbm>>)
    %dma_start3A_36 = arith.constant 512 : i32
    %dma_start3A_37 = tpu.memref_slice %arg5[%dma_start3A_36] : memref<2048xi32, #tpu.memory_space<vmem>> -> memref<128xi32, #tpu.memory_space<vmem>>
    %dma_start3A_38 = arith.constant 0 : i32
    %dma_start3A_39 = arith.constant 0 : i32
    %dma_start3A_40 = tpu.memref_slice %arg2[%dma_start3A_38, %dma_start3A_39] : memref<16384x128xi32, #tpu.memory_space<hbm>> -> memref<16384x128xi32, #tpu.memory_space<hbm>>
    tpu.enqueue_indirect_dma source(%dma_start3A_40 : memref<16384x128xi32, #tpu.memory_space<hbm>>) target(%arg6 : memref<128x128xi32, #tpu.memory_space<vmem>>) offsets(%dma_start3A_37 : memref<128xi32, #tpu.memory_space<vmem>>) semaphore(%arg10 : memref<!tpu.dma_semaphore, #tpu.memory_space<semaphore_mem>>)
    %dma_wait3A_41 = arith.constant 128 : i32
    %dma_wait3A_42 = tpu.memref_slice %arg5[%dma_wait3A_41] : memref<2048xi32, #tpu.memory_space<vmem>> -> memref<128xi32, #tpu.memory_space<vmem>>
    %dma_wait3A_43 = arith.constant 0 : i32
    %dma_wait3A_44 = arith.constant 0 : i32
    %dma_wait3A_45 = tpu.memref_slice %arg2[%dma_wait3A_43, %dma_wait3A_44] : memref<16384x128xi32, #tpu.memory_space<hbm>> -> memref<16384x128xi32, #tpu.memory_space<hbm>>
    tpu.wait_indirect_dma semaphore(%arg11 : memref<!tpu.dma_semaphore, #tpu.memory_space<semaphore_mem>>) src(%dma_wait3A_45 : memref<16384x128xi32, #tpu.memory_space<hbm>>) dst(%arg7 : memref<128x128xi32, #tpu.memory_space<vmem>>)
    %add3A_46 = arith.constant 128 : i32
    %add3A_47 = arith.addi %mul3A_2, %add3A_46 : i32
    %dma_start3A_48 = arith.constant 0 : i32
    %dma_start3A_49 = tpu.memref_slice %arg4[%add3A_47, %dma_start3A_48] : memref<65536x128xi32, #tpu.memory_space<hbm>> -> memref<128x128xi32, #tpu.memory_space<hbm>>
    %dma_start3A_50 = arith.constant 0 : i32
    %dma_start3A_51 = tpu.memref_slice %arg4[%add3A_47, %dma_start3A_50] : memref<65536x128xi32, #tpu.memory_space<hbm>> -> memref<128x128xi32, #tpu.memory_space<hbm>>
    tpu.enqueue_dma source(%arg7 : memref<128x128xi32, #tpu.memory_space<vmem>>) target(%dma_start3A_51 : memref<128x128xi32, #tpu.memory_space<hbm>>) target_semaphore(%arg15 : memref<!tpu.dma_semaphore, #tpu.memory_space<semaphore_mem>>)
    %dma_wait3A_52 = arith.constant 0 : i32
    %dma_wait3A_53 = tpu.memref_slice %arg4[%add3A_47, %dma_wait3A_52] : memref<65536x128xi32, #tpu.memory_space<hbm>> -> memref<128x128xi32, #tpu.memory_space<hbm>>
    %dma_wait3A_54 = arith.constant 0 : i32
    %dma_wait3A_55 = tpu.memref_slice %arg4[%add3A_47, %dma_wait3A_54] : memref<65536x128xi32, #tpu.memory_space<hbm>> -> memref<128x128xi32, #tpu.memory_space<hbm>>
    tpu.wait_dma2 semaphore(%arg15 : memref<!tpu.dma_semaphore, #tpu.memory_space<semaphore_mem>>) src(%arg7 : memref<128x128xi32, #tpu.memory_space<vmem>>) dst(%dma_wait3A_55 : memref<128x128xi32, #tpu.memory_space<hbm>>)
    %dma_start3A_56 = arith.constant 640 : i32
    %dma_start3A_57 = tpu.memref_slice %arg5[%dma_start3A_56] : memref<2048xi32, #tpu.memory_space<vmem>> -> memref<128xi32, #tpu.memory_space<vmem>>
    %dma_start3A_58 = arith.constant 0 : i32
    %dma_start3A_59 = arith.constant 0 : i32
    %dma_start3A_60 = tpu.memref_slice %arg2[%dma_start3A_58, %dma_start3A_59] : memref<16384x128xi32, #tpu.memory_space<hbm>> -> memref<16384x128xi32, #tpu.memory_space<hbm>>
    tpu.enqueue_indirect_dma source(%dma_start3A_60 : memref<16384x128xi32, #tpu.memory_space<hbm>>) target(%arg7 : memref<128x128xi32, #tpu.memory_space<vmem>>) offsets(%dma_start3A_57 : memref<128xi32, #tpu.memory_space<vmem>>) semaphore(%arg11 : memref<!tpu.dma_semaphore, #tpu.memory_space<semaphore_mem>>)
    %dma_wait3A_61 = arith.constant 256 : i32
    %dma_wait3A_62 = tpu.memref_slice %arg5[%dma_wait3A_61] : memref<2048xi32, #tpu.memory_space<vmem>> -> memref<128xi32, #tpu.memory_space<vmem>>
    %dma_wait3A_63 = arith.constant 0 : i32
    %dma_wait3A_64 = arith.constant 0 : i32
    %dma_wait3A_65 = tpu.memref_slice %arg2[%dma_wait3A_63, %dma_wait3A_64] : memref<16384x128xi32, #tpu.memory_space<hbm>> -> memref<16384x128xi32, #tpu.memory_space<hbm>>
    tpu.wait_indirect_dma semaphore(%arg12 : memref<!tpu.dma_semaphore, #tpu.memory_space<semaphore_mem>>) src(%dma_wait3A_65 : memref<16384x128xi32, #tpu.memory_space<hbm>>) dst(%arg8 : memref<128x128xi32, #tpu.memory_space<vmem>>)
    %add3A_66 = arith.constant 256 : i32
    %add3A_67 = arith.addi %mul3A_2, %add3A_66 : i32
    %dma_start3A_68 = arith.constant 0 : i32
    %dma_start3A_69 = tpu.memref_slice %arg4[%add3A_67, %dma_start3A_68] : memref<65536x128xi32, #tpu.memory_space<hbm>> -> memref<128x128xi32, #tpu.memory_space<hbm>>
    %dma_start3A_70 = arith.constant 0 : i32
    %dma_start3A_71 = tpu.memref_slice %arg4[%add3A_67, %dma_start3A_70] : memref<65536x128xi32, #tpu.memory_space<hbm>> -> memref<128x128xi32, #tpu.memory_space<hbm>>
    tpu.enqueue_dma source(%arg8 : memref<128x128xi32, #tpu.memory_space<vmem>>) target(%dma_start3A_71 : memref<128x128xi32, #tpu.memory_space<hbm>>) target_semaphore(%arg16 : memref<!tpu.dma_semaphore, #tpu.memory_space<semaphore_mem>>)
    %dma_wait3A_72 = arith.constant 0 : i32
    %dma_wait3A_73 = tpu.memref_slice %arg4[%add3A_67, %dma_wait3A_72] : memref<65536x128xi32, #tpu.memory_space<hbm>> -> memref<128x128xi32, #tpu.memory_space<hbm>>
    %dma_wait3A_74 = arith.constant 0 : i32
    %dma_wait3A_75 = tpu.memref_slice %arg4[%add3A_67, %dma_wait3A_74] : memref<65536x128xi32, #tpu.memory_space<hbm>> -> memref<128x128xi32, #tpu.memory_space<hbm>>
    tpu.wait_dma2 semaphore(%arg16 : memref<!tpu.dma_semaphore, #tpu.memory_space<semaphore_mem>>) src(%arg8 : memref<128x128xi32, #tpu.memory_space<vmem>>) dst(%dma_wait3A_75 : memref<128x128xi32, #tpu.memory_space<hbm>>)
    %dma_start3A_76 = arith.constant 768 : i32
    %dma_start3A_77 = tpu.memref_slice %arg5[%dma_start3A_76] : memref<2048xi32, #tpu.memory_space<vmem>> -> memref<128xi32, #tpu.memory_space<vmem>>
    %dma_start3A_78 = arith.constant 0 : i32
    %dma_start3A_79 = arith.constant 0 : i32
    %dma_start3A_80 = tpu.memref_slice %arg2[%dma_start3A_78, %dma_start3A_79] : memref<16384x128xi32, #tpu.memory_space<hbm>> -> memref<16384x128xi32, #tpu.memory_space<hbm>>
    tpu.enqueue_indirect_dma source(%dma_start3A_80 : memref<16384x128xi32, #tpu.memory_space<hbm>>) target(%arg8 : memref<128x128xi32, #tpu.memory_space<vmem>>) offsets(%dma_start3A_77 : memref<128xi32, #tpu.memory_space<vmem>>) semaphore(%arg12 : memref<!tpu.dma_semaphore, #tpu.memory_space<semaphore_mem>>)
    %dma_wait3A_81 = arith.constant 384 : i32
    %dma_wait3A_82 = tpu.memref_slice %arg5[%dma_wait3A_81] : memref<2048xi32, #tpu.memory_space<vmem>> -> memref<128xi32, #tpu.memory_space<vmem>>
    %dma_wait3A_83 = arith.constant 0 : i32
    %dma_wait3A_84 = arith.constant 0 : i32
    %dma_wait3A_85 = tpu.memref_slice %arg2[%dma_wait3A_83, %dma_wait3A_84] : memref<16384x128xi32, #tpu.memory_space<hbm>> -> memref<16384x128xi32, #tpu.memory_space<hbm>>
    tpu.wait_indirect_dma semaphore(%arg13 : memref<!tpu.dma_semaphore, #tpu.memory_space<semaphore_mem>>) src(%dma_wait3A_85 : memref<16384x128xi32, #tpu.memory_space<hbm>>) dst(%arg9 : memref<128x128xi32, #tpu.memory_space<vmem>>)
    %add3A_86 = arith.constant 384 : i32
    %add3A_87 = arith.addi %mul3A_2, %add3A_86 : i32
    %dma_start3A_88 = arith.constant 0 : i32
    %dma_start3A_89 = tpu.memref_slice %arg4[%add3A_87, %dma_start3A_88] : memref<65536x128xi32, #tpu.memory_space<hbm>> -> memref<128x128xi32, #tpu.memory_space<hbm>>
    %dma_start3A_90 = arith.constant 0 : i32
    %dma_start3A_91 = tpu.memref_slice %arg4[%add3A_87, %dma_start3A_90] : memref<65536x128xi32, #tpu.memory_space<hbm>> -> memref<128x128xi32, #tpu.memory_space<hbm>>
    tpu.enqueue_dma source(%arg9 : memref<128x128xi32, #tpu.memory_space<vmem>>) target(%dma_start3A_91 : memref<128x128xi32, #tpu.memory_space<hbm>>) target_semaphore(%arg17 : memref<!tpu.dma_semaphore, #tpu.memory_space<semaphore_mem>>)
    %dma_wait3A_92 = arith.constant 0 : i32
    %dma_wait3A_93 = tpu.memref_slice %arg4[%add3A_87, %dma_wait3A_92] : memref<65536x128xi32, #tpu.memory_space<hbm>> -> memref<128x128xi32, #tpu.memory_space<hbm>>
    %dma_wait3A_94 = arith.constant 0 : i32
    %dma_wait3A_95 = tpu.memref_slice %arg4[%add3A_87, %dma_wait3A_94] : memref<65536x128xi32, #tpu.memory_space<hbm>> -> memref<128x128xi32, #tpu.memory_space<hbm>>
    tpu.wait_dma2 semaphore(%arg17 : memref<!tpu.dma_semaphore, #tpu.memory_space<semaphore_mem>>) src(%arg9 : memref<128x128xi32, #tpu.memory_space<vmem>>) dst(%dma_wait3A_95 : memref<128x128xi32, #tpu.memory_space<hbm>>)
    %dma_start3A_96 = arith.constant 896 : i32
    %dma_start3A_97 = tpu.memref_slice %arg5[%dma_start3A_96] : memref<2048xi32, #tpu.memory_space<vmem>> -> memref<128xi32, #tpu.memory_space<vmem>>
    %dma_start3A_98 = arith.constant 0 : i32
    %dma_start3A_99 = arith.constant 0 : i32
    %dma_start3A_100 = tpu.memref_slice %arg2[%dma_start3A_98, %dma_start3A_99] : memref<16384x128xi32, #tpu.memory_space<hbm>> -> memref<16384x128xi32, #tpu.memory_space<hbm>>
    tpu.enqueue_indirect_dma source(%dma_start3A_100 : memref<16384x128xi32, #tpu.memory_space<hbm>>) target(%arg9 : memref<128x128xi32, #tpu.memory_space<vmem>>) offsets(%dma_start3A_97 : memref<128xi32, #tpu.memory_space<vmem>>) semaphore(%arg13 : memref<!tpu.dma_semaphore, #tpu.memory_space<semaphore_mem>>)
    %dma_wait3A_101 = arith.constant 512 : i32
    %dma_wait3A_102 = tpu.memref_slice %arg5[%dma_wait3A_101] : memref<2048xi32, #tpu.memory_space<vmem>> -> memref<128xi32, #tpu.memory_space<vmem>>
    %dma_wait3A_103 = arith.constant 0 : i32
    %dma_wait3A_104 = arith.constant 0 : i32
    %dma_wait3A_105 = tpu.memref_slice %arg2[%dma_wait3A_103, %dma_wait3A_104] : memref<16384x128xi32, #tpu.memory_space<hbm>> -> memref<16384x128xi32, #tpu.memory_space<hbm>>
    tpu.wait_indirect_dma semaphore(%arg10 : memref<!tpu.dma_semaphore, #tpu.memory_space<semaphore_mem>>) src(%dma_wait3A_105 : memref<16384x128xi32, #tpu.memory_space<hbm>>) dst(%arg6 : memref<128x128xi32, #tpu.memory_space<vmem>>)
    %add3A_106 = arith.constant 512 : i32
    %add3A_107 = arith.addi %mul3A_2, %add3A_106 : i32
    %dma_start3A_108 = arith.constant 0 : i32
    %dma_start3A_109 = tpu.memref_slice %arg4[%add3A_107, %dma_start3A_108] : memref<65536x128xi32, #tpu.memory_space<hbm>> -> memref<128x128xi32, #tpu.memory_space<hbm>>
    %dma_start3A_110 = arith.constant 0 : i32
    %dma_start3A_111 = tpu.memref_slice %arg4[%add3A_107, %dma_start3A_110] : memref<65536x128xi32, #tpu.memory_space<hbm>> -> memref<128x128xi32, #tpu.memory_space<hbm>>
    tpu.enqueue_dma source(%arg6 : memref<128x128xi32, #tpu.memory_space<vmem>>) target(%dma_start3A_111 : memref<128x128xi32, #tpu.memory_space<hbm>>) target_semaphore(%arg14 : memref<!tpu.dma_semaphore, #tpu.memory_space<semaphore_mem>>)
    %dma_wait3A_112 = arith.constant 0 : i32
    %dma_wait3A_113 = tpu.memref_slice %arg4[%add3A_107, %dma_wait3A_112] : memref<65536x128xi32, #tpu.memory_space<hbm>> -> memref<128x128xi32, #tpu.memory_space<hbm>>
    %dma_wait3A_114 = arith.constant 0 : i32
    %dma_wait3A_115 = tpu.memref_slice %arg4[%add3A_107, %dma_wait3A_114] : memref<65536x128xi32, #tpu.memory_space<hbm>> -> memref<128x128xi32, #tpu.memory_space<hbm>>
    tpu.wait_dma2 semaphore(%arg14 : memref<!tpu.dma_semaphore, #tpu.memory_space<semaphore_mem>>) src(%arg6 : memref<128x128xi32, #tpu.memory_space<vmem>>) dst(%dma_wait3A_115 : memref<128x128xi32, #tpu.memory_space<hbm>>)
    %dma_start3A_116 = arith.constant 1024 : i32
    %dma_start3A_117 = tpu.memref_slice %arg5[%dma_start3A_116] : memref<2048xi32, #tpu.memory_space<vmem>> -> memref<128xi32, #tpu.memory_space<vmem>>
    %dma_start3A_118 = arith.constant 0 : i32
    %dma_start3A_119 = arith.constant 0 : i32
    %dma_start3A_120 = tpu.memref_slice %arg2[%dma_start3A_118, %dma_start3A_119] : memref<16384x128xi32, #tpu.memory_space<hbm>> -> memref<16384x128xi32, #tpu.memory_space<hbm>>
    tpu.enqueue_indirect_dma source(%dma_start3A_120 : memref<16384x128xi32, #tpu.memory_space<hbm>>) target(%arg6 : memref<128x128xi32, #tpu.memory_space<vmem>>) offsets(%dma_start3A_117 : memref<128xi32, #tpu.memory_space<vmem>>) semaphore(%arg10 : memref<!tpu.dma_semaphore, #tpu.memory_space<semaphore_mem>>)
    %dma_wait3A_121 = arith.constant 640 : i32
    %dma_wait3A_122 = tpu.memref_slice %arg5[%dma_wait3A_121] : memref<2048xi32, #tpu.memory_space<vmem>> -> memref<128xi32, #tpu.memory_space<vmem>>
    %dma_wait3A_123 = arith.constant 0 : i32
    %dma_wait3A_124 = arith.constant 0 : i32
    %dma_wait3A_125 = tpu.memref_slice %arg2[%dma_wait3A_123, %dma_wait3A_124] : memref<16384x128xi32, #tpu.memory_space<hbm>> -> memref<16384x128xi32, #tpu.memory_space<hbm>>
    tpu.wait_indirect_dma semaphore(%arg11 : memref<!tpu.dma_semaphore, #tpu.memory_space<semaphore_mem>>) src(%dma_wait3A_125 : memref<16384x128xi32, #tpu.memory_space<hbm>>) dst(%arg7 : memref<128x128xi32, #tpu.memory_space<vmem>>)
    %add3A_126 = arith.constant 640 : i32
    %add3A_127 = arith.addi %mul3A_2, %add3A_126 : i32
    %dma_start3A_128 = arith.constant 0 : i32
    %dma_start3A_129 = tpu.memref_slice %arg4[%add3A_127, %dma_start3A_128] : memref<65536x128xi32, #tpu.memory_space<hbm>> -> memref<128x128xi32, #tpu.memory_space<hbm>>
    %dma_start3A_130 = arith.constant 0 : i32
    %dma_start3A_131 = tpu.memref_slice %arg4[%add3A_127, %dma_start3A_130] : memref<65536x128xi32, #tpu.memory_space<hbm>> -> memref<128x128xi32, #tpu.memory_space<hbm>>
    tpu.enqueue_dma source(%arg7 : memref<128x128xi32, #tpu.memory_space<vmem>>) target(%dma_start3A_131 : memref<128x128xi32, #tpu.memory_space<hbm>>) target_semaphore(%arg15 : memref<!tpu.dma_semaphore, #tpu.memory_space<semaphore_mem>>)
    %dma_wait3A_132 = arith.constant 0 : i32
    %dma_wait3A_133 = tpu.memref_slice %arg4[%add3A_127, %dma_wait3A_132] : memref<65536x128xi32, #tpu.memory_space<hbm>> -> memref<128x128xi32, #tpu.memory_space<hbm>>
    %dma_wait3A_134 = arith.constant 0 : i32
    %dma_wait3A_135 = tpu.memref_slice %arg4[%add3A_127, %dma_wait3A_134] : memref<65536x128xi32, #tpu.memory_space<hbm>> -> memref<128x128xi32, #tpu.memory_space<hbm>>
    tpu.wait_dma2 semaphore(%arg15 : memref<!tpu.dma_semaphore, #tpu.memory_space<semaphore_mem>>) src(%arg7 : memref<128x128xi32, #tpu.memory_space<vmem>>) dst(%dma_wait3A_135 : memref<128x128xi32, #tpu.memory_space<hbm>>)
    %dma_start3A_136 = arith.constant 1152 : i32
    %dma_start3A_137 = tpu.memref_slice %arg5[%dma_start3A_136] : memref<2048xi32, #tpu.memory_space<vmem>> -> memref<128xi32, #tpu.memory_space<vmem>>
    %dma_start3A_138 = arith.constant 0 : i32
    %dma_start3A_139 = arith.constant 0 : i32
    %dma_start3A_140 = tpu.memref_slice %arg2[%dma_start3A_138, %dma_start3A_139] : memref<16384x128xi32, #tpu.memory_space<hbm>> -> memref<16384x128xi32, #tpu.memory_space<hbm>>
    tpu.enqueue_indirect_dma source(%dma_start3A_140 : memref<16384x128xi32, #tpu.memory_space<hbm>>) target(%arg7 : memref<128x128xi32, #tpu.memory_space<vmem>>) offsets(%dma_start3A_137 : memref<128xi32, #tpu.memory_space<vmem>>) semaphore(%arg11 : memref<!tpu.dma_semaphore, #tpu.memory_space<semaphore_mem>>)
    %dma_wait3A_141 = arith.constant 768 : i32
    %dma_wait3A_142 = tpu.memref_slice %arg5[%dma_wait3A_141] : memref<2048xi32, #tpu.memory_space<vmem>> -> memref<128xi32, #tpu.memory_space<vmem>>
    %dma_wait3A_143 = arith.constant 0 : i32
    %dma_wait3A_144 = arith.constant 0 : i32
    %dma_wait3A_145 = tpu.memref_slice %arg2[%dma_wait3A_143, %dma_wait3A_144] : memref<16384x128xi32, #tpu.memory_space<hbm>> -> memref<16384x128xi32, #tpu.memory_space<hbm>>
    tpu.wait_indirect_dma semaphore(%arg12 : memref<!tpu.dma_semaphore, #tpu.memory_space<semaphore_mem>>) src(%dma_wait3A_145 : memref<16384x128xi32, #tpu.memory_space<hbm>>) dst(%arg8 : memref<128x128xi32, #tpu.memory_space<vmem>>)
    %add3A_146 = arith.constant 768 : i32
    %add3A_147 = arith.addi %mul3A_2, %add3A_146 : i32
    %dma_start3A_148 = arith.constant 0 : i32
    %dma_start3A_149 = tpu.memref_slice %arg4[%add3A_147, %dma_start3A_148] : memref<65536x128xi32, #tpu.memory_space<hbm>> -> memref<128x128xi32, #tpu.memory_space<hbm>>
    %dma_start3A_150 = arith.constant 0 : i32
    %dma_start3A_151 = tpu.memref_slice %arg4[%add3A_147, %dma_start3A_150] : memref<65536x128xi32, #tpu.memory_space<hbm>> -> memref<128x128xi32, #tpu.memory_space<hbm>>
    tpu.enqueue_dma source(%arg8 : memref<128x128xi32, #tpu.memory_space<vmem>>) target(%dma_start3A_151 : memref<128x128xi32, #tpu.memory_space<hbm>>) target_semaphore(%arg16 : memref<!tpu.dma_semaphore, #tpu.memory_space<semaphore_mem>>)
    %dma_wait3A_152 = arith.constant 0 : i32
    %dma_wait3A_153 = tpu.memref_slice %arg4[%add3A_147, %dma_wait3A_152] : memref<65536x128xi32, #tpu.memory_space<hbm>> -> memref<128x128xi32, #tpu.memory_space<hbm>>
    %dma_wait3A_154 = arith.constant 0 : i32
    %dma_wait3A_155 = tpu.memref_slice %arg4[%add3A_147, %dma_wait3A_154] : memref<65536x128xi32, #tpu.memory_space<hbm>> -> memref<128x128xi32, #tpu.memory_space<hbm>>
    tpu.wait_dma2 semaphore(%arg16 : memref<!tpu.dma_semaphore, #tpu.memory_space<semaphore_mem>>) src(%arg8 : memref<128x128xi32, #tpu.memory_space<vmem>>) dst(%dma_wait3A_155 : memref<128x128xi32, #tpu.memory_space<hbm>>)
    %dma_start3A_156 = arith.constant 1280 : i32
    %dma_start3A_157 = tpu.memref_slice %arg5[%dma_start3A_156] : memref<2048xi32, #tpu.memory_space<vmem>> -> memref<128xi32, #tpu.memory_space<vmem>>
    %dma_start3A_158 = arith.constant 0 : i32
    %dma_start3A_159 = arith.constant 0 : i32
    %dma_start3A_160 = tpu.memref_slice %arg2[%dma_start3A_158, %dma_start3A_159] : memref<16384x128xi32, #tpu.memory_space<hbm>> -> memref<16384x128xi32, #tpu.memory_space<hbm>>
    tpu.enqueue_indirect_dma source(%dma_start3A_160 : memref<16384x128xi32, #tpu.memory_space<hbm>>) target(%arg8 : memref<128x128xi32, #tpu.memory_space<vmem>>) offsets(%dma_start3A_157 : memref<128xi32, #tpu.memory_space<vmem>>) semaphore(%arg12 : memref<!tpu.dma_semaphore, #tpu.memory_space<semaphore_mem>>)
    %dma_wait3A_161 = arith.constant 896 : i32
    %dma_wait3A_162 = tpu.memref_slice %arg5[%dma_wait3A_161] : memref<2048xi32, #tpu.memory_space<vmem>> -> memref<128xi32, #tpu.memory_space<vmem>>
    %dma_wait3A_163 = arith.constant 0 : i32
    %dma_wait3A_164 = arith.constant 0 : i32
    %dma_wait3A_165 = tpu.memref_slice %arg2[%dma_wait3A_163, %dma_wait3A_164] : memref<16384x128xi32, #tpu.memory_space<hbm>> -> memref<16384x128xi32, #tpu.memory_space<hbm>>
    tpu.wait_indirect_dma semaphore(%arg13 : memref<!tpu.dma_semaphore, #tpu.memory_space<semaphore_mem>>) src(%dma_wait3A_165 : memref<16384x128xi32, #tpu.memory_space<hbm>>) dst(%arg9 : memref<128x128xi32, #tpu.memory_space<vmem>>)
    %add3A_166 = arith.constant 896 : i32
    %add3A_167 = arith.addi %mul3A_2, %add3A_166 : i32
    %dma_start3A_168 = arith.constant 0 : i32
    %dma_start3A_169 = tpu.memref_slice %arg4[%add3A_167, %dma_start3A_168] : memref<65536x128xi32, #tpu.memory_space<hbm>> -> memref<128x128xi32, #tpu.memory_space<hbm>>
    %dma_start3A_170 = arith.constant 0 : i32
    %dma_start3A_171 = tpu.memref_slice %arg4[%add3A_167, %dma_start3A_170] : memref<65536x128xi32, #tpu.memory_space<hbm>> -> memref<128x128xi32, #tpu.memory_space<hbm>>
    tpu.enqueue_dma source(%arg9 : memref<128x128xi32, #tpu.memory_space<vmem>>) target(%dma_start3A_171 : memref<128x128xi32, #tpu.memory_space<hbm>>) target_semaphore(%arg17 : memref<!tpu.dma_semaphore, #tpu.memory_space<semaphore_mem>>)
    %dma_wait3A_172 = arith.constant 0 : i32
    %dma_wait3A_173 = tpu.memref_slice %arg4[%add3A_167, %dma_wait3A_172] : memref<65536x128xi32, #tpu.memory_space<hbm>> -> memref<128x128xi32, #tpu.memory_space<hbm>>
    %dma_wait3A_174 = arith.constant 0 : i32
    %dma_wait3A_175 = tpu.memref_slice %arg4[%add3A_167, %dma_wait3A_174] : memref<65536x128xi32, #tpu.memory_space<hbm>> -> memref<128x128xi32, #tpu.memory_space<hbm>>
    tpu.wait_dma2 semaphore(%arg17 : memref<!tpu.dma_semaphore, #tpu.memory_space<semaphore_mem>>) src(%arg9 : memref<128x128xi32, #tpu.memory_space<vmem>>) dst(%dma_wait3A_175 : memref<128x128xi32, #tpu.memory_space<hbm>>)
    %dma_start3A_176 = arith.constant 1408 : i32
    %dma_start3A_177 = tpu.memref_slice %arg5[%dma_start3A_176] : memref<2048xi32, #tpu.memory_space<vmem>> -> memref<128xi32, #tpu.memory_space<vmem>>
    %dma_start3A_178 = arith.constant 0 : i32
    %dma_start3A_179 = arith.constant 0 : i32
    %dma_start3A_180 = tpu.memref_slice %arg2[%dma_start3A_178, %dma_start3A_179] : memref<16384x128xi32, #tpu.memory_space<hbm>> -> memref<16384x128xi32, #tpu.memory_space<hbm>>
    tpu.enqueue_indirect_dma source(%dma_start3A_180 : memref<16384x128xi32, #tpu.memory_space<hbm>>) target(%arg9 : memref<128x128xi32, #tpu.memory_space<vmem>>) offsets(%dma_start3A_177 : memref<128xi32, #tpu.memory_space<vmem>>) semaphore(%arg13 : memref<!tpu.dma_semaphore, #tpu.memory_space<semaphore_mem>>)
    %dma_wait3A_181 = arith.constant 1024 : i32
    %dma_wait3A_182 = tpu.memref_slice %arg5[%dma_wait3A_181] : memref<2048xi32, #tpu.memory_space<vmem>> -> memref<128xi32, #tpu.memory_space<vmem>>
    %dma_wait3A_183 = arith.constant 0 : i32
    %dma_wait3A_184 = arith.constant 0 : i32
    %dma_wait3A_185 = tpu.memref_slice %arg2[%dma_wait3A_183, %dma_wait3A_184] : memref<16384x128xi32, #tpu.memory_space<hbm>> -> memref<16384x128xi32, #tpu.memory_space<hbm>>
    tpu.wait_indirect_dma semaphore(%arg10 : memref<!tpu.dma_semaphore, #tpu.memory_space<semaphore_mem>>) src(%dma_wait3A_185 : memref<16384x128xi32, #tpu.memory_space<hbm>>) dst(%arg6 : memref<128x128xi32, #tpu.memory_space<vmem>>)
    %add3A_186 = arith.constant 1024 : i32
    %add3A_187 = arith.addi %mul3A_2, %add3A_186 : i32
    %dma_start3A_188 = arith.constant 0 : i32
    %dma_start3A_189 = tpu.memref_slice %arg4[%add3A_187, %dma_start3A_188] : memref<65536x128xi32, #tpu.memory_space<hbm>> -> memref<128x128xi32, #tpu.memory_space<hbm>>
    %dma_start3A_190 = arith.constant 0 : i32
    %dma_start3A_191 = tpu.memref_slice %arg4[%add3A_187, %dma_start3A_190] : memref<65536x128xi32, #tpu.memory_space<hbm>> -> memref<128x128xi32, #tpu.memory_space<hbm>>
    tpu.enqueue_dma source(%arg6 : memref<128x128xi32, #tpu.memory_space<vmem>>) target(%dma_start3A_191 : memref<128x128xi32, #tpu.memory_space<hbm>>) target_semaphore(%arg14 : memref<!tpu.dma_semaphore, #tpu.memory_space<semaphore_mem>>)
    %dma_wait3A_192 = arith.constant 0 : i32
    %dma_wait3A_193 = tpu.memref_slice %arg4[%add3A_187, %dma_wait3A_192] : memref<65536x128xi32, #tpu.memory_space<hbm>> -> memref<128x128xi32, #tpu.memory_space<hbm>>
    %dma_wait3A_194 = arith.constant 0 : i32
    %dma_wait3A_195 = tpu.memref_slice %arg4[%add3A_187, %dma_wait3A_194] : memref<65536x128xi32, #tpu.memory_space<hbm>> -> memref<128x128xi32, #tpu.memory_space<hbm>>
    tpu.wait_dma2 semaphore(%arg14 : memref<!tpu.dma_semaphore, #tpu.memory_space<semaphore_mem>>) src(%arg6 : memref<128x128xi32, #tpu.memory_space<vmem>>) dst(%dma_wait3A_195 : memref<128x128xi32, #tpu.memory_space<hbm>>)
    %dma_start3A_196 = arith.constant 1536 : i32
    %dma_start3A_197 = tpu.memref_slice %arg5[%dma_start3A_196] : memref<2048xi32, #tpu.memory_space<vmem>> -> memref<128xi32, #tpu.memory_space<vmem>>
    %dma_start3A_198 = arith.constant 0 : i32
    %dma_start3A_199 = arith.constant 0 : i32
    %dma_start3A_200 = tpu.memref_slice %arg2[%dma_start3A_198, %dma_start3A_199] : memref<16384x128xi32, #tpu.memory_space<hbm>> -> memref<16384x128xi32, #tpu.memory_space<hbm>>
    tpu.enqueue_indirect_dma source(%dma_start3A_200 : memref<16384x128xi32, #tpu.memory_space<hbm>>) target(%arg6 : memref<128x128xi32, #tpu.memory_space<vmem>>) offsets(%dma_start3A_197 : memref<128xi32, #tpu.memory_space<vmem>>) semaphore(%arg10 : memref<!tpu.dma_semaphore, #tpu.memory_space<semaphore_mem>>)
    %dma_wait3A_201 = arith.constant 1152 : i32
    %dma_wait3A_202 = tpu.memref_slice %arg5[%dma_wait3A_201] : memref<2048xi32, #tpu.memory_space<vmem>> -> memref<128xi32, #tpu.memory_space<vmem>>
    %dma_wait3A_203 = arith.constant 0 : i32
    %dma_wait3A_204 = arith.constant 0 : i32
    %dma_wait3A_205 = tpu.memref_slice %arg2[%dma_wait3A_203, %dma_wait3A_204] : memref<16384x128xi32, #tpu.memory_space<hbm>> -> memref<16384x128xi32, #tpu.memory_space<hbm>>
    tpu.wait_indirect_dma semaphore(%arg11 : memref<!tpu.dma_semaphore, #tpu.memory_space<semaphore_mem>>) src(%dma_wait3A_205 : memref<16384x128xi32, #tpu.memory_space<hbm>>) dst(%arg7 : memref<128x128xi32, #tpu.memory_space<vmem>>)
    %add3A_206 = arith.constant 1152 : i32
    %add3A_207 = arith.addi %mul3A_2, %add3A_206 : i32
    %dma_start3A_208 = arith.constant 0 : i32
    %dma_start3A_209 = tpu.memref_slice %arg4[%add3A_207, %dma_start3A_208] : memref<65536x128xi32, #tpu.memory_space<hbm>> -> memref<128x128xi32, #tpu.memory_space<hbm>>
    %dma_start3A_210 = arith.constant 0 : i32
    %dma_start3A_211 = tpu.memref_slice %arg4[%add3A_207, %dma_start3A_210] : memref<65536x128xi32, #tpu.memory_space<hbm>> -> memref<128x128xi32, #tpu.memory_space<hbm>>
    tpu.enqueue_dma source(%arg7 : memref<128x128xi32, #tpu.memory_space<vmem>>) target(%dma_start3A_211 : memref<128x128xi32, #tpu.memory_space<hbm>>) target_semaphore(%arg15 : memref<!tpu.dma_semaphore, #tpu.memory_space<semaphore_mem>>)
    %dma_wait3A_212 = arith.constant 0 : i32
    %dma_wait3A_213 = tpu.memref_slice %arg4[%add3A_207, %dma_wait3A_212] : memref<65536x128xi32, #tpu.memory_space<hbm>> -> memref<128x128xi32, #tpu.memory_space<hbm>>
    %dma_wait3A_214 = arith.constant 0 : i32
    %dma_wait3A_215 = tpu.memref_slice %arg4[%add3A_207, %dma_wait3A_214] : memref<65536x128xi32, #tpu.memory_space<hbm>> -> memref<128x128xi32, #tpu.memory_space<hbm>>
    tpu.wait_dma2 semaphore(%arg15 : memref<!tpu.dma_semaphore, #tpu.memory_space<semaphore_mem>>) src(%arg7 : memref<128x128xi32, #tpu.memory_space<vmem>>) dst(%dma_wait3A_215 : memref<128x128xi32, #tpu.memory_space<hbm>>)
    %dma_start3A_216 = arith.constant 1664 : i32
    %dma_start3A_217 = tpu.memref_slice %arg5[%dma_start3A_216] : memref<2048xi32, #tpu.memory_space<vmem>> -> memref<128xi32, #tpu.memory_space<vmem>>
    %dma_start3A_218 = arith.constant 0 : i32
    %dma_start3A_219 = arith.constant 0 : i32
    %dma_start3A_220 = tpu.memref_slice %arg2[%dma_start3A_218, %dma_start3A_219] : memref<16384x128xi32, #tpu.memory_space<hbm>> -> memref<16384x128xi32, #tpu.memory_space<hbm>>
    tpu.enqueue_indirect_dma source(%dma_start3A_220 : memref<16384x128xi32, #tpu.memory_space<hbm>>) target(%arg7 : memref<128x128xi32, #tpu.memory_space<vmem>>) offsets(%dma_start3A_217 : memref<128xi32, #tpu.memory_space<vmem>>) semaphore(%arg11 : memref<!tpu.dma_semaphore, #tpu.memory_space<semaphore_mem>>)
    %dma_wait3A_221 = arith.constant 1280 : i32
    %dma_wait3A_222 = tpu.memref_slice %arg5[%dma_wait3A_221] : memref<2048xi32, #tpu.memory_space<vmem>> -> memref<128xi32, #tpu.memory_space<vmem>>
    %dma_wait3A_223 = arith.constant 0 : i32
    %dma_wait3A_224 = arith.constant 0 : i32
    %dma_wait3A_225 = tpu.memref_slice %arg2[%dma_wait3A_223, %dma_wait3A_224] : memref<16384x128xi32, #tpu.memory_space<hbm>> -> memref<16384x128xi32, #tpu.memory_space<hbm>>
    tpu.wait_indirect_dma semaphore(%arg12 : memref<!tpu.dma_semaphore, #tpu.memory_space<semaphore_mem>>) src(%dma_wait3A_225 : memref<16384x128xi32, #tpu.memory_space<hbm>>) dst(%arg8 : memref<128x128xi32, #tpu.memory_space<vmem>>)
    %add3A_226 = arith.constant 1280 : i32
    %add3A_227 = arith.addi %mul3A_2, %add3A_226 : i32
    %dma_start3A_228 = arith.constant 0 : i32
    %dma_start3A_229 = tpu.memref_slice %arg4[%add3A_227, %dma_start3A_228] : memref<65536x128xi32, #tpu.memory_space<hbm>> -> memref<128x128xi32, #tpu.memory_space<hbm>>
    %dma_start3A_230 = arith.constant 0 : i32
    %dma_start3A_231 = tpu.memref_slice %arg4[%add3A_227, %dma_start3A_230] : memref<65536x128xi32, #tpu.memory_space<hbm>> -> memref<128x128xi32, #tpu.memory_space<hbm>>
    tpu.enqueue_dma source(%arg8 : memref<128x128xi32, #tpu.memory_space<vmem>>) target(%dma_start3A_231 : memref<128x128xi32, #tpu.memory_space<hbm>>) target_semaphore(%arg16 : memref<!tpu.dma_semaphore, #tpu.memory_space<semaphore_mem>>)
    %dma_wait3A_232 = arith.constant 0 : i32
    %dma_wait3A_233 = tpu.memref_slice %arg4[%add3A_227, %dma_wait3A_232] : memref<65536x128xi32, #tpu.memory_space<hbm>> -> memref<128x128xi32, #tpu.memory_space<hbm>>
    %dma_wait3A_234 = arith.constant 0 : i32
    %dma_wait3A_235 = tpu.memref_slice %arg4[%add3A_227, %dma_wait3A_234] : memref<65536x128xi32, #tpu.memory_space<hbm>> -> memref<128x128xi32, #tpu.memory_space<hbm>>
    tpu.wait_dma2 semaphore(%arg16 : memref<!tpu.dma_semaphore, #tpu.memory_space<semaphore_mem>>) src(%arg8 : memref<128x128xi32, #tpu.memory_space<vmem>>) dst(%dma_wait3A_235 : memref<128x128xi32, #tpu.memory_space<hbm>>)
    %dma_start3A_236 = arith.constant 1792 : i32
    %dma_start3A_237 = tpu.memref_slice %arg5[%dma_start3A_236] : memref<2048xi32, #tpu.memory_space<vmem>> -> memref<128xi32, #tpu.memory_space<vmem>>
    %dma_start3A_238 = arith.constant 0 : i32
    %dma_start3A_239 = arith.constant 0 : i32
    %dma_start3A_240 = tpu.memref_slice %arg2[%dma_start3A_238, %dma_start3A_239] : memref<16384x128xi32, #tpu.memory_space<hbm>> -> memref<16384x128xi32, #tpu.memory_space<hbm>>
    tpu.enqueue_indirect_dma source(%dma_start3A_240 : memref<16384x128xi32, #tpu.memory_space<hbm>>) target(%arg8 : memref<128x128xi32, #tpu.memory_space<vmem>>) offsets(%dma_start3A_237 : memref<128xi32, #tpu.memory_space<vmem>>) semaphore(%arg12 : memref<!tpu.dma_semaphore, #tpu.memory_space<semaphore_mem>>)
    %dma_wait3A_241 = arith.constant 1408 : i32
    %dma_wait3A_242 = tpu.memref_slice %arg5[%dma_wait3A_241] : memref<2048xi32, #tpu.memory_space<vmem>> -> memref<128xi32, #tpu.memory_space<vmem>>
    %dma_wait3A_243 = arith.constant 0 : i32
    %dma_wait3A_244 = arith.constant 0 : i32
    %dma_wait3A_245 = tpu.memref_slice %arg2[%dma_wait3A_243, %dma_wait3A_244] : memref<16384x128xi32, #tpu.memory_space<hbm>> -> memref<16384x128xi32, #tpu.memory_space<hbm>>
    tpu.wait_indirect_dma semaphore(%arg13 : memref<!tpu.dma_semaphore, #tpu.memory_space<semaphore_mem>>) src(%dma_wait3A_245 : memref<16384x128xi32, #tpu.memory_space<hbm>>) dst(%arg9 : memref<128x128xi32, #tpu.memory_space<vmem>>)
    %add3A_246 = arith.constant 1408 : i32
    %add3A_247 = arith.addi %mul3A_2, %add3A_246 : i32
    %dma_start3A_248 = arith.constant 0 : i32
    %dma_start3A_249 = tpu.memref_slice %arg4[%add3A_247, %dma_start3A_248] : memref<65536x128xi32, #tpu.memory_space<hbm>> -> memref<128x128xi32, #tpu.memory_space<hbm>>
    %dma_start3A_250 = arith.constant 0 : i32
    %dma_start3A_251 = tpu.memref_slice %arg4[%add3A_247, %dma_start3A_250] : memref<65536x128xi32, #tpu.memory_space<hbm>> -> memref<128x128xi32, #tpu.memory_space<hbm>>
    tpu.enqueue_dma source(%arg9 : memref<128x128xi32, #tpu.memory_space<vmem>>) target(%dma_start3A_251 : memref<128x128xi32, #tpu.memory_space<hbm>>) target_semaphore(%arg17 : memref<!tpu.dma_semaphore, #tpu.memory_space<semaphore_mem>>)
    %dma_wait3A_252 = arith.constant 0 : i32
    %dma_wait3A_253 = tpu.memref_slice %arg4[%add3A_247, %dma_wait3A_252] : memref<65536x128xi32, #tpu.memory_space<hbm>> -> memref<128x128xi32, #tpu.memory_space<hbm>>
    %dma_wait3A_254 = arith.constant 0 : i32
    %dma_wait3A_255 = tpu.memref_slice %arg4[%add3A_247, %dma_wait3A_254] : memref<65536x128xi32, #tpu.memory_space<hbm>> -> memref<128x128xi32, #tpu.memory_space<hbm>>
    tpu.wait_dma2 semaphore(%arg17 : memref<!tpu.dma_semaphore, #tpu.memory_space<semaphore_mem>>) src(%arg9 : memref<128x128xi32, #tpu.memory_space<vmem>>) dst(%dma_wait3A_255 : memref<128x128xi32, #tpu.memory_space<hbm>>)
    %dma_start3A_256 = arith.constant 1920 : i32
    %dma_start3A_257 = tpu.memref_slice %arg5[%dma_start3A_256] : memref<2048xi32, #tpu.memory_space<vmem>> -> memref<128xi32, #tpu.memory_space<vmem>>
    %dma_start3A_258 = arith.constant 0 : i32
    %dma_start3A_259 = arith.constant 0 : i32
    %dma_start3A_260 = tpu.memref_slice %arg2[%dma_start3A_258, %dma_start3A_259] : memref<16384x128xi32, #tpu.memory_space<hbm>> -> memref<16384x128xi32, #tpu.memory_space<hbm>>
    tpu.enqueue_indirect_dma source(%dma_start3A_260 : memref<16384x128xi32, #tpu.memory_space<hbm>>) target(%arg9 : memref<128x128xi32, #tpu.memory_space<vmem>>) offsets(%dma_start3A_257 : memref<128xi32, #tpu.memory_space<vmem>>) semaphore(%arg13 : memref<!tpu.dma_semaphore, #tpu.memory_space<semaphore_mem>>)
    %dma_wait3A_261 = arith.constant 1536 : i32
    %dma_wait3A_262 = tpu.memref_slice %arg5[%dma_wait3A_261] : memref<2048xi32, #tpu.memory_space<vmem>> -> memref<128xi32, #tpu.memory_space<vmem>>
    %dma_wait3A_263 = arith.constant 0 : i32
    %dma_wait3A_264 = arith.constant 0 : i32
    %dma_wait3A_265 = tpu.memref_slice %arg2[%dma_wait3A_263, %dma_wait3A_264] : memref<16384x128xi32, #tpu.memory_space<hbm>> -> memref<16384x128xi32, #tpu.memory_space<hbm>>
    tpu.wait_indirect_dma semaphore(%arg10 : memref<!tpu.dma_semaphore, #tpu.memory_space<semaphore_mem>>) src(%dma_wait3A_265 : memref<16384x128xi32, #tpu.memory_space<hbm>>) dst(%arg6 : memref<128x128xi32, #tpu.memory_space<vmem>>)
    %add3A_266 = arith.constant 1536 : i32
    %add3A_267 = arith.addi %mul3A_2, %add3A_266 : i32
    %dma_start3A_268 = arith.constant 0 : i32
    %dma_start3A_269 = tpu.memref_slice %arg4[%add3A_267, %dma_start3A_268] : memref<65536x128xi32, #tpu.memory_space<hbm>> -> memref<128x128xi32, #tpu.memory_space<hbm>>
    %dma_start3A_270 = arith.constant 0 : i32
    %dma_start3A_271 = tpu.memref_slice %arg4[%add3A_267, %dma_start3A_270] : memref<65536x128xi32, #tpu.memory_space<hbm>> -> memref<128x128xi32, #tpu.memory_space<hbm>>
    tpu.enqueue_dma source(%arg6 : memref<128x128xi32, #tpu.memory_space<vmem>>) target(%dma_start3A_271 : memref<128x128xi32, #tpu.memory_space<hbm>>) target_semaphore(%arg14 : memref<!tpu.dma_semaphore, #tpu.memory_space<semaphore_mem>>)
    %dma_wait3A_272 = arith.constant 1664 : i32
    %dma_wait3A_273 = tpu.memref_slice %arg5[%dma_wait3A_272] : memref<2048xi32, #tpu.memory_space<vmem>> -> memref<128xi32, #tpu.memory_space<vmem>>
    %dma_wait3A_274 = arith.constant 0 : i32
    %dma_wait3A_275 = arith.constant 0 : i32
    %dma_wait3A_276 = tpu.memref_slice %arg2[%dma_wait3A_274, %dma_wait3A_275] : memref<16384x128xi32, #tpu.memory_space<hbm>> -> memref<16384x128xi32, #tpu.memory_space<hbm>>
    tpu.wait_indirect_dma semaphore(%arg11 : memref<!tpu.dma_semaphore, #tpu.memory_space<semaphore_mem>>) src(%dma_wait3A_276 : memref<16384x128xi32, #tpu.memory_space<hbm>>) dst(%arg7 : memref<128x128xi32, #tpu.memory_space<vmem>>)
    %add3A_277 = arith.constant 1664 : i32
    %add3A_278 = arith.addi %mul3A_2, %add3A_277 : i32
    %dma_start3A_279 = arith.constant 0 : i32
    %dma_start3A_280 = tpu.memref_slice %arg4[%add3A_278, %dma_start3A_279] : memref<65536x128xi32, #tpu.memory_space<hbm>> -> memref<128x128xi32, #tpu.memory_space<hbm>>
    %dma_start3A_281 = arith.constant 0 : i32
    %dma_start3A_282 = tpu.memref_slice %arg4[%add3A_278, %dma_start3A_281] : memref<65536x128xi32, #tpu.memory_space<hbm>> -> memref<128x128xi32, #tpu.memory_space<hbm>>
    tpu.enqueue_dma source(%arg7 : memref<128x128xi32, #tpu.memory_space<vmem>>) target(%dma_start3A_282 : memref<128x128xi32, #tpu.memory_space<hbm>>) target_semaphore(%arg15 : memref<!tpu.dma_semaphore, #tpu.memory_space<semaphore_mem>>)
    %dma_wait3A_283 = arith.constant 1792 : i32
    %dma_wait3A_284 = tpu.memref_slice %arg5[%dma_wait3A_283] : memref<2048xi32, #tpu.memory_space<vmem>> -> memref<128xi32, #tpu.memory_space<vmem>>
    %dma_wait3A_285 = arith.constant 0 : i32
    %dma_wait3A_286 = arith.constant 0 : i32
    %dma_wait3A_287 = tpu.memref_slice %arg2[%dma_wait3A_285, %dma_wait3A_286] : memref<16384x128xi32, #tpu.memory_space<hbm>> -> memref<16384x128xi32, #tpu.memory_space<hbm>>
    tpu.wait_indirect_dma semaphore(%arg12 : memref<!tpu.dma_semaphore, #tpu.memory_space<semaphore_mem>>) src(%dma_wait3A_287 : memref<16384x128xi32, #tpu.memory_space<hbm>>) dst(%arg8 : memref<128x128xi32, #tpu.memory_space<vmem>>)
    %add3A_288 = arith.constant 1792 : i32
    %add3A_289 = arith.addi %mul3A_2, %add3A_288 : i32
    %dma_start3A_290 = arith.constant 0 : i32
    %dma_start3A_291 = tpu.memref_slice %arg4[%add3A_289, %dma_start3A_290] : memref<65536x128xi32, #tpu.memory_space<hbm>> -> memref<128x128xi32, #tpu.memory_space<hbm>>
    %dma_start3A_292 = arith.constant 0 : i32
    %dma_start3A_293 = tpu.memref_slice %arg4[%add3A_289, %dma_start3A_292] : memref<65536x128xi32, #tpu.memory_space<hbm>> -> memref<128x128xi32, #tpu.memory_space<hbm>>
    tpu.enqueue_dma source(%arg8 : memref<128x128xi32, #tpu.memory_space<vmem>>) target(%dma_start3A_293 : memref<128x128xi32, #tpu.memory_space<hbm>>) target_semaphore(%arg16 : memref<!tpu.dma_semaphore, #tpu.memory_space<semaphore_mem>>)
    %dma_wait3A_294 = arith.constant 1920 : i32
    %dma_wait3A_295 = tpu.memref_slice %arg5[%dma_wait3A_294] : memref<2048xi32, #tpu.memory_space<vmem>> -> memref<128xi32, #tpu.memory_space<vmem>>
    %dma_wait3A_296 = arith.constant 0 : i32
    %dma_wait3A_297 = arith.constant 0 : i32
    %dma_wait3A_298 = tpu.memref_slice %arg2[%dma_wait3A_296, %dma_wait3A_297] : memref<16384x128xi32, #tpu.memory_space<hbm>> -> memref<16384x128xi32, #tpu.memory_space<hbm>>
    tpu.wait_indirect_dma semaphore(%arg13 : memref<!tpu.dma_semaphore, #tpu.memory_space<semaphore_mem>>) src(%dma_wait3A_298 : memref<16384x128xi32, #tpu.memory_space<hbm>>) dst(%arg9 : memref<128x128xi32, #tpu.memory_space<vmem>>)
    %add3A_299 = arith.constant 1920 : i32
    %add3A_300 = arith.addi %mul3A_2, %add3A_299 : i32
    %dma_start3A_301 = arith.constant 0 : i32
    %dma_start3A_302 = tpu.memref_slice %arg4[%add3A_300, %dma_start3A_301] : memref<65536x128xi32, #tpu.memory_space<hbm>> -> memref<128x128xi32, #tpu.memory_space<hbm>>
    %dma_start3A_303 = arith.constant 0 : i32
    %dma_start3A_304 = tpu.memref_slice %arg4[%add3A_300, %dma_start3A_303] : memref<65536x128xi32, #tpu.memory_space<hbm>> -> memref<128x128xi32, #tpu.memory_space<hbm>>
    tpu.enqueue_dma source(%arg9 : memref<128x128xi32, #tpu.memory_space<vmem>>) target(%dma_start3A_304 : memref<128x128xi32, #tpu.memory_space<hbm>>) target_semaphore(%arg17 : memref<!tpu.dma_semaphore, #tpu.memory_space<semaphore_mem>>)
    %dma_wait3A_305 = arith.constant 0 : i32
    %dma_wait3A_306 = tpu.memref_slice %arg4[%add3A_267, %dma_wait3A_305] : memref<65536x128xi32, #tpu.memory_space<hbm>> -> memref<128x128xi32, #tpu.memory_space<hbm>>
    %dma_wait3A_307 = arith.constant 0 : i32
    %dma_wait3A_308 = tpu.memref_slice %arg4[%add3A_267, %dma_wait3A_307] : memref<65536x128xi32, #tpu.memory_space<hbm>> -> memref<128x128xi32, #tpu.memory_space<hbm>>
    tpu.wait_dma2 semaphore(%arg14 : memref<!tpu.dma_semaphore, #tpu.memory_space<semaphore_mem>>) src(%arg6 : memref<128x128xi32, #tpu.memory_space<vmem>>) dst(%dma_wait3A_308 : memref<128x128xi32, #tpu.memory_space<hbm>>)
    %dma_wait3A_309 = arith.constant 0 : i32
    %dma_wait3A_310 = tpu.memref_slice %arg4[%add3A_278, %dma_wait3A_309] : memref<65536x128xi32, #tpu.memory_space<hbm>> -> memref<128x128xi32, #tpu.memory_space<hbm>>
    %dma_wait3A_311 = arith.constant 0 : i32
    %dma_wait3A_312 = tpu.memref_slice %arg4[%add3A_278, %dma_wait3A_311] : memref<65536x128xi32, #tpu.memory_space<hbm>> -> memref<128x128xi32, #tpu.memory_space<hbm>>
    tpu.wait_dma2 semaphore(%arg15 : memref<!tpu.dma_semaphore, #tpu.memory_space<semaphore_mem>>) src(%arg7 : memref<128x128xi32, #tpu.memory_space<vmem>>) dst(%dma_wait3A_312 : memref<128x128xi32, #tpu.memory_space<hbm>>)
    %dma_wait3A_313 = arith.constant 0 : i32
    %dma_wait3A_314 = tpu.memref_slice %arg4[%add3A_289, %dma_wait3A_313] : memref<65536x128xi32, #tpu.memory_space<hbm>> -> memref<128x128xi32, #tpu.memory_space<hbm>>
    %dma_wait3A_315 = arith.constant 0 : i32
    %dma_wait3A_316 = tpu.memref_slice %arg4[%add3A_289, %dma_wait3A_315] : memref<65536x128xi32, #tpu.memory_space<hbm>> -> memref<128x128xi32, #tpu.memory_space<hbm>>
    tpu.wait_dma2 semaphore(%arg16 : memref<!tpu.dma_semaphore, #tpu.memory_space<semaphore_mem>>) src(%arg8 : memref<128x128xi32, #tpu.memory_space<vmem>>) dst(%dma_wait3A_316 : memref<128x128xi32, #tpu.memory_space<hbm>>)
    %dma_wait3A_317 = arith.constant 0 : i32
    %dma_wait3A_318 = tpu.memref_slice %arg4[%add3A_300, %dma_wait3A_317] : memref<65536x128xi32, #tpu.memory_space<hbm>> -> memref<128x128xi32, #tpu.memory_space<hbm>>
    %dma_wait3A_319 = arith.constant 0 : i32
    %dma_wait3A_320 = tpu.memref_slice %arg4[%add3A_300, %dma_wait3A_319] : memref<65536x128xi32, #tpu.memory_space<hbm>> -> memref<128x128xi32, #tpu.memory_space<hbm>>
    tpu.wait_dma2 semaphore(%arg17 : memref<!tpu.dma_semaphore, #tpu.memory_space<semaphore_mem>>) src(%arg9 : memref<128x128xi32, #tpu.memory_space<vmem>>) dst(%dma_wait3A_320 : memref<128x128xi32, #tpu.memory_space<hbm>>)
    return
  }
}

module attributes {stable_mosaic.version = 14 : i64} {
  func.func @_select_body(%arg0: i32, %arg1: i32, %arg2: memref<1x512x8xf32, #tpu.memory_space<vmem>>, %arg3: memref<1x8x1024xf32, #tpu.memory_space<vmem>>, %arg4: memref<8x512xi32, #tpu.memory_space<vmem>>) attributes {dimension_semantics = [#tpu.dimension_semantics<arbitrary>, #tpu.dimension_semantics<arbitrary>], iteration_bounds = array<i64: 8, 2>, scalar_prefetch = 0 : i64, scratch_operands = 0 : i64, tpu.core_type = #tpu.core_type<tc>, window_params = [{transform_indices = @transform_0, window_bounds = array<i64: 1, 512, 8>}, {transform_indices = @transform_1, window_bounds = array<i64: 1, 8, 1024>}, {transform_indices = @transform_2, window_bounds = array<i64: 8, 512>}]} {
    %get3A = arith.constant 0 : index
    %get3A_0 = arith.constant 0 : index
    %get3A_1 = arith.constant 0 : index
    %get3A_2 = vector.load %arg2[%get3A, %get3A_0, %get3A_1] : memref<1x512x8xf32, #tpu.memory_space<vmem>>, vector<1x512x8xf32>
    %get3A_3 = vector.shape_cast %get3A_2 : vector<1x512x8xf32> to vector<512x8xf32>
    %get3A_4 = arith.constant 0 : index
    %get3A_5 = arith.constant 0 : index
    %get3A_6 = arith.constant 0 : index
    %get3A_7 = vector.load %arg3[%get3A_4, %get3A_5, %get3A_6] : memref<1x8x1024xf32, #tpu.memory_space<vmem>>, vector<1x8x1024xf32>
    %get3A_8 = vector.shape_cast %get3A_7 : vector<1x8x1024xf32> to vector<8x1024xf32>
    %iota3A = tpu.iota {dimensions = array<i32: 1>} : vector<512x1024xi32>
    %iota3A_9 = tpu.iota {dimensions = array<i32: 0>} : vector<512x1024xi32>
    %mul3A = arith.constant 512 : i32
    %mul3A_10 = arith.muli %arg1, %mul3A : i32
    %add3A = vector.broadcast %mul3A_10 : i32 to vector<512x1024xi32>
    %add3A_11 = arith.addi %iota3A_9, %add3A : vector<512x1024xi32>
    %slice3A = vector.extract_strided_slice %get3A_8 {offsets = [0, 0], sizes = [1, 1024], strides = [1, 1]} : vector<8x1024xf32> to vector<1x1024xf32>
    %slice3A_12 = vector.extract_strided_slice %get3A_3 {offsets = [0, 0], sizes = [512, 1], strides = [1, 1]} : vector<512x8xf32> to vector<512x1xf32>
    %sub3A = vector.broadcast %slice3A : vector<1x1024xf32> to vector<512x1024xf32>
    %sub3A_13 = vector.broadcast %slice3A_12 : vector<512x1xf32> to vector<512x1024xf32>
    %sub3A_14 = arith.subf %sub3A, %sub3A_13 : vector<512x1024xf32>
    %slice3A_15 = vector.extract_strided_slice %get3A_8 {offsets = [1, 0], sizes = [1, 1024], strides = [1, 1]} : vector<8x1024xf32> to vector<1x1024xf32>
    %slice3A_16 = vector.extract_strided_slice %get3A_3 {offsets = [0, 1], sizes = [512, 1], strides = [1, 1]} : vector<512x8xf32> to vector<512x1xf32>
    %sub3A_17 = vector.broadcast %slice3A_15 : vector<1x1024xf32> to vector<512x1024xf32>
    %sub3A_18 = vector.broadcast %slice3A_16 : vector<512x1xf32> to vector<512x1024xf32>
    %sub3A_19 = arith.subf %sub3A_17, %sub3A_18 : vector<512x1024xf32>
    %slice3A_20 = vector.extract_strided_slice %get3A_8 {offsets = [2, 0], sizes = [1, 1024], strides = [1, 1]} : vector<8x1024xf32> to vector<1x1024xf32>
    %slice3A_21 = vector.extract_strided_slice %get3A_3 {offsets = [0, 2], sizes = [512, 1], strides = [1, 1]} : vector<512x8xf32> to vector<512x1xf32>
    %sub3A_22 = vector.broadcast %slice3A_20 : vector<1x1024xf32> to vector<512x1024xf32>
    %sub3A_23 = vector.broadcast %slice3A_21 : vector<512x1xf32> to vector<512x1024xf32>
    %sub3A_24 = arith.subf %sub3A_22, %sub3A_23 : vector<512x1024xf32>
    %mul3A_25 = arith.mulf %sub3A_14, %sub3A_14 : vector<512x1024xf32>
    %mul3A_26 = arith.mulf %sub3A_19, %sub3A_19 : vector<512x1024xf32>
    %add3A_27 = arith.addf %mul3A_25, %mul3A_26 : vector<512x1024xf32>
    %mul3A_28 = arith.mulf %sub3A_24, %sub3A_24 : vector<512x1024xf32>
    %add3A_29 = arith.addf %add3A_27, %mul3A_28 : vector<512x1024xf32>
    %gt3A = arith.constant 1.000000e-10 : f32
    %gt3A_30 = vector.broadcast %gt3A : f32 to vector<512x1024xf32>
    %gt3A_31 = arith.cmpf ogt, %add3A_29, %gt3A_30 : vector<512x1024xf32>
    %lt3A = arith.constant 4.000000e-02 : f32
    %lt3A_32 = vector.broadcast %lt3A : f32 to vector<512x1024xf32>
    %lt3A_33 = arith.cmpf olt, %add3A_29, %lt3A_32 : vector<512x1024xf32>
    %and3A = arith.andi %gt3A_31, %lt3A_33 : vector<512x1024xi1>
    %eq3A = arith.cmpi eq, %iota3A, %add3A_11 : vector<512x1024xi32>
    %add3A_34 = arith.constant 1.000000e+00 : f32
    %add3A_35 = vector.broadcast %add3A_34 : f32 to vector<512x1024xf32>
    %add3A_36 = arith.addf %sub3A_14, %add3A_35 : vector<512x1024xf32>
    %ge3A = arith.constant 1.000000e+00 : f32
    %ge3A_37 = vector.broadcast %ge3A : f32 to vector<512x1024xf32>
    %ge3A_38 = arith.cmpf oge, %add3A_36, %ge3A_37 : vector<512x1024xf32>
    %jit3A = arith.constant 4 : i32
    %jit3A_39 = arith.constant 0 : i32
    %broadcast_in_dim3A = vector.broadcast %jit3A : i32 to vector<512x1024xi32>
    %broadcast_in_dim3A_40 = vector.broadcast %jit3A_39 : i32 to vector<512x1024xi32>
    %select_n3A = arith.select %ge3A_38, %broadcast_in_dim3A, %broadcast_in_dim3A_40 : vector<512x1024xi1>, vector<512x1024xi32>
    %add3A_41 = arith.constant 1.000000e+00 : f32
    %add3A_42 = vector.broadcast %add3A_41 : f32 to vector<512x1024xf32>
    %add3A_43 = arith.addf %sub3A_19, %add3A_42 : vector<512x1024xf32>
    %ge3A_44 = arith.constant 1.000000e+00 : f32
    %ge3A_45 = vector.broadcast %ge3A_44 : f32 to vector<512x1024xf32>
    %ge3A_46 = arith.cmpf oge, %add3A_43, %ge3A_45 : vector<512x1024xf32>
    %jit3A_47 = arith.constant 2 : i32
    %jit3A_48 = arith.constant 0 : i32
    %broadcast_in_dim3A_49 = vector.broadcast %jit3A_47 : i32 to vector<512x1024xi32>
    %broadcast_in_dim3A_50 = vector.broadcast %jit3A_48 : i32 to vector<512x1024xi32>
    %select_n3A_51 = arith.select %ge3A_46, %broadcast_in_dim3A_49, %broadcast_in_dim3A_50 : vector<512x1024xi1>, vector<512x1024xi32>
    %add3A_52 = arith.addi %select_n3A, %select_n3A_51 : vector<512x1024xi32>
    %add3A_53 = arith.constant 1.000000e+00 : f32
    %add3A_54 = vector.broadcast %add3A_53 : f32 to vector<512x1024xf32>
    %add3A_55 = arith.addf %sub3A_24, %add3A_54 : vector<512x1024xf32>
    %ge3A_56 = arith.constant 1.000000e+00 : f32
    %ge3A_57 = vector.broadcast %ge3A_56 : f32 to vector<512x1024xf32>
    %ge3A_58 = arith.cmpf oge, %add3A_55, %ge3A_57 : vector<512x1024xf32>
    %jit3A_59 = arith.constant 1 : i32
    %jit3A_60 = arith.constant 0 : i32
    %broadcast_in_dim3A_61 = vector.broadcast %jit3A_59 : i32 to vector<512x1024xi32>
    %broadcast_in_dim3A_62 = vector.broadcast %jit3A_60 : i32 to vector<512x1024xi32>
    %select_n3A_63 = arith.select %ge3A_58, %broadcast_in_dim3A_61, %broadcast_in_dim3A_62 : vector<512x1024xi1>, vector<512x1024xi32>
    %add3A_64 = arith.addi %add3A_52, %select_n3A_63 : vector<512x1024xi32>
    %jit3A_65 = arith.constant 1.000000e+10 : f32
    %broadcast_in_dim3A_66 = vector.broadcast %jit3A_65 : f32 to vector<512x1024xf32>
    %select_n3A_67 = arith.select %and3A, %add3A_29, %broadcast_in_dim3A_66 : vector<512x1024xi1>, vector<512x1024xf32>
    %jit3A_68 = arith.constant 4.000000e-02 : f32
    %broadcast_in_dim3A_69 = vector.broadcast %jit3A_68 : f32 to vector<512x1024xf32>
    %select_n3A_70 = arith.select %eq3A, %broadcast_in_dim3A_69, %select_n3A_67 : vector<512x1024xi1>, vector<512x1024xf32>
    %eq3A_71 = arith.constant 0 : i32
    %eq3A_72 = vector.broadcast %eq3A_71 : i32 to vector<512x1024xi32>
    %eq3A_73 = arith.cmpi eq, %add3A_64, %eq3A_72 : vector<512x1024xi32>
    %or3A = arith.ori %eq3A_73, %eq3A : vector<512x1024xi1>
    %jit3A_74 = arith.constant 1.000000e+10 : f32
    %broadcast_in_dim3A_75 = vector.broadcast %jit3A_74 : f32 to vector<512x1024xf32>
    %select_n3A_76 = arith.select %or3A, %select_n3A_70, %broadcast_in_dim3A_75 : vector<512x1024xi1>, vector<512x1024xf32>
    %reduce_min3A = arith.constant dense<0x7F800000> : vector<512xf32>
    %reduce_min3A_77 = vector.multi_reduction <minimumf>, %select_n3A_76, %reduce_min3A [1] : vector<512x1024xf32> to vector<512xf32>
    %broadcast_in_dim3A_78 = vector.shape_cast %reduce_min3A_77 : vector<512xf32> to vector<512x1xf32>
    %eq3A_79 = vector.broadcast %broadcast_in_dim3A_78 : vector<512x1xf32> to vector<512x1024xf32>
    %eq3A_80 = arith.cmpf oeq, %select_n3A_76, %eq3A_79 : vector<512x1024xf32>
    %jit3A_81 = arith.constant 1024 : i32
    %broadcast_in_dim3A_82 = vector.broadcast %jit3A_81 : i32 to vector<512x1024xi32>
    %select_n3A_83 = arith.select %eq3A_80, %iota3A, %broadcast_in_dim3A_82 : vector<512x1024xi1>, vector<512x1024xi32>
    %reduce_min3A_84 = arith.constant dense<2147483647> : vector<512xi32>
    %reduce_min3A_85 = vector.multi_reduction <minsi>, %select_n3A_83, %reduce_min3A_84 [1] : vector<512x1024xi32> to vector<512xi32>
    %mul3A_86 = arith.constant 1024 : i32
    %mul3A_87 = arith.muli %arg0, %mul3A_86 : i32
    %add3A_88 = arith.constant 0 : i32
    %add3A_89 = arith.addi %mul3A_87, %add3A_88 : i32
    %add3A_90 = vector.broadcast %add3A_89 : i32 to vector<512xi32>
    %add3A_91 = arith.addi %reduce_min3A_85, %add3A_90 : vector<512xi32>
    %swap3A = arith.constant 0 : index
    %swap3A_92 = arith.constant 0 : index
    %swap3A_93 = vector.load %arg4[%swap3A, %swap3A_92] : memref<8x512xi32, #tpu.memory_space<vmem>>, vector<1x512xi32>
    %swap3A_94 = vector.shape_cast %swap3A_93 : vector<1x512xi32> to vector<512xi32>
    %swap3A_95 = vector.shape_cast %add3A_91 : vector<512xi32> to vector<1x512xi32>
    tpu.vector_store %arg4[%swap3A, %swap3A_92], %swap3A_95 {strides = array<i32>} : memref<8x512xi32, #tpu.memory_space<vmem>>, vector<1x512xi32>,
    %eq3A_96 = arith.constant 1 : i32
    %eq3A_97 = vector.broadcast %eq3A_96 : i32 to vector<512x1024xi32>
    %eq3A_98 = arith.cmpi eq, %add3A_64, %eq3A_97 : vector<512x1024xi32>
    %or3A_99 = arith.ori %eq3A_98, %eq3A : vector<512x1024xi1>
    %jit3A_100 = arith.constant 1.000000e+10 : f32
    %broadcast_in_dim3A_101 = vector.broadcast %jit3A_100 : f32 to vector<512x1024xf32>
    %select_n3A_102 = arith.select %or3A_99, %select_n3A_70, %broadcast_in_dim3A_101 : vector<512x1024xi1>, vector<512x1024xf32>
    %reduce_min3A_103 = arith.constant dense<0x7F800000> : vector<512xf32>
    %reduce_min3A_104 = vector.multi_reduction <minimumf>, %select_n3A_102, %reduce_min3A_103 [1] : vector<512x1024xf32> to vector<512xf32>
    %broadcast_in_dim3A_105 = vector.shape_cast %reduce_min3A_104 : vector<512xf32> to vector<512x1xf32>
    %eq3A_106 = vector.broadcast %broadcast_in_dim3A_105 : vector<512x1xf32> to vector<512x1024xf32>
    %eq3A_107 = arith.cmpf oeq, %select_n3A_102, %eq3A_106 : vector<512x1024xf32>
    %jit3A_108 = arith.constant 1024 : i32
    %broadcast_in_dim3A_109 = vector.broadcast %jit3A_108 : i32 to vector<512x1024xi32>
    %select_n3A_110 = arith.select %eq3A_107, %iota3A, %broadcast_in_dim3A_109 : vector<512x1024xi1>, vector<512x1024xi32>
    %reduce_min3A_111 = arith.constant dense<2147483647> : vector<512xi32>
    %reduce_min3A_112 = vector.multi_reduction <minsi>, %select_n3A_110, %reduce_min3A_111 [1] : vector<512x1024xi32> to vector<512xi32>
    %mul3A_113 = arith.constant 1024 : i32
    %mul3A_114 = arith.muli %arg0, %mul3A_113 : i32
    %add3A_115 = arith.constant 8192 : i32
    %add3A_116 = arith.addi %mul3A_114, %add3A_115 : i32
    %add3A_117 = vector.broadcast %add3A_116 : i32 to vector<512xi32>
    %add3A_118 = arith.addi %reduce_min3A_112, %add3A_117 : vector<512xi32>
    %swap3A_119 = arith.constant 4 : index
    %swap3A_120 = arith.constant 0 : index
    %swap3A_121 = vector.load %arg4[%swap3A_119, %swap3A_120] : memref<8x512xi32, #tpu.memory_space<vmem>>, vector<1x512xi32>
    %swap3A_122 = vector.shape_cast %swap3A_121 : vector<1x512xi32> to vector<512xi32>
    %swap3A_123 = vector.shape_cast %add3A_118 : vector<512xi32> to vector<1x512xi32>
    tpu.vector_store %arg4[%swap3A_119, %swap3A_120], %swap3A_123 {strides = array<i32>} : memref<8x512xi32, #tpu.memory_space<vmem>>, vector<1x512xi32>,
    %eq3A_124 = arith.constant 2 : i32
    %eq3A_125 = vector.broadcast %eq3A_124 : i32 to vector<512x1024xi32>
    %eq3A_126 = arith.cmpi eq, %add3A_64, %eq3A_125 : vector<512x1024xi32>
    %or3A_127 = arith.ori %eq3A_126, %eq3A : vector<512x1024xi1>
    %jit3A_128 = arith.constant 1.000000e+10 : f32
    %broadcast_in_dim3A_129 = vector.broadcast %jit3A_128 : f32 to vector<512x1024xf32>
    %select_n3A_130 = arith.select %or3A_127, %select_n3A_70, %broadcast_in_dim3A_129 : vector<512x1024xi1>, vector<512x1024xf32>
    %reduce_min3A_131 = arith.constant dense<0x7F800000> : vector<512xf32>
    %reduce_min3A_132 = vector.multi_reduction <minimumf>, %select_n3A_130, %reduce_min3A_131 [1] : vector<512x1024xf32> to vector<512xf32>
    %broadcast_in_dim3A_133 = vector.shape_cast %reduce_min3A_132 : vector<512xf32> to vector<512x1xf32>
    %eq3A_134 = vector.broadcast %broadcast_in_dim3A_133 : vector<512x1xf32> to vector<512x1024xf32>
    %eq3A_135 = arith.cmpf oeq, %select_n3A_130, %eq3A_134 : vector<512x1024xf32>
    %jit3A_136 = arith.constant 1024 : i32
    %broadcast_in_dim3A_137 = vector.broadcast %jit3A_136 : i32 to vector<512x1024xi32>
    %select_n3A_138 = arith.select %eq3A_135, %iota3A, %broadcast_in_dim3A_137 : vector<512x1024xi1>, vector<512x1024xi32>
    %reduce_min3A_139 = arith.constant dense<2147483647> : vector<512xi32>
    %reduce_min3A_140 = vector.multi_reduction <minsi>, %select_n3A_138, %reduce_min3A_139 [1] : vector<512x1024xi32> to vector<512xi32>
    %mul3A_141 = arith.constant 1024 : i32
    %mul3A_142 = arith.muli %arg0, %mul3A_141 : i32
    %add3A_143 = arith.constant 0 : i32
    %add3A_144 = arith.addi %mul3A_142, %add3A_143 : i32
    %add3A_145 = vector.broadcast %add3A_144 : i32 to vector<512xi32>
    %add3A_146 = arith.addi %reduce_min3A_140, %add3A_145 : vector<512xi32>
    %swap3A_147 = arith.constant 1 : index
    %swap3A_148 = arith.constant 0 : index
    %swap3A_149 = vector.load %arg4[%swap3A_147, %swap3A_148] : memref<8x512xi32, #tpu.memory_space<vmem>>, vector<1x512xi32>
    %swap3A_150 = vector.shape_cast %swap3A_149 : vector<1x512xi32> to vector<512xi32>
    %swap3A_151 = vector.shape_cast %add3A_146 : vector<512xi32> to vector<1x512xi32>
    tpu.vector_store %arg4[%swap3A_147, %swap3A_148], %swap3A_151 {strides = array<i32>} : memref<8x512xi32, #tpu.memory_space<vmem>>, vector<1x512xi32>,
    %eq3A_152 = arith.constant 3 : i32
    %eq3A_153 = vector.broadcast %eq3A_152 : i32 to vector<512x1024xi32>
    %eq3A_154 = arith.cmpi eq, %add3A_64, %eq3A_153 : vector<512x1024xi32>
    %or3A_155 = arith.ori %eq3A_154, %eq3A : vector<512x1024xi1>
    %jit3A_156 = arith.constant 1.000000e+10 : f32
    %broadcast_in_dim3A_157 = vector.broadcast %jit3A_156 : f32 to vector<512x1024xf32>
    %select_n3A_158 = arith.select %or3A_155, %select_n3A_70, %broadcast_in_dim3A_157 : vector<512x1024xi1>, vector<512x1024xf32>
    %reduce_min3A_159 = arith.constant dense<0x7F800000> : vector<512xf32>
    %reduce_min3A_160 = vector.multi_reduction <minimumf>, %select_n3A_158, %reduce_min3A_159 [1] : vector<512x1024xf32> to vector<512xf32>
    %broadcast_in_dim3A_161 = vector.shape_cast %reduce_min3A_160 : vector<512xf32> to vector<512x1xf32>
    %eq3A_162 = vector.broadcast %broadcast_in_dim3A_161 : vector<512x1xf32> to vector<512x1024xf32>
    %eq3A_163 = arith.cmpf oeq, %select_n3A_158, %eq3A_162 : vector<512x1024xf32>
    %jit3A_164 = arith.constant 1024 : i32
    %broadcast_in_dim3A_165 = vector.broadcast %jit3A_164 : i32 to vector<512x1024xi32>
    %select_n3A_166 = arith.select %eq3A_163, %iota3A, %broadcast_in_dim3A_165 : vector<512x1024xi1>, vector<512x1024xi32>
    %reduce_min3A_167 = arith.constant dense<2147483647> : vector<512xi32>
    %reduce_min3A_168 = vector.multi_reduction <minsi>, %select_n3A_166, %reduce_min3A_167 [1] : vector<512x1024xi32> to vector<512xi32>
    %mul3A_169 = arith.constant 1024 : i32
    %mul3A_170 = arith.muli %arg0, %mul3A_169 : i32
    %add3A_171 = arith.constant 8192 : i32
    %add3A_172 = arith.addi %mul3A_170, %add3A_171 : i32
    %add3A_173 = vector.broadcast %add3A_172 : i32 to vector<512xi32>
    %add3A_174 = arith.addi %reduce_min3A_168, %add3A_173 : vector<512xi32>
    %swap3A_175 = arith.constant 5 : index
    %swap3A_176 = arith.constant 0 : index
    %swap3A_177 = vector.load %arg4[%swap3A_175, %swap3A_176] : memref<8x512xi32, #tpu.memory_space<vmem>>, vector<1x512xi32>
    %swap3A_178 = vector.shape_cast %swap3A_177 : vector<1x512xi32> to vector<512xi32>
    %swap3A_179 = vector.shape_cast %add3A_174 : vector<512xi32> to vector<1x512xi32>
    tpu.vector_store %arg4[%swap3A_175, %swap3A_176], %swap3A_179 {strides = array<i32>} : memref<8x512xi32, #tpu.memory_space<vmem>>, vector<1x512xi32>,
    %eq3A_180 = arith.constant 4 : i32
    %eq3A_181 = vector.broadcast %eq3A_180 : i32 to vector<512x1024xi32>
    %eq3A_182 = arith.cmpi eq, %add3A_64, %eq3A_181 : vector<512x1024xi32>
    %or3A_183 = arith.ori %eq3A_182, %eq3A : vector<512x1024xi1>
    %jit3A_184 = arith.constant 1.000000e+10 : f32
    %broadcast_in_dim3A_185 = vector.broadcast %jit3A_184 : f32 to vector<512x1024xf32>
    %select_n3A_186 = arith.select %or3A_183, %select_n3A_70, %broadcast_in_dim3A_185 : vector<512x1024xi1>, vector<512x1024xf32>
    %reduce_min3A_187 = arith.constant dense<0x7F800000> : vector<512xf32>
    %reduce_min3A_188 = vector.multi_reduction <minimumf>, %select_n3A_186, %reduce_min3A_187 [1] : vector<512x1024xf32> to vector<512xf32>
    %broadcast_in_dim3A_189 = vector.shape_cast %reduce_min3A_188 : vector<512xf32> to vector<512x1xf32>
    %eq3A_190 = vector.broadcast %broadcast_in_dim3A_189 : vector<512x1xf32> to vector<512x1024xf32>
    %eq3A_191 = arith.cmpf oeq, %select_n3A_186, %eq3A_190 : vector<512x1024xf32>
    %jit3A_192 = arith.constant 1024 : i32
    %broadcast_in_dim3A_193 = vector.broadcast %jit3A_192 : i32 to vector<512x1024xi32>
    %select_n3A_194 = arith.select %eq3A_191, %iota3A, %broadcast_in_dim3A_193 : vector<512x1024xi1>, vector<512x1024xi32>
    %reduce_min3A_195 = arith.constant dense<2147483647> : vector<512xi32>
    %reduce_min3A_196 = vector.multi_reduction <minsi>, %select_n3A_194, %reduce_min3A_195 [1] : vector<512x1024xi32> to vector<512xi32>
    %mul3A_197 = arith.constant 1024 : i32
    %mul3A_198 = arith.muli %arg0, %mul3A_197 : i32
    %add3A_199 = arith.constant 0 : i32
    %add3A_200 = arith.addi %mul3A_198, %add3A_199 : i32
    %add3A_201 = vector.broadcast %add3A_200 : i32 to vector<512xi32>
    %add3A_202 = arith.addi %reduce_min3A_196, %add3A_201 : vector<512xi32>
    %swap3A_203 = arith.constant 2 : index
    %swap3A_204 = arith.constant 0 : index
    %swap3A_205 = vector.load %arg4[%swap3A_203, %swap3A_204] : memref<8x512xi32, #tpu.memory_space<vmem>>, vector<1x512xi32>
    %swap3A_206 = vector.shape_cast %swap3A_205 : vector<1x512xi32> to vector<512xi32>
    %swap3A_207 = vector.shape_cast %add3A_202 : vector<512xi32> to vector<1x512xi32>
    tpu.vector_store %arg4[%swap3A_203, %swap3A_204], %swap3A_207 {strides = array<i32>} : memref<8x512xi32, #tpu.memory_space<vmem>>, vector<1x512xi32>,
    %eq3A_208 = arith.constant 5 : i32
    %eq3A_209 = vector.broadcast %eq3A_208 : i32 to vector<512x1024xi32>
    %eq3A_210 = arith.cmpi eq, %add3A_64, %eq3A_209 : vector<512x1024xi32>
    %or3A_211 = arith.ori %eq3A_210, %eq3A : vector<512x1024xi1>
    %jit3A_212 = arith.constant 1.000000e+10 : f32
    %broadcast_in_dim3A_213 = vector.broadcast %jit3A_212 : f32 to vector<512x1024xf32>
    %select_n3A_214 = arith.select %or3A_211, %select_n3A_70, %broadcast_in_dim3A_213 : vector<512x1024xi1>, vector<512x1024xf32>
    %reduce_min3A_215 = arith.constant dense<0x7F800000> : vector<512xf32>
    %reduce_min3A_216 = vector.multi_reduction <minimumf>, %select_n3A_214, %reduce_min3A_215 [1] : vector<512x1024xf32> to vector<512xf32>
    %broadcast_in_dim3A_217 = vector.shape_cast %reduce_min3A_216 : vector<512xf32> to vector<512x1xf32>
    %eq3A_218 = vector.broadcast %broadcast_in_dim3A_217 : vector<512x1xf32> to vector<512x1024xf32>
    %eq3A_219 = arith.cmpf oeq, %select_n3A_214, %eq3A_218 : vector<512x1024xf32>
    %jit3A_220 = arith.constant 1024 : i32
    %broadcast_in_dim3A_221 = vector.broadcast %jit3A_220 : i32 to vector<512x1024xi32>
    %select_n3A_222 = arith.select %eq3A_219, %iota3A, %broadcast_in_dim3A_221 : vector<512x1024xi1>, vector<512x1024xi32>
    %reduce_min3A_223 = arith.constant dense<2147483647> : vector<512xi32>
    %reduce_min3A_224 = vector.multi_reduction <minsi>, %select_n3A_222, %reduce_min3A_223 [1] : vector<512x1024xi32> to vector<512xi32>
    %mul3A_225 = arith.constant 1024 : i32
    %mul3A_226 = arith.muli %arg0, %mul3A_225 : i32
    %add3A_227 = arith.constant 8192 : i32
    %add3A_228 = arith.addi %mul3A_226, %add3A_227 : i32
    %add3A_229 = vector.broadcast %add3A_228 : i32 to vector<512xi32>
    %add3A_230 = arith.addi %reduce_min3A_224, %add3A_229 : vector<512xi32>
    %swap3A_231 = arith.constant 6 : index
    %swap3A_232 = arith.constant 0 : index
    %swap3A_233 = vector.load %arg4[%swap3A_231, %swap3A_232] : memref<8x512xi32, #tpu.memory_space<vmem>>, vector<1x512xi32>
    %swap3A_234 = vector.shape_cast %swap3A_233 : vector<1x512xi32> to vector<512xi32>
    %swap3A_235 = vector.shape_cast %add3A_230 : vector<512xi32> to vector<1x512xi32>
    tpu.vector_store %arg4[%swap3A_231, %swap3A_232], %swap3A_235 {strides = array<i32>} : memref<8x512xi32, #tpu.memory_space<vmem>>, vector<1x512xi32>,
    %eq3A_236 = arith.constant 6 : i32
    %eq3A_237 = vector.broadcast %eq3A_236 : i32 to vector<512x1024xi32>
    %eq3A_238 = arith.cmpi eq, %add3A_64, %eq3A_237 : vector<512x1024xi32>
    %or3A_239 = arith.ori %eq3A_238, %eq3A : vector<512x1024xi1>
    %jit3A_240 = arith.constant 1.000000e+10 : f32
    %broadcast_in_dim3A_241 = vector.broadcast %jit3A_240 : f32 to vector<512x1024xf32>
    %select_n3A_242 = arith.select %or3A_239, %select_n3A_70, %broadcast_in_dim3A_241 : vector<512x1024xi1>, vector<512x1024xf32>
    %reduce_min3A_243 = arith.constant dense<0x7F800000> : vector<512xf32>
    %reduce_min3A_244 = vector.multi_reduction <minimumf>, %select_n3A_242, %reduce_min3A_243 [1] : vector<512x1024xf32> to vector<512xf32>
    %broadcast_in_dim3A_245 = vector.shape_cast %reduce_min3A_244 : vector<512xf32> to vector<512x1xf32>
    %eq3A_246 = vector.broadcast %broadcast_in_dim3A_245 : vector<512x1xf32> to vector<512x1024xf32>
    %eq3A_247 = arith.cmpf oeq, %select_n3A_242, %eq3A_246 : vector<512x1024xf32>
    %jit3A_248 = arith.constant 1024 : i32
    %broadcast_in_dim3A_249 = vector.broadcast %jit3A_248 : i32 to vector<512x1024xi32>
    %select_n3A_250 = arith.select %eq3A_247, %iota3A, %broadcast_in_dim3A_249 : vector<512x1024xi1>, vector<512x1024xi32>
    %reduce_min3A_251 = arith.constant dense<2147483647> : vector<512xi32>
    %reduce_min3A_252 = vector.multi_reduction <minsi>, %select_n3A_250, %reduce_min3A_251 [1] : vector<512x1024xi32> to vector<512xi32>
    %mul3A_253 = arith.constant 1024 : i32
    %mul3A_254 = arith.muli %arg0, %mul3A_253 : i32
    %add3A_255 = arith.constant 0 : i32
    %add3A_256 = arith.addi %mul3A_254, %add3A_255 : i32
    %add3A_257 = vector.broadcast %add3A_256 : i32 to vector<512xi32>
    %add3A_258 = arith.addi %reduce_min3A_252, %add3A_257 : vector<512xi32>
    %swap3A_259 = arith.constant 3 : index
    %swap3A_260 = arith.constant 0 : index
    %swap3A_261 = vector.load %arg4[%swap3A_259, %swap3A_260] : memref<8x512xi32, #tpu.memory_space<vmem>>, vector<1x512xi32>
    %swap3A_262 = vector.shape_cast %swap3A_261 : vector<1x512xi32> to vector<512xi32>
    %swap3A_263 = vector.shape_cast %add3A_258 : vector<512xi32> to vector<1x512xi32>
    tpu.vector_store %arg4[%swap3A_259, %swap3A_260], %swap3A_263 {strides = array<i32>} : memref<8x512xi32, #tpu.memory_space<vmem>>, vector<1x512xi32>,
    %eq3A_264 = arith.constant 7 : i32
    %eq3A_265 = vector.broadcast %eq3A_264 : i32 to vector<512x1024xi32>
    %eq3A_266 = arith.cmpi eq, %add3A_64, %eq3A_265 : vector<512x1024xi32>
    %or3A_267 = arith.ori %eq3A_266, %eq3A : vector<512x1024xi1>
    %jit3A_268 = arith.constant 1.000000e+10 : f32
    %broadcast_in_dim3A_269 = vector.broadcast %jit3A_268 : f32 to vector<512x1024xf32>
    %select_n3A_270 = arith.select %or3A_267, %select_n3A_70, %broadcast_in_dim3A_269 : vector<512x1024xi1>, vector<512x1024xf32>
    %reduce_min3A_271 = arith.constant dense<0x7F800000> : vector<512xf32>
    %reduce_min3A_272 = vector.multi_reduction <minimumf>, %select_n3A_270, %reduce_min3A_271 [1] : vector<512x1024xf32> to vector<512xf32>
    %broadcast_in_dim3A_273 = vector.shape_cast %reduce_min3A_272 : vector<512xf32> to vector<512x1xf32>
    %eq3A_274 = vector.broadcast %broadcast_in_dim3A_273 : vector<512x1xf32> to vector<512x1024xf32>
    %eq3A_275 = arith.cmpf oeq, %select_n3A_270, %eq3A_274 : vector<512x1024xf32>
    %jit3A_276 = arith.constant 1024 : i32
    %broadcast_in_dim3A_277 = vector.broadcast %jit3A_276 : i32 to vector<512x1024xi32>
    %select_n3A_278 = arith.select %eq3A_275, %iota3A, %broadcast_in_dim3A_277 : vector<512x1024xi1>, vector<512x1024xi32>
    %reduce_min3A_279 = arith.constant dense<2147483647> : vector<512xi32>
    %reduce_min3A_280 = vector.multi_reduction <minsi>, %select_n3A_278, %reduce_min3A_279 [1] : vector<512x1024xi32> to vector<512xi32>
    %mul3A_281 = arith.constant 1024 : i32
    %mul3A_282 = arith.muli %arg0, %mul3A_281 : i32
    %add3A_283 = arith.constant 8192 : i32
    %add3A_284 = arith.addi %mul3A_282, %add3A_283 : i32
    %add3A_285 = vector.broadcast %add3A_284 : i32 to vector<512xi32>
    %add3A_286 = arith.addi %reduce_min3A_280, %add3A_285 : vector<512xi32>
    %swap3A_287 = arith.constant 7 : index
    %swap3A_288 = arith.constant 0 : index
    %swap3A_289 = vector.load %arg4[%swap3A_287, %swap3A_288] : memref<8x512xi32, #tpu.memory_space<vmem>>, vector<1x512xi32>
    %swap3A_290 = vector.shape_cast %swap3A_289 : vector<1x512xi32> to vector<512xi32>
    %swap3A_291 = vector.shape_cast %add3A_286 : vector<512xi32> to vector<1x512xi32>
    tpu.vector_store %arg4[%swap3A_287, %swap3A_288], %swap3A_291 {strides = array<i32>} : memref<8x512xi32, #tpu.memory_space<vmem>>, vector<1x512xi32>,
    return
  }
  func.func @transform_0(%arg0: i32, %arg1: i32) -> (i32, i32, i32) {
    %c0_i32 = arith.constant 0 : i32
    %c0_i32_0 = arith.constant 0 : i32
    return %arg0, %arg1, %c0_i32 : i32, i32, i32
  }
  func.func @transform_1(%arg0: i32, %arg1: i32) -> (i32, i32, i32) {
    %c0_i32 = arith.constant 0 : i32
    %c0_i32_0 = arith.constant 0 : i32
    %c0_i32_1 = arith.constant 0 : i32
    return %arg0, %c0_i32, %c0_i32_0 : i32, i32, i32
  }
  func.func @transform_2(%arg0: i32, %arg1: i32) -> (i32, i32) {
    %mul3A = arith.constant 2 : i32
    %mul3A_0 = arith.muli %arg0, %mul3A : i32
    %add3A = arith.addi %mul3A_0, %arg1 : i32
    %c0_i32 = arith.constant 0 : i32
    %c0_i32_1 = arith.constant 0 : i32
    return %c0_i32, %add3A : i32, i32
  }
}

module attributes {stable_mosaic.version = 14 : i64} {
  func.func @_table_body(%arg0: i32, %arg1: i32, %arg2: memref<512x256xf32, #tpu.memory_space<vmem>>, %arg3: memref<512x8xf32, #tpu.memory_space<vmem>>, %arg4: memref<1x256x256xf32, #tpu.memory_space<vmem>>, %arg5: memref<1x8x256xf32, #tpu.memory_space<vmem>>, %arg6: memref<1x512x128xi32, #tpu.memory_space<vmem>>) attributes {dimension_semantics = [#tpu.dimension_semantics<arbitrary>, #tpu.dimension_semantics<arbitrary>], iteration_bounds = array<i64: 2, 16>, scalar_prefetch = 0 : i64, scratch_operands = 0 : i64, tpu.core_type = #tpu.core_type<tc>, window_params = [{transform_indices = @transform_0, window_bounds = array<i64: 512, 256>}, {transform_indices = @transform_1, window_bounds = array<i64: 512, 8>}, {transform_indices = @transform_2, window_bounds = array<i64: 1, 256, 256>}, {transform_indices = @transform_3, window_bounds = array<i64: 1, 8, 256>}, {transform_indices = @transform_4, window_bounds = array<i64: 1, 512, 128>}]} {
    %get3A = arith.constant 0 : index
    %get3A_0 = arith.constant 0 : index
    %get3A_1 = vector.load %arg2[%get3A, %get3A_0] : memref<512x256xf32, #tpu.memory_space<vmem>>, vector<512x256xf32>
    %get3A_2 = arith.constant 0 : index
    %get3A_3 = arith.constant 0 : index
    %get3A_4 = arith.constant 0 : index
    %get3A_5 = vector.load %arg4[%get3A_2, %get3A_3, %get3A_4] : memref<1x256x256xf32, #tpu.memory_space<vmem>>, vector<1x256x256xf32>
    %get3A_6 = vector.shape_cast %get3A_5 : vector<1x256x256xf32> to vector<256x256xf32>
    %dot_general3A = arith.constant dense<0.000000e+00> : vector<512x256xf32>
    %dot_general3A_7 = tpu.matmul %get3A_1, %get3A_6, %dot_general3A {dimension_numbers = #tpu.dot_dimension_numbers<[1], [0], [0], [1], [0, 0, 1, 1], [], []>, transpose_lhs_hint = false} : vector<512x256xf32>, vector<256x256xf32>, vector<512x256xf32> -> vector<512x256xf32>
    %get3A_8 = arith.constant 0 : index
    %get3A_9 = arith.constant 0 : index
    %get3A_10 = vector.load %arg3[%get3A_8, %get3A_9] : memref<512x8xf32, #tpu.memory_space<vmem>>, vector<512x8xf32>
    %get3A_11 = arith.constant 0 : index
    %get3A_12 = arith.constant 0 : index
    %get3A_13 = arith.constant 0 : index
    %get3A_14 = vector.load %arg5[%get3A_11, %get3A_12, %get3A_13] : memref<1x8x256xf32, #tpu.memory_space<vmem>>, vector<1x8x256xf32>
    %get3A_15 = vector.shape_cast %get3A_14 : vector<1x8x256xf32> to vector<8x256xf32>
    %dot_general3A_16 = arith.constant dense<0.000000e+00> : vector<512x256xf32>
    %dot_general3A_17 = tpu.matmul %get3A_10, %get3A_15, %dot_general3A_16 {dimension_numbers = #tpu.dot_dimension_numbers<[1], [0], [0], [1], [0, 0, 1, 1], [], []>, transpose_lhs_hint = false} : vector<512x8xf32>, vector<8x256xf32>, vector<512x256xf32> -> vector<512x256xf32>
    %add3A = arith.addf %dot_general3A_7, %dot_general3A_17 : vector<512x256xf32>
    %convert_element_type3A = arith.truncf %add3A : vector<512x256xf32> to vector<512x256xbf16>
    %slice3A = vector.extract_strided_slice %convert_element_type3A {offsets = [0, 0], sizes = [512, 128], strides = [1, 1]} : vector<512x256xbf16> to vector<512x128xbf16>
    %bitcast_convert_type3A = tpu.bitcast %slice3A : vector<512x128xbf16> -> vector<512x128xi16>
    %convert_element_type3A_18 = arith.extui %bitcast_convert_type3A : vector<512x128xi16> to vector<512x128xi32>
    %slice3A_19 = vector.extract_strided_slice %convert_element_type3A {offsets = [0, 128], sizes = [512, 128], strides = [1, 1]} : vector<512x256xbf16> to vector<512x128xbf16>
    %bitcast_convert_type3A_20 = tpu.bitcast %slice3A_19 : vector<512x128xbf16> -> vector<512x128xi16>
    %convert_element_type3A_21 = arith.extui %bitcast_convert_type3A_20 : vector<512x128xi16> to vector<512x128xi32>
    %shift_left3A = arith.constant 16 : i32
    %shift_left3A_22 = vector.broadcast %shift_left3A : i32 to vector<512x128xi32>
    %shift_left3A_23 = arith.shli %convert_element_type3A_21, %shift_left3A_22 : vector<512x128xi32>
    %or3A = arith.ori %convert_element_type3A_18, %shift_left3A_23 : vector<512x128xi32>
    %swap3A = arith.constant 0 : index
    %swap3A_24 = arith.constant 0 : index
    %swap3A_25 = arith.constant 0 : index
    %swap3A_26 = vector.load %arg6[%swap3A, %swap3A_24, %swap3A_25] : memref<1x512x128xi32, #tpu.memory_space<vmem>>, vector<1x512x128xi32>
    %swap3A_27 = vector.shape_cast %swap3A_26 : vector<1x512x128xi32> to vector<512x128xi32>
    %swap3A_28 = vector.shape_cast %or3A : vector<512x128xi32> to vector<1x512x128xi32>
    tpu.vector_store %arg6[%swap3A, %swap3A_24, %swap3A_25], %swap3A_28 {strides = array<i32>} : memref<1x512x128xi32, #tpu.memory_space<vmem>>, vector<1x512x128xi32>,
    return
  }
  func.func @transform_0(%arg0: i32, %arg1: i32) -> (i32, i32) {
    %c0_i32 = arith.constant 0 : i32
    %c0_i32_0 = arith.constant 0 : i32
    return %arg1, %c0_i32 : i32, i32
  }
  func.func @transform_1(%arg0: i32, %arg1: i32) -> (i32, i32) {
    %c0_i32 = arith.constant 0 : i32
    %c0_i32_0 = arith.constant 0 : i32
    return %arg1, %c0_i32 : i32, i32
  }
  func.func @transform_2(%arg0: i32, %arg1: i32) -> (i32, i32, i32) {
    %c0_i32 = arith.constant 0 : i32
    %c0_i32_0 = arith.constant 0 : i32
    %c0_i32_1 = arith.constant 0 : i32
    return %arg0, %c0_i32, %c0_i32_0 : i32, i32, i32
  }
  func.func @transform_3(%arg0: i32, %arg1: i32) -> (i32, i32, i32) {
    %c0_i32 = arith.constant 0 : i32
    %c0_i32_0 = arith.constant 0 : i32
    %c0_i32_1 = arith.constant 0 : i32
    return %arg0, %c0_i32, %c0_i32_0 : i32, i32, i32
  }
  func.func @transform_4(%arg0: i32, %arg1: i32) -> (i32, i32, i32) {
    %c0_i32 = arith.constant 0 : i32
    %c0_i32_0 = arith.constant 0 : i32
    return %arg0, %arg1, %c0_i32 : i32, i32, i32
  }
}

module attributes {stable_mosaic.version = 14 : i64} {
  func.func @_gstats_body(%arg0: i32, %arg1: i32, %arg2: memref<1x1x2048x128xi32, #tpu.memory_space<vmem>>, %arg3: memref<1x1x2048x128xi32, #tpu.memory_space<vmem>>, %arg4: memref<8x2048xf32, #tpu.memory_space<vmem>>, %arg5: memref<8x256xf32, #tpu.memory_space<vmem>>, %arg6: memref<1x256xf32, #tpu.memory_space<vmem>>, %arg7: memref<1x256xf32, #tpu.memory_space<vmem>>, %arg8: memref<1x256xf32, #tpu.memory_space<vmem>>, %arg9: memref<1x256xf32, #tpu.memory_space<vmem>>, %arg10: memref<1x256xf32, #tpu.memory_space<vmem>>, %arg11: memref<2x256xf32, #tpu.memory_space<vmem>>) attributes {dimension_semantics = [#tpu.dimension_semantics<arbitrary>, #tpu.dimension_semantics<arbitrary>], iteration_bounds = array<i64: 4, 4>, scalar_prefetch = 0 : i64, scratch_operands = 1 : i64, tpu.core_type = #tpu.core_type<tc>, window_params = [{transform_indices = @transform_0, window_bounds = array<i64: 1, 1, 2048, 128>}, {transform_indices = @transform_1, window_bounds = array<i64: 1, 1, 2048, 128>}, {transform_indices = @transform_2, window_bounds = array<i64: 8, 2048>}, {pipeline_mode = #tpu.pipeline_mode<synchronous>, transform_indices = @transform_3, window_bounds = array<i64: 8, 256>}, {pipeline_mode = #tpu.pipeline_mode<synchronous>, transform_indices = @transform_4, window_bounds = array<i64: 1, 256>}, {pipeline_mode = #tpu.pipeline_mode<synchronous>, transform_indices = @transform_5, window_bounds = array<i64: 1, 256>}, {pipeline_mode = #tpu.pipeline_mode<synchronous>, transform_indices = @transform_6, window_bounds = array<i64: 1, 256>}, {pipeline_mode = #tpu.pipeline_mode<synchronous>, transform_indices = @transform_7, window_bounds = array<i64: 1, 256>}, {pipeline_mode = #tpu.pipeline_mode<synchronous>, transform_indices = @transform_8, window_bounds = array<i64: 1, 256>}]} {
    %eq3A = arith.constant 0 : i32
    %eq3A_0 = arith.cmpi eq, %arg0, %eq3A : i32
    %eq3A_1 = arith.constant 0 : i32
    %eq3A_2 = arith.cmpi eq, %arg1, %eq3A_1 : i32
    %and3A = arith.andi %eq3A_0, %eq3A_2 : i1
    %convert_element_type3A = arith.extui %and3A : i1 to i32
    %cond3A = arith.constant 0 : i32
    %cond3A_3 = arith.cmpi ne, %convert_element_type3A, %cond3A : i32
    scf.if %cond3A_3 {
      %broadcast_in_dim3A_68 = arith.constant 0.000000e+00 : f32
      %broadcast_in_dim3A_69 = vector.broadcast %broadcast_in_dim3A_68 : f32 to vector<2x256xf32>
      %swap3A_70 = arith.constant 0 : index
      %swap3A_71 = arith.constant 0 : index
      %swap3A_72 = vector.load %arg11[%swap3A_70, %swap3A_71] : memref<2x256xf32, #tpu.memory_space<vmem>>, vector<2x256xf32>
      tpu.vector_store %arg11[%swap3A_70, %swap3A_71], %broadcast_in_dim3A_69 {strides = array<i32>} : memref<2x256xf32, #tpu.memory_space<vmem>>, vector<2x256xf32>,
    } else {
    }
    %get3A = arith.constant 0 : index
    %get3A_4 = arith.constant 0 : index
    %get3A_5 = vector.load %arg4[%get3A, %get3A_4] : memref<8x2048xf32, #tpu.memory_space<vmem>>, vector<8x2048xf32>
    %get3A_6 = arith.constant 0 : index
    %get3A_7 = arith.constant 0 : index
    %get3A_8 = vector.load %arg5[%get3A_6, %get3A_7] : memref<8x256xf32, #tpu.memory_space<vmem>>, vector<8x256xf32>
    %dot_general3A = arith.constant dense<0.000000e+00> : vector<2048x256xf32>
    %dot_general3A_9 = tpu.matmul %get3A_5, %get3A_8, %dot_general3A {dimension_numbers = #tpu.dot_dimension_numbers<[0], [0], [1], [1], [0, 1, 1, 1], [], []>, transpose_lhs_hint = false} : vector<8x2048xf32>, vector<8x256xf32>, vector<2048x256xf32> -> vector<2048x256xf32>
    %get3A_10 = arith.constant 0 : index
    %get3A_11 = arith.constant 0 : index
    %get3A_12 = arith.constant 0 : index
    %get3A_13 = arith.constant 0 : index
    %get3A_14 = vector.load %arg2[%get3A_10, %get3A_11, %get3A_12, %get3A_13] : memref<1x1x2048x128xi32, #tpu.memory_space<vmem>>, vector<1x1x2048x128xi32>
    %get3A_15 = vector.shape_cast %get3A_14 : vector<1x1x2048x128xi32> to vector<2048x128xi32>
    %get3A_16 = arith.constant 0 : index
    %get3A_17 = arith.constant 0 : index
    %get3A_18 = arith.constant 0 : index
    %get3A_19 = arith.constant 0 : index
    %get3A_20 = vector.load %arg3[%get3A_16, %get3A_17, %get3A_18, %get3A_19] : memref<1x1x2048x128xi32, #tpu.memory_space<vmem>>, vector<1x1x2048x128xi32>
    %get3A_21 = vector.shape_cast %get3A_20 : vector<1x1x2048x128xi32> to vector<2048x128xi32>
    %convert_element_type3A_22 = arith.trunci %get3A_15 : vector<2048x128xi32> to vector<2048x128xi16>
    %bitcast_convert_type3A = tpu.bitcast %convert_element_type3A_22 : vector<2048x128xi16> -> vector<2048x128xbf16>
    %shift_right_logical3A = arith.constant 16 : i32
    %shift_right_logical3A_23 = vector.broadcast %shift_right_logical3A : i32 to vector<2048x128xi32>
    %shift_right_logical3A_24 = arith.shrui %get3A_15, %shift_right_logical3A_23 : vector<2048x128xi32>
    %convert_element_type3A_25 = arith.trunci %shift_right_logical3A_24 : vector<2048x128xi32> to vector<2048x128xi16>
    %bitcast_convert_type3A_26 = tpu.bitcast %convert_element_type3A_25 : vector<2048x128xi16> -> vector<2048x128xbf16>
    %concatenate3A = tpu.concatenate %bitcast_convert_type3A, %bitcast_convert_type3A_26 in 1 : vector<2048x128xbf16>, vector<2048x128xbf16> -> vector<2048x256xbf16>
    %convert_element_type3A_27 = arith.extf %concatenate3A : vector<2048x256xbf16> to vector<2048x256xf32>
    %convert_element_type3A_28 = arith.trunci %get3A_21 : vector<2048x128xi32> to vector<2048x128xi16>
    %bitcast_convert_type3A_29 = tpu.bitcast %convert_element_type3A_28 : vector<2048x128xi16> -> vector<2048x128xbf16>
    %shift_right_logical3A_30 = arith.constant 16 : i32
    %shift_right_logical3A_31 = vector.broadcast %shift_right_logical3A_30 : i32 to vector<2048x128xi32>
    %shift_right_logical3A_32 = arith.shrui %get3A_21, %shift_right_logical3A_31 : vector<2048x128xi32>
    %convert_element_type3A_33 = arith.trunci %shift_right_logical3A_32 : vector<2048x128xi32> to vector<2048x128xi16>
    %bitcast_convert_type3A_34 = tpu.bitcast %convert_element_type3A_33 : vector<2048x128xi16> -> vector<2048x128xbf16>
    %concatenate3A_35 = tpu.concatenate %bitcast_convert_type3A_29, %bitcast_convert_type3A_34 in 1 : vector<2048x128xbf16>, vector<2048x128xbf16> -> vector<2048x256xbf16>
    %convert_element_type3A_36 = arith.extf %concatenate3A_35 : vector<2048x256xbf16> to vector<2048x256xf32>
    %add3A = arith.addf %convert_element_type3A_27, %convert_element_type3A_36 : vector<2048x256xf32>
    %add3A_37 = arith.addf %add3A, %dot_general3A_9 : vector<2048x256xf32>
    %get3A_38 = arith.constant 0 : index
    %get3A_39 = arith.constant 0 : index
    %get3A_40 = vector.load %arg6[%get3A_38, %get3A_39] : memref<1x256xf32, #tpu.memory_space<vmem>>, vector<1x256xf32>
    %add3A_41 = vector.broadcast %get3A_40 : vector<1x256xf32> to vector<2048x256xf32>
    %add3A_42 = arith.addf %add3A_37, %add3A_41 : vector<2048x256xf32>
    %get3A_43 = arith.constant 0 : index
    %get3A_44 = arith.constant 0 : index
    %get3A_45 = vector.load %arg11[%get3A_43, %get3A_44] : memref<2x256xf32, #tpu.memory_space<vmem>>, vector<1x256xf32>
    %reduce_sum3A = arith.constant dense<0.000000e+00> : vector<256xf32>
    %reduce_sum3A_46 = vector.multi_reduction <add>, %add3A_42, %reduce_sum3A [0] : vector<2048x256xf32> to vector<256xf32>
    %broadcast_in_dim3A = vector.shape_cast %reduce_sum3A_46 : vector<256xf32> to vector<1x256xf32>
    %add3A_47 = arith.addf %get3A_45, %broadcast_in_dim3A : vector<1x256xf32>
    %swap3A = arith.constant 0 : index
    %swap3A_48 = arith.constant 0 : index
    %swap3A_49 = vector.load %arg11[%swap3A, %swap3A_48] : memref<2x256xf32, #tpu.memory_space<vmem>>, vector<1x256xf32>
    tpu.vector_store %arg11[%swap3A, %swap3A_48], %add3A_47 {strides = array<i32>} : memref<2x256xf32, #tpu.memory_space<vmem>>, vector<1x256xf32>,
    %get3A_50 = arith.constant 1 : index
    %get3A_51 = arith.constant 0 : index
    %get3A_52 = vector.load %arg11[%get3A_50, %get3A_51] : memref<2x256xf32, #tpu.memory_space<vmem>>, vector<1x256xf32>
    %mul3A = arith.mulf %add3A_42, %add3A_42 : vector<2048x256xf32>
    %reduce_sum3A_53 = arith.constant dense<0.000000e+00> : vector<256xf32>
    %reduce_sum3A_54 = vector.multi_reduction <add>, %mul3A, %reduce_sum3A_53 [0] : vector<2048x256xf32> to vector<256xf32>
    %broadcast_in_dim3A_55 = vector.shape_cast %reduce_sum3A_54 : vector<256xf32> to vector<1x256xf32>
    %add3A_56 = arith.addf %get3A_52, %broadcast_in_dim3A_55 : vector<1x256xf32>
    %swap3A_57 = arith.constant 1 : index
    %swap3A_58 = arith.constant 0 : index
    %swap3A_59 = vector.load %arg11[%swap3A_57, %swap3A_58] : memref<2x256xf32, #tpu.memory_space<vmem>>, vector<1x256xf32>
    tpu.vector_store %arg11[%swap3A_57, %swap3A_58], %add3A_56 {strides = array<i32>} : memref<2x256xf32, #tpu.memory_space<vmem>>, vector<1x256xf32>,
    %eq3A_60 = arith.constant 3 : i32
    %eq3A_61 = arith.cmpi eq, %arg0, %eq3A_60 : i32
    %eq3A_62 = arith.constant 3 : i32
    %eq3A_63 = arith.cmpi eq, %arg1, %eq3A_62 : i32
    %and3A_64 = arith.andi %eq3A_61, %eq3A_63 : i1
    %convert_element_type3A_65 = arith.extui %and3A_64 : i1 to i32
    %cond3A_66 = arith.constant 0 : i32
    %cond3A_67 = arith.cmpi ne, %convert_element_type3A_65, %cond3A_66 : i32
    scf.if %cond3A_67 {
      %get3A_68 = arith.constant 0 : index
      %get3A_69 = arith.constant 0 : index
      %get3A_70 = vector.load %arg11[%get3A_68, %get3A_69] : memref<2x256xf32, #tpu.memory_space<vmem>>, vector<1x256xf32>
      %mul3A_71 = arith.constant 3.05175781E-5 : f32
      %mul3A_72 = vector.broadcast %mul3A_71 : f32 to vector<1x256xf32>
      %mul3A_73 = arith.mulf %get3A_70, %mul3A_72 : vector<1x256xf32>
      %get3A_74 = arith.constant 1 : index
      %get3A_75 = arith.constant 0 : index
      %get3A_76 = vector.load %arg11[%get3A_74, %get3A_75] : memref<2x256xf32, #tpu.memory_space<vmem>>, vector<1x256xf32>
      %mul3A_77 = arith.constant 3.05175781E-5 : f32
      %mul3A_78 = vector.broadcast %mul3A_77 : f32 to vector<1x256xf32>
      %mul3A_79 = arith.mulf %get3A_76, %mul3A_78 : vector<1x256xf32>
      %mul3A_80 = arith.mulf %mul3A_73, %mul3A_73 : vector<1x256xf32>
      %sub3A = arith.subf %mul3A_79, %mul3A_80 : vector<1x256xf32>
      %get3A_81 = arith.constant 0 : index
      %get3A_82 = arith.constant 0 : index
      %get3A_83 = vector.load %arg7[%get3A_81, %get3A_82] : memref<1x256xf32, #tpu.memory_space<vmem>>, vector<1x256xf32>
      %add3A_84 = arith.constant 9.99999974E-6 : f32
      %add3A_85 = vector.broadcast %add3A_84 : f32 to vector<1x256xf32>
      %add3A_86 = arith.addf %sub3A, %add3A_85 : vector<1x256xf32>
      %sqrt3A = math.sqrt %add3A_86 : vector<1x256xf32>
      %div3A = arith.divf %get3A_83, %sqrt3A : vector<1x256xf32>
      %swap3A_87 = arith.constant 0 : index
      %swap3A_88 = arith.constant 0 : index
      %swap3A_89 = vector.load %arg9[%swap3A_87, %swap3A_88] : memref<1x256xf32, #tpu.memory_space<vmem>>, vector<1x256xf32>
      tpu.vector_store %arg9[%swap3A_87, %swap3A_88], %div3A {strides = array<i32>} : memref<1x256xf32, #tpu.memory_space<vmem>>, vector<1x256xf32>,
      %get3A_90 = arith.constant 0 : index
      %get3A_91 = arith.constant 0 : index
      %get3A_92 = vector.load %arg8[%get3A_90, %get3A_91] : memref<1x256xf32, #tpu.memory_space<vmem>>, vector<1x256xf32>
      %mul3A_93 = arith.mulf %mul3A_73, %div3A : vector<1x256xf32>
      %sub3A_94 = arith.subf %get3A_92, %mul3A_93 : vector<1x256xf32>
      %swap3A_95 = arith.constant 0 : index
      %swap3A_96 = arith.constant 0 : index
      %swap3A_97 = vector.load %arg10[%swap3A_95, %swap3A_96] : memref<1x256xf32, #tpu.memory_space<vmem>>, vector<1x256xf32>
      tpu.vector_store %arg10[%swap3A_95, %swap3A_96], %sub3A_94 {strides = array<i32>} : memref<1x256xf32, #tpu.memory_space<vmem>>, vector<1x256xf32>,
    } else {
    }
    return
  }
  func.func @transform_0(%arg0: i32, %arg1: i32) -> (i32, i32, i32, i32) {
    %c0_i32 = arith.constant 0 : i32
    %c0_i32_0 = arith.constant 0 : i32
    %c0_i32_1 = arith.constant 0 : i32
    return %c0_i32, %arg0, %arg1, %c0_i32_0 : i32, i32, i32, i32
  }
  func.func @transform_1(%arg0: i32, %arg1: i32) -> (i32, i32, i32, i32) {
    %c1_i32 = arith.constant 1 : i32
    %c0_i32 = arith.constant 0 : i32
    %c0_i32_0 = arith.constant 0 : i32
    return %c1_i32, %arg0, %arg1, %c0_i32 : i32, i32, i32, i32
  }
  func.func @transform_2(%arg0: i32, %arg1: i32) -> (i32, i32) {
    %c0_i32 = arith.constant 0 : i32
    %c0_i32_0 = arith.constant 0 : i32
    return %c0_i32, %arg1 : i32, i32
  }
  func.func @transform_3(%arg0: i32, %arg1: i32) -> (i32, i32) {
    %c0_i32 = arith.constant 0 : i32
    %c0_i32_0 = arith.constant 0 : i32
    %c0_i32_1 = arith.constant 0 : i32
    return %c0_i32, %c0_i32_0 : i32, i32
  }
  func.func @transform_4(%arg0: i32, %arg1: i32) -> (i32, i32) {
    %c0_i32 = arith.constant 0 : i32
    %c0_i32_0 = arith.constant 0 : i32
    %c0_i32_1 = arith.constant 0 : i32
    return %c0_i32, %c0_i32_0 : i32, i32
  }
  func.func @transform_5(%arg0: i32, %arg1: i32) -> (i32, i32) {
    %c0_i32 = arith.constant 0 : i32
    %c0_i32_0 = arith.constant 0 : i32
    %c0_i32_1 = arith.constant 0 : i32
    return %c0_i32, %c0_i32_0 : i32, i32
  }
  func.func @transform_6(%arg0: i32, %arg1: i32) -> (i32, i32) {
    %c0_i32 = arith.constant 0 : i32
    %c0_i32_0 = arith.constant 0 : i32
    %c0_i32_1 = arith.constant 0 : i32
    return %c0_i32, %c0_i32_0 : i32, i32
  }
  func.func @transform_7(%arg0: i32, %arg1: i32) -> (i32, i32) {
    %c0_i32 = arith.constant 0 : i32
    %c0_i32_0 = arith.constant 0 : i32
    %c0_i32_1 = arith.constant 0 : i32
    return %c0_i32, %c0_i32_0 : i32, i32
  }
  func.func @transform_8(%arg0: i32, %arg1: i32) -> (i32, i32) {
    %c0_i32 = arith.constant 0 : i32
    %c0_i32_0 = arith.constant 0 : i32
    %c0_i32_1 = arith.constant 0 : i32
    return %c0_i32, %c0_i32_0 : i32, i32
  }
}

module attributes {stable_mosaic.version = 14 : i64} {
  func.func @_dualmm_g_body(%arg0: i32, %arg1: i32, %arg2: memref<1x1x2048x128xi32, #tpu.memory_space<vmem>>, %arg3: memref<1x1x2048x128xi32, #tpu.memory_space<vmem>>, %arg4: memref<1x1x2048x128xi32, #tpu.memory_space<vmem>>, %arg5: memref<1x1x2048x128xi32, #tpu.memory_space<vmem>>, %arg6: memref<8x2048xf32, #tpu.memory_space<vmem>>, %arg7: memref<8x256xf32, #tpu.memory_space<vmem>>, %arg8: memref<1x256xf32, #tpu.memory_space<vmem>>, %arg9: memref<1x256xf32, #tpu.memory_space<vmem>>, %arg10: memref<1x256xf32, #tpu.memory_space<vmem>>, %arg11: memref<1x256x256xf32, #tpu.memory_space<vmem>>, %arg12: memref<1x256x256xf32, #tpu.memory_space<vmem>>, %arg13: memref<1x256xf32, #tpu.memory_space<vmem>>, %arg14: memref<1x256xf32, #tpu.memory_space<vmem>>, %arg15: memref<1x256xf32, #tpu.memory_space<vmem>>, %arg16: memref<1x2048x256xf32, #tpu.memory_space<vmem>>, %arg17: memref<1x256xf32, #tpu.memory_space<vmem>>, %arg18: memref<1x256xf32, #tpu.memory_space<vmem>>, %arg19: memref<2x256xf32, #tpu.memory_space<vmem>>) attributes {dimension_semantics = [#tpu.dimension_semantics<arbitrary>, #tpu.dimension_semantics<arbitrary>], iteration_bounds = array<i64: 2, 4>, scalar_prefetch = 0 : i64, scratch_operands = 1 : i64, tpu.core_type = #tpu.core_type<tc>, window_params = [{transform_indices = @transform_0, window_bounds = array<i64: 1, 1, 2048, 128>}, {transform_indices = @transform_1, window_bounds = array<i64: 1, 1, 2048, 128>}, {transform_indices = @transform_2, window_bounds = array<i64: 1, 1, 2048, 128>}, {transform_indices = @transform_3, window_bounds = array<i64: 1, 1, 2048, 128>}, {transform_indices = @transform_4, window_bounds = array<i64: 8, 2048>}, {pipeline_mode = #tpu.pipeline_mode<synchronous>, transform_indices = @transform_5, window_bounds = array<i64: 8, 256>}, {pipeline_mode = #tpu.pipeline_mode<synchronous>, transform_indices = @transform_6, window_bounds = array<i64: 1, 256>}, {pipeline_mode = #tpu.pipeline_mode<synchronous>, transform_indices = @transform_7, window_bounds = array<i64: 1, 256>}, {pipeline_mode = #tpu.pipeline_mode<synchronous>, transform_indices = @transform_8, window_bounds = array<i64: 1, 256>}, {transform_indices = @transform_9, window_bounds = array<i64: 1, 256, 256>}, {transform_indices = @transform_10, window_bounds = array<i64: 1, 256, 256>}, {pipeline_mode = #tpu.pipeline_mode<synchronous>, transform_indices = @transform_11, window_bounds = array<i64: 1, 256>}, {pipeline_mode = #tpu.pipeline_mode<synchronous>, transform_indices = @transform_12, window_bounds = array<i64: 1, 256>}, {pipeline_mode = #tpu.pipeline_mode<synchronous>, transform_indices = @transform_13, window_bounds = array<i64: 1, 256>}, {transform_indices = @transform_14, window_bounds = array<i64: 1, 2048, 256>}, {pipeline_mode = #tpu.pipeline_mode<synchronous>, transform_indices = @transform_15, window_bounds = array<i64: 1, 256>}, {pipeline_mode = #tpu.pipeline_mode<synchronous>, transform_indices = @transform_16, window_bounds = array<i64: 1, 256>}]} {
    %eq3A = arith.constant 0 : i32
    %eq3A_0 = arith.cmpi eq, %arg0, %eq3A : i32
    %eq3A_1 = arith.constant 0 : i32
    %eq3A_2 = arith.cmpi eq, %arg1, %eq3A_1 : i32
    %and3A = arith.andi %eq3A_0, %eq3A_2 : i1
    %convert_element_type3A = arith.extui %and3A : i1 to i32
    %cond3A = arith.constant 0 : i32
    %cond3A_3 = arith.cmpi ne, %convert_element_type3A, %cond3A : i32
    scf.if %cond3A_3 {
      %broadcast_in_dim3A_158 = arith.constant 0.000000e+00 : f32
      %broadcast_in_dim3A_159 = vector.broadcast %broadcast_in_dim3A_158 : f32 to vector<2x256xf32>
      %swap3A_160 = arith.constant 0 : index
      %swap3A_161 = arith.constant 0 : index
      %swap3A_162 = vector.load %arg19[%swap3A_160, %swap3A_161] : memref<2x256xf32, #tpu.memory_space<vmem>>, vector<2x256xf32>
      tpu.vector_store %arg19[%swap3A_160, %swap3A_161], %broadcast_in_dim3A_159 {strides = array<i32>} : memref<2x256xf32, #tpu.memory_space<vmem>>, vector<2x256xf32>,
    } else {
    }
    %get3A = arith.constant 0 : index
    %get3A_4 = arith.constant 0 : index
    %get3A_5 = vector.load %arg9[%get3A, %get3A_4] : memref<1x256xf32, #tpu.memory_space<vmem>>, vector<1x256xf32>
    %get3A_6 = arith.constant 0 : index
    %get3A_7 = arith.constant 0 : index
    %get3A_8 = vector.load %arg10[%get3A_6, %get3A_7] : memref<1x256xf32, #tpu.memory_space<vmem>>, vector<1x256xf32>
    %get3A_9 = arith.constant 0 : index
    %get3A_10 = arith.constant 0 : index
    %get3A_11 = vector.load %arg6[%get3A_9, %get3A_10] : memref<8x2048xf32, #tpu.memory_space<vmem>>, vector<8x2048xf32>
    %get3A_12 = arith.constant 0 : index
    %get3A_13 = arith.constant 0 : index
    %get3A_14 = vector.load %arg7[%get3A_12, %get3A_13] : memref<8x256xf32, #tpu.memory_space<vmem>>, vector<8x256xf32>
    %dot_general3A = arith.constant dense<0.000000e+00> : vector<2048x256xf32>
    %dot_general3A_15 = tpu.matmul %get3A_11, %get3A_14, %dot_general3A {dimension_numbers = #tpu.dot_dimension_numbers<[0], [0], [1], [1], [0, 1, 1, 1], [], []>, transpose_lhs_hint = false} : vector<8x2048xf32>, vector<8x256xf32>, vector<2048x256xf32> -> vector<2048x256xf32>
    %get3A_16 = arith.constant 0 : index
    %get3A_17 = arith.constant 0 : index
    %get3A_18 = arith.constant 0 : index
    %get3A_19 = arith.constant 0 : index
    %get3A_20 = vector.load %arg2[%get3A_16, %get3A_17, %get3A_18, %get3A_19] : memref<1x1x2048x128xi32, #tpu.memory_space<vmem>>, vector<1x1x2048x128xi32>
    %get3A_21 = vector.shape_cast %get3A_20 : vector<1x1x2048x128xi32> to vector<2048x128xi32>
    %get3A_22 = arith.constant 0 : index
    %get3A_23 = arith.constant 0 : index
    %get3A_24 = arith.constant 0 : index
    %get3A_25 = arith.constant 0 : index
    %get3A_26 = vector.load %arg3[%get3A_22, %get3A_23, %get3A_24, %get3A_25] : memref<1x1x2048x128xi32, #tpu.memory_space<vmem>>, vector<1x1x2048x128xi32>
    %get3A_27 = vector.shape_cast %get3A_26 : vector<1x1x2048x128xi32> to vector<2048x128xi32>
    %convert_element_type3A_28 = arith.trunci %get3A_21 : vector<2048x128xi32> to vector<2048x128xi16>
    %bitcast_convert_type3A = tpu.bitcast %convert_element_type3A_28 : vector<2048x128xi16> -> vector<2048x128xbf16>
    %shift_right_logical3A = arith.constant 16 : i32
    %shift_right_logical3A_29 = vector.broadcast %shift_right_logical3A : i32 to vector<2048x128xi32>
    %shift_right_logical3A_30 = arith.shrui %get3A_21, %shift_right_logical3A_29 : vector<2048x128xi32>
    %convert_element_type3A_31 = arith.trunci %shift_right_logical3A_30 : vector<2048x128xi32> to vector<2048x128xi16>
    %bitcast_convert_type3A_32 = tpu.bitcast %convert_element_type3A_31 : vector<2048x128xi16> -> vector<2048x128xbf16>
    %concatenate3A = tpu.concatenate %bitcast_convert_type3A, %bitcast_convert_type3A_32 in 1 : vector<2048x128xbf16>, vector<2048x128xbf16> -> vector<2048x256xbf16>
    %convert_element_type3A_33 = arith.extf %concatenate3A : vector<2048x256xbf16> to vector<2048x256xf32>
    %convert_element_type3A_34 = arith.trunci %get3A_27 : vector<2048x128xi32> to vector<2048x128xi16>
    %bitcast_convert_type3A_35 = tpu.bitcast %convert_element_type3A_34 : vector<2048x128xi16> -> vector<2048x128xbf16>
    %shift_right_logical3A_36 = arith.constant 16 : i32
    %shift_right_logical3A_37 = vector.broadcast %shift_right_logical3A_36 : i32 to vector<2048x128xi32>
    %shift_right_logical3A_38 = arith.shrui %get3A_27, %shift_right_logical3A_37 : vector<2048x128xi32>
    %convert_element_type3A_39 = arith.trunci %shift_right_logical3A_38 : vector<2048x128xi32> to vector<2048x128xi16>
    %bitcast_convert_type3A_40 = tpu.bitcast %convert_element_type3A_39 : vector<2048x128xi16> -> vector<2048x128xbf16>
    %concatenate3A_41 = tpu.concatenate %bitcast_convert_type3A_35, %bitcast_convert_type3A_40 in 1 : vector<2048x128xbf16>, vector<2048x128xbf16> -> vector<2048x256xbf16>
    %convert_element_type3A_42 = arith.extf %concatenate3A_41 : vector<2048x256xbf16> to vector<2048x256xf32>
    %add3A = arith.addf %convert_element_type3A_33, %convert_element_type3A_42 : vector<2048x256xf32>
    %add3A_43 = arith.addf %add3A, %dot_general3A_15 : vector<2048x256xf32>
    %get3A_44 = arith.constant 0 : index
    %get3A_45 = arith.constant 0 : index
    %get3A_46 = vector.load %arg8[%get3A_44, %get3A_45] : memref<1x256xf32, #tpu.memory_space<vmem>>, vector<1x256xf32>
    %add3A_47 = vector.broadcast %get3A_46 : vector<1x256xf32> to vector<2048x256xf32>
    %add3A_48 = arith.addf %add3A_43, %add3A_47 : vector<2048x256xf32>
    %get3A_49 = arith.constant 0 : index
    %get3A_50 = arith.constant 0 : index
    %get3A_51 = vector.load %arg6[%get3A_49, %get3A_50] : memref<8x2048xf32, #tpu.memory_space<vmem>>, vector<8x2048xf32>
    %get3A_52 = arith.constant 0 : index
    %get3A_53 = arith.constant 0 : index
    %get3A_54 = vector.load %arg7[%get3A_52, %get3A_53] : memref<8x256xf32, #tpu.memory_space<vmem>>, vector<8x256xf32>
    %dot_general3A_55 = arith.constant dense<0.000000e+00> : vector<2048x256xf32>
    %dot_general3A_56 = tpu.matmul %get3A_51, %get3A_54, %dot_general3A_55 {dimension_numbers = #tpu.dot_dimension_numbers<[0], [0], [1], [1], [0, 1, 1, 1], [], []>, transpose_lhs_hint = false} : vector<8x2048xf32>, vector<8x256xf32>, vector<2048x256xf32> -> vector<2048x256xf32>
    %get3A_57 = arith.constant 0 : index
    %get3A_58 = arith.constant 0 : index
    %get3A_59 = arith.constant 0 : index
    %get3A_60 = arith.constant 0 : index
    %get3A_61 = vector.load %arg4[%get3A_57, %get3A_58, %get3A_59, %get3A_60] : memref<1x1x2048x128xi32, #tpu.memory_space<vmem>>, vector<1x1x2048x128xi32>
    %get3A_62 = vector.shape_cast %get3A_61 : vector<1x1x2048x128xi32> to vector<2048x128xi32>
    %get3A_63 = arith.constant 0 : index
    %get3A_64 = arith.constant 0 : index
    %get3A_65 = arith.constant 0 : index
    %get3A_66 = arith.constant 0 : index
    %get3A_67 = vector.load %arg5[%get3A_63, %get3A_64, %get3A_65, %get3A_66] : memref<1x1x2048x128xi32, #tpu.memory_space<vmem>>, vector<1x1x2048x128xi32>
    %get3A_68 = vector.shape_cast %get3A_67 : vector<1x1x2048x128xi32> to vector<2048x128xi32>
    %convert_element_type3A_69 = arith.trunci %get3A_62 : vector<2048x128xi32> to vector<2048x128xi16>
    %bitcast_convert_type3A_70 = tpu.bitcast %convert_element_type3A_69 : vector<2048x128xi16> -> vector<2048x128xbf16>
    %shift_right_logical3A_71 = arith.constant 16 : i32
    %shift_right_logical3A_72 = vector.broadcast %shift_right_logical3A_71 : i32 to vector<2048x128xi32>
    %shift_right_logical3A_73 = arith.shrui %get3A_62, %shift_right_logical3A_72 : vector<2048x128xi32>
    %convert_element_type3A_74 = arith.trunci %shift_right_logical3A_73 : vector<2048x128xi32> to vector<2048x128xi16>
    %bitcast_convert_type3A_75 = tpu.bitcast %convert_element_type3A_74 : vector<2048x128xi16> -> vector<2048x128xbf16>
    %concatenate3A_76 = tpu.concatenate %bitcast_convert_type3A_70, %bitcast_convert_type3A_75 in 1 : vector<2048x128xbf16>, vector<2048x128xbf16> -> vector<2048x256xbf16>
    %convert_element_type3A_77 = arith.extf %concatenate3A_76 : vector<2048x256xbf16> to vector<2048x256xf32>
    %convert_element_type3A_78 = arith.trunci %get3A_68 : vector<2048x128xi32> to vector<2048x128xi16>
    %bitcast_convert_type3A_79 = tpu.bitcast %convert_element_type3A_78 : vector<2048x128xi16> -> vector<2048x128xbf16>
    %shift_right_logical3A_80 = arith.constant 16 : i32
    %shift_right_logical3A_81 = vector.broadcast %shift_right_logical3A_80 : i32 to vector<2048x128xi32>
    %shift_right_logical3A_82 = arith.shrui %get3A_68, %shift_right_logical3A_81 : vector<2048x128xi32>
    %convert_element_type3A_83 = arith.trunci %shift_right_logical3A_82 : vector<2048x128xi32> to vector<2048x128xi16>
    %bitcast_convert_type3A_84 = tpu.bitcast %convert_element_type3A_83 : vector<2048x128xi16> -> vector<2048x128xbf16>
    %concatenate3A_85 = tpu.concatenate %bitcast_convert_type3A_79, %bitcast_convert_type3A_84 in 1 : vector<2048x128xbf16>, vector<2048x128xbf16> -> vector<2048x256xbf16>
    %convert_element_type3A_86 = arith.extf %concatenate3A_85 : vector<2048x256xbf16> to vector<2048x256xf32>
    %add3A_87 = arith.addf %convert_element_type3A_77, %convert_element_type3A_86 : vector<2048x256xf32>
    %add3A_88 = arith.addf %add3A_87, %dot_general3A_56 : vector<2048x256xf32>
    %get3A_89 = arith.constant 0 : index
    %get3A_90 = arith.constant 0 : index
    %get3A_91 = vector.load %arg8[%get3A_89, %get3A_90] : memref<1x256xf32, #tpu.memory_space<vmem>>, vector<1x256xf32>
    %add3A_92 = vector.broadcast %get3A_91 : vector<1x256xf32> to vector<2048x256xf32>
    %add3A_93 = arith.addf %add3A_88, %add3A_92 : vector<2048x256xf32>
    %mul3A = vector.broadcast %get3A_5 : vector<1x256xf32> to vector<2048x256xf32>
    %mul3A_94 = arith.mulf %add3A_48, %mul3A : vector<2048x256xf32>
    %add3A_95 = vector.broadcast %get3A_8 : vector<1x256xf32> to vector<2048x256xf32>
    %add3A_96 = arith.addf %mul3A_94, %add3A_95 : vector<2048x256xf32>
    %max3A = arith.constant 0.000000e+00 : f32
    %max3A_97 = vector.broadcast %max3A : f32 to vector<2048x256xf32>
    %max3A_98 = arith.maximumf %add3A_96, %max3A_97 : vector<2048x256xf32>
    %mul3A_99 = vector.broadcast %get3A_5 : vector<1x256xf32> to vector<2048x256xf32>
    %mul3A_100 = arith.mulf %add3A_93, %mul3A_99 : vector<2048x256xf32>
    %add3A_101 = vector.broadcast %get3A_8 : vector<1x256xf32> to vector<2048x256xf32>
    %add3A_102 = arith.addf %mul3A_100, %add3A_101 : vector<2048x256xf32>
    %max3A_103 = arith.constant 0.000000e+00 : f32
    %max3A_104 = vector.broadcast %max3A_103 : f32 to vector<2048x256xf32>
    %max3A_105 = arith.maximumf %add3A_102, %max3A_104 : vector<2048x256xf32>
    %get3A_106 = arith.constant 0 : index
    %get3A_107 = arith.constant 0 : index
    %get3A_108 = arith.constant 0 : index
    %get3A_109 = vector.load %arg11[%get3A_106, %get3A_107, %get3A_108] : memref<1x256x256xf32, #tpu.memory_space<vmem>>, vector<1x256x256xf32>
    %get3A_110 = vector.shape_cast %get3A_109 : vector<1x256x256xf32> to vector<256x256xf32>
    %dot_general3A_111 = arith.constant dense<0.000000e+00> : vector<2048x256xf32>
    %dot_general3A_112 = tpu.matmul %max3A_98, %get3A_110, %dot_general3A_111 {dimension_numbers = #tpu.dot_dimension_numbers<[1], [0], [0], [1], [0, 0, 1, 1], [], []>, transpose_lhs_hint = false} : vector<2048x256xf32>, vector<256x256xf32>, vector<2048x256xf32> -> vector<2048x256xf32>
    %get3A_113 = arith.constant 0 : index
    %get3A_114 = arith.constant 0 : index
    %get3A_115 = arith.constant 0 : index
    %get3A_116 = vector.load %arg12[%get3A_113, %get3A_114, %get3A_115] : memref<1x256x256xf32, #tpu.memory_space<vmem>>, vector<1x256x256xf32>
    %get3A_117 = vector.shape_cast %get3A_116 : vector<1x256x256xf32> to vector<256x256xf32>
    %dot_general3A_118 = arith.constant dense<0.000000e+00> : vector<2048x256xf32>
    %dot_general3A_119 = tpu.matmul %max3A_105, %get3A_117, %dot_general3A_118 {dimension_numbers = #tpu.dot_dimension_numbers<[1], [0], [0], [1], [0, 0, 1, 1], [], []>, transpose_lhs_hint = false} : vector<2048x256xf32>, vector<256x256xf32>, vector<2048x256xf32> -> vector<2048x256xf32>
    %add3A_120 = arith.addf %dot_general3A_112, %dot_general3A_119 : vector<2048x256xf32>
    %get3A_121 = arith.constant 0 : index
    %get3A_122 = arith.constant 0 : index
    %get3A_123 = vector.load %arg13[%get3A_121, %get3A_122] : memref<1x256xf32, #tpu.memory_space<vmem>>, vector<1x256xf32>
    %add3A_124 = vector.broadcast %get3A_123 : vector<1x256xf32> to vector<2048x256xf32>
    %add3A_125 = arith.addf %add3A_120, %add3A_124 : vector<2048x256xf32>
    %swap3A = arith.constant 0 : index
    %swap3A_126 = arith.constant 0 : index
    %swap3A_127 = arith.constant 0 : index
    %swap3A_128 = vector.load %arg16[%swap3A, %swap3A_126, %swap3A_127] : memref<1x2048x256xf32, #tpu.memory_space<vmem>>, vector<1x2048x256xf32>
    %swap3A_129 = vector.shape_cast %swap3A_128 : vector<1x2048x256xf32> to vector<2048x256xf32>
    %swap3A_130 = vector.shape_cast %add3A_125 : vector<2048x256xf32> to vector<1x2048x256xf32>
    tpu.vector_store %arg16[%swap3A, %swap3A_126, %swap3A_127], %swap3A_130 {strides = array<i32>} : memref<1x2048x256xf32, #tpu.memory_space<vmem>>, vector<1x2048x256xf32>,
    %get3A_131 = arith.constant 0 : index
    %get3A_132 = arith.constant 0 : index
    %get3A_133 = vector.load %arg19[%get3A_131, %get3A_132] : memref<2x256xf32, #tpu.memory_space<vmem>>, vector<1x256xf32>
    %reduce_sum3A = arith.constant dense<0.000000e+00> : vector<256xf32>
    %reduce_sum3A_134 = vector.multi_reduction <add>, %add3A_125, %reduce_sum3A [0] : vector<2048x256xf32> to vector<256xf32>
    %broadcast_in_dim3A = vector.shape_cast %reduce_sum3A_134 : vector<256xf32> to vector<1x256xf32>
    %add3A_135 = arith.addf %get3A_133, %broadcast_in_dim3A : vector<1x256xf32>
    %swap3A_136 = arith.constant 0 : index
    %swap3A_137 = arith.constant 0 : index
    %swap3A_138 = vector.load %arg19[%swap3A_136, %swap3A_137] : memref<2x256xf32, #tpu.memory_space<vmem>>, vector<1x256xf32>
    tpu.vector_store %arg19[%swap3A_136, %swap3A_137], %add3A_135 {strides = array<i32>} : memref<2x256xf32, #tpu.memory_space<vmem>>, vector<1x256xf32>,
    %get3A_139 = arith.constant 1 : index
    %get3A_140 = arith.constant 0 : index
    %get3A_141 = vector.load %arg19[%get3A_139, %get3A_140] : memref<2x256xf32, #tpu.memory_space<vmem>>, vector<1x256xf32>
    %mul3A_142 = arith.mulf %add3A_125, %add3A_125 : vector<2048x256xf32>
    %reduce_sum3A_143 = arith.constant dense<0.000000e+00> : vector<256xf32>
    %reduce_sum3A_144 = vector.multi_reduction <add>, %mul3A_142, %reduce_sum3A_143 [0] : vector<2048x256xf32> to vector<256xf32>
    %broadcast_in_dim3A_145 = vector.shape_cast %reduce_sum3A_144 : vector<256xf32> to vector<1x256xf32>
    %add3A_146 = arith.addf %get3A_141, %broadcast_in_dim3A_145 : vector<1x256xf32>
    %swap3A_147 = arith.constant 1 : index
    %swap3A_148 = arith.constant 0 : index
    %swap3A_149 = vector.load %arg19[%swap3A_147, %swap3A_148] : memref<2x256xf32, #tpu.memory_space<vmem>>, vector<1x256xf32>
    tpu.vector_store %arg19[%swap3A_147, %swap3A_148], %add3A_146 {strides = array<i32>} : memref<2x256xf32, #tpu.memory_space<vmem>>, vector<1x256xf32>,
    %eq3A_150 = arith.constant 1 : i32
    %eq3A_151 = arith.cmpi eq, %arg0, %eq3A_150 : i32
    %eq3A_152 = arith.constant 3 : i32
    %eq3A_153 = arith.cmpi eq, %arg1, %eq3A_152 : i32
    %and3A_154 = arith.andi %eq3A_151, %eq3A_153 : i1
    %convert_element_type3A_155 = arith.extui %and3A_154 : i1 to i32
    %cond3A_156 = arith.constant 0 : i32
    %cond3A_157 = arith.cmpi ne, %convert_element_type3A_155, %cond3A_156 : i32
    scf.if %cond3A_157 {
      %get3A_158 = arith.constant 0 : index
      %get3A_159 = arith.constant 0 : index
      %get3A_160 = vector.load %arg19[%get3A_158, %get3A_159] : memref<2x256xf32, #tpu.memory_space<vmem>>, vector<1x256xf32>
      %mul3A_161 = arith.constant 6.10351563E-5 : f32
      %mul3A_162 = vector.broadcast %mul3A_161 : f32 to vector<1x256xf32>
      %mul3A_163 = arith.mulf %get3A_160, %mul3A_162 : vector<1x256xf32>
      %get3A_164 = arith.constant 1 : index
      %get3A_165 = arith.constant 0 : index
      %get3A_166 = vector.load %arg19[%get3A_164, %get3A_165] : memref<2x256xf32, #tpu.memory_space<vmem>>, vector<1x256xf32>
      %mul3A_167 = arith.constant 6.10351563E-5 : f32
      %mul3A_168 = vector.broadcast %mul3A_167 : f32 to vector<1x256xf32>
      %mul3A_169 = arith.mulf %get3A_166, %mul3A_168 : vector<1x256xf32>
      %mul3A_170 = arith.mulf %mul3A_163, %mul3A_163 : vector<1x256xf32>
      %sub3A = arith.subf %mul3A_169, %mul3A_170 : vector<1x256xf32>
      %get3A_171 = arith.constant 0 : index
      %get3A_172 = arith.constant 0 : index
      %get3A_173 = vector.load %arg14[%get3A_171, %get3A_172] : memref<1x256xf32, #tpu.memory_space<vmem>>, vector<1x256xf32>
      %add3A_174 = arith.constant 9.99999974E-6 : f32
      %add3A_175 = vector.broadcast %add3A_174 : f32 to vector<1x256xf32>
      %add3A_176 = arith.addf %sub3A, %add3A_175 : vector<1x256xf32>
      %sqrt3A = math.sqrt %add3A_176 : vector<1x256xf32>
      %div3A = arith.divf %get3A_173, %sqrt3A : vector<1x256xf32>
      %swap3A_177 = arith.constant 0 : index
      %swap3A_178 = arith.constant 0 : index
      %swap3A_179 = vector.load %arg17[%swap3A_177, %swap3A_178] : memref<1x256xf32, #tpu.memory_space<vmem>>, vector<1x256xf32>
      tpu.vector_store %arg17[%swap3A_177, %swap3A_178], %div3A {strides = array<i32>} : memref<1x256xf32, #tpu.memory_space<vmem>>, vector<1x256xf32>,
      %get3A_180 = arith.constant 0 : index
      %get3A_181 = arith.constant 0 : index
      %get3A_182 = vector.load %arg15[%get3A_180, %get3A_181] : memref<1x256xf32, #tpu.memory_space<vmem>>, vector<1x256xf32>
      %mul3A_183 = arith.mulf %mul3A_163, %div3A : vector<1x256xf32>
      %sub3A_184 = arith.subf %get3A_182, %mul3A_183 : vector<1x256xf32>
      %swap3A_185 = arith.constant 0 : index
      %swap3A_186 = arith.constant 0 : index
      %swap3A_187 = vector.load %arg18[%swap3A_185, %swap3A_186] : memref<1x256xf32, #tpu.memory_space<vmem>>, vector<1x256xf32>
      tpu.vector_store %arg18[%swap3A_185, %swap3A_186], %sub3A_184 {strides = array<i32>} : memref<1x256xf32, #tpu.memory_space<vmem>>, vector<1x256xf32>,
    } else {
    }
    return
  }
  func.func @transform_0(%arg0: i32, %arg1: i32) -> (i32, i32, i32, i32) {
    %mul3A = arith.constant 2 : i32
    %mul3A_0 = arith.muli %mul3A, %arg0 : i32
    %c0_i32 = arith.constant 0 : i32
    %c0_i32_1 = arith.constant 0 : i32
    %c0_i32_2 = arith.constant 0 : i32
    return %c0_i32, %mul3A_0, %arg1, %c0_i32_1 : i32, i32, i32, i32
  }
  func.func @transform_1(%arg0: i32, %arg1: i32) -> (i32, i32, i32, i32) {
    %mul3A = arith.constant 2 : i32
    %mul3A_0 = arith.muli %mul3A, %arg0 : i32
    %c1_i32 = arith.constant 1 : i32
    %c0_i32 = arith.constant 0 : i32
    %c0_i32_1 = arith.constant 0 : i32
    return %c1_i32, %mul3A_0, %arg1, %c0_i32 : i32, i32, i32, i32
  }
  func.func @transform_2(%arg0: i32, %arg1: i32) -> (i32, i32, i32, i32) {
    %mul3A = arith.constant 2 : i32
    %mul3A_0 = arith.muli %mul3A, %arg0 : i32
    %add3A = arith.constant 1 : i32
    %add3A_1 = arith.addi %mul3A_0, %add3A : i32
    %c0_i32 = arith.constant 0 : i32
    %c0_i32_2 = arith.constant 0 : i32
    %c0_i32_3 = arith.constant 0 : i32
    return %c0_i32, %add3A_1, %arg1, %c0_i32_2 : i32, i32, i32, i32
  }
  func.func @transform_3(%arg0: i32, %arg1: i32) -> (i32, i32, i32, i32) {
    %mul3A = arith.constant 2 : i32
    %mul3A_0 = arith.muli %mul3A, %arg0 : i32
    %add3A = arith.constant 1 : i32
    %add3A_1 = arith.addi %mul3A_0, %add3A : i32
    %c1_i32 = arith.constant 1 : i32
    %c0_i32 = arith.constant 0 : i32
    %c0_i32_2 = arith.constant 0 : i32
    return %c1_i32, %add3A_1, %arg1, %c0_i32 : i32, i32, i32, i32
  }
  func.func @transform_4(%arg0: i32, %arg1: i32) -> (i32, i32) {
    %c0_i32 = arith.constant 0 : i32
    %c0_i32_0 = arith.constant 0 : i32
    return %c0_i32, %arg1 : i32, i32
  }
  func.func @transform_5(%arg0: i32, %arg1: i32) -> (i32, i32) {
    %c0_i32 = arith.constant 0 : i32
    %c0_i32_0 = arith.constant 0 : i32
    %c0_i32_1 = arith.constant 0 : i32
    return %c0_i32, %c0_i32_0 : i32, i32
  }
  func.func @transform_6(%arg0: i32, %arg1: i32) -> (i32, i32) {
    %c0_i32 = arith.constant 0 : i32
    %c0_i32_0 = arith.constant 0 : i32
    %c0_i32_1 = arith.constant 0 : i32
    return %c0_i32, %c0_i32_0 : i32, i32
  }
  func.func @transform_7(%arg0: i32, %arg1: i32) -> (i32, i32) {
    %c0_i32 = arith.constant 0 : i32
    %c0_i32_0 = arith.constant 0 : i32
    %c0_i32_1 = arith.constant 0 : i32
    return %c0_i32, %c0_i32_0 : i32, i32
  }
  func.func @transform_8(%arg0: i32, %arg1: i32) -> (i32, i32) {
    %c0_i32 = arith.constant 0 : i32
    %c0_i32_0 = arith.constant 0 : i32
    %c0_i32_1 = arith.constant 0 : i32
    return %c0_i32, %c0_i32_0 : i32, i32
  }
  func.func @transform_9(%arg0: i32, %arg1: i32) -> (i32, i32, i32) {
    %c0_i32 = arith.constant 0 : i32
    %c0_i32_0 = arith.constant 0 : i32
    %c0_i32_1 = arith.constant 0 : i32
    %c0_i32_2 = arith.constant 0 : i32
    return %c0_i32, %c0_i32_0, %c0_i32_1 : i32, i32, i32
  }
  func.func @transform_10(%arg0: i32, %arg1: i32) -> (i32, i32, i32) {
    %c1_i32 = arith.constant 1 : i32
    %c0_i32 = arith.constant 0 : i32
    %c0_i32_0 = arith.constant 0 : i32
    %c0_i32_1 = arith.constant 0 : i32
    return %c1_i32, %c0_i32, %c0_i32_0 : i32, i32, i32
  }
  func.func @transform_11(%arg0: i32, %arg1: i32) -> (i32, i32) {
    %c0_i32 = arith.constant 0 : i32
    %c0_i32_0 = arith.constant 0 : i32
    %c0_i32_1 = arith.constant 0 : i32
    return %c0_i32, %c0_i32_0 : i32, i32
  }
  func.func @transform_12(%arg0: i32, %arg1: i32) -> (i32, i32) {
    %c0_i32 = arith.constant 0 : i32
    %c0_i32_0 = arith.constant 0 : i32
    %c0_i32_1 = arith.constant 0 : i32
    return %c0_i32, %c0_i32_0 : i32, i32
  }
  func.func @transform_13(%arg0: i32, %arg1: i32) -> (i32, i32) {
    %c0_i32 = arith.constant 0 : i32
    %c0_i32_0 = arith.constant 0 : i32
    %c0_i32_1 = arith.constant 0 : i32
    return %c0_i32, %c0_i32_0 : i32, i32
  }
  func.func @transform_14(%arg0: i32, %arg1: i32) -> (i32, i32, i32) {
    %c0_i32 = arith.constant 0 : i32
    %c0_i32_0 = arith.constant 0 : i32
    return %arg0, %arg1, %c0_i32 : i32, i32, i32
  }
  func.func @transform_15(%arg0: i32, %arg1: i32) -> (i32, i32) {
    %c0_i32 = arith.constant 0 : i32
    %c0_i32_0 = arith.constant 0 : i32
    %c0_i32_1 = arith.constant 0 : i32
    return %c0_i32, %c0_i32_0 : i32, i32
  }
  func.func @transform_16(%arg0: i32, %arg1: i32) -> (i32, i32) {
    %c0_i32 = arith.constant 0 : i32
    %c0_i32_0 = arith.constant 0 : i32
    %c0_i32_1 = arith.constant 0 : i32
    return %c0_i32, %c0_i32_0 : i32, i32
  }
}

module attributes {stable_mosaic.version = 14 : i64} {
  func.func @_dualmm_body(%arg0: i32, %arg1: i32, %arg2: memref<1x2048x256xf32, #tpu.memory_space<vmem>>, %arg3: memref<1x2048x256xf32, #tpu.memory_space<vmem>>, %arg4: memref<1x256xf32, #tpu.memory_space<vmem>>, %arg5: memref<1x256xf32, #tpu.memory_space<vmem>>, %arg6: memref<1x256x256xf32, #tpu.memory_space<vmem>>, %arg7: memref<1x256x256xf32, #tpu.memory_space<vmem>>, %arg8: memref<1x256xf32, #tpu.memory_space<vmem>>, %arg9: memref<1x256xf32, #tpu.memory_space<vmem>>, %arg10: memref<1x256xf32, #tpu.memory_space<vmem>>, %arg11: memref<1x2048x256xf32, #tpu.memory_space<vmem>>, %arg12: memref<1x256xf32, #tpu.memory_space<vmem>>, %arg13: memref<1x256xf32, #tpu.memory_space<vmem>>, %arg14: memref<2x256xf32, #tpu.memory_space<vmem>>) attributes {dimension_semantics = [#tpu.dimension_semantics<arbitrary>, #tpu.dimension_semantics<arbitrary>], iteration_bounds = array<i64: 1, 4>, scalar_prefetch = 0 : i64, scratch_operands = 1 : i64, tpu.core_type = #tpu.core_type<tc>, window_params = [{transform_indices = @transform_0, window_bounds = array<i64: 1, 2048, 256>}, {transform_indices = @transform_1, window_bounds = array<i64: 1, 2048, 256>}, {pipeline_mode = #tpu.pipeline_mode<synchronous>, transform_indices = @transform_2, window_bounds = array<i64: 1, 256>}, {pipeline_mode = #tpu.pipeline_mode<synchronous>, transform_indices = @transform_3, window_bounds = array<i64: 1, 256>}, {transform_indices = @transform_4, window_bounds = array<i64: 1, 256, 256>}, {transform_indices = @transform_5, window_bounds = array<i64: 1, 256, 256>}, {pipeline_mode = #tpu.pipeline_mode<synchronous>, transform_indices = @transform_6, window_bounds = array<i64: 1, 256>}, {pipeline_mode = #tpu.pipeline_mode<synchronous>, transform_indices = @transform_7, window_bounds = array<i64: 1, 256>}, {pipeline_mode = #tpu.pipeline_mode<synchronous>, transform_indices = @transform_8, window_bounds = array<i64: 1, 256>}, {transform_indices = @transform_9, window_bounds = array<i64: 1, 2048, 256>}, {pipeline_mode = #tpu.pipeline_mode<synchronous>, transform_indices = @transform_10, window_bounds = array<i64: 1, 256>}, {pipeline_mode = #tpu.pipeline_mode<synchronous>, transform_indices = @transform_11, window_bounds = array<i64: 1, 256>}]} {
    %eq3A = arith.constant 0 : i32
    %eq3A_0 = arith.cmpi eq, %arg0, %eq3A : i32
    %eq3A_1 = arith.constant 0 : i32
    %eq3A_2 = arith.cmpi eq, %arg1, %eq3A_1 : i32
    %and3A = arith.andi %eq3A_0, %eq3A_2 : i1
    %convert_element_type3A = arith.extui %and3A : i1 to i32
    %cond3A = arith.constant 0 : i32
    %cond3A_3 = arith.cmpi ne, %convert_element_type3A, %cond3A : i32
    scf.if %cond3A_3 {
      %broadcast_in_dim3A_81 = arith.constant 0.000000e+00 : f32
      %broadcast_in_dim3A_82 = vector.broadcast %broadcast_in_dim3A_81 : f32 to vector<2x256xf32>
      %swap3A_83 = arith.constant 0 : index
      %swap3A_84 = arith.constant 0 : index
      %swap3A_85 = vector.load %arg14[%swap3A_83, %swap3A_84] : memref<2x256xf32, #tpu.memory_space<vmem>>, vector<2x256xf32>
      tpu.vector_store %arg14[%swap3A_83, %swap3A_84], %broadcast_in_dim3A_82 {strides = array<i32>} : memref<2x256xf32, #tpu.memory_space<vmem>>, vector<2x256xf32>,
    } else {
    }
    %get3A = arith.constant 0 : index
    %get3A_4 = arith.constant 0 : index
    %get3A_5 = vector.load %arg4[%get3A, %get3A_4] : memref<1x256xf32, #tpu.memory_space<vmem>>, vector<1x256xf32>
    %get3A_6 = arith.constant 0 : index
    %get3A_7 = arith.constant 0 : index
    %get3A_8 = vector.load %arg5[%get3A_6, %get3A_7] : memref<1x256xf32, #tpu.memory_space<vmem>>, vector<1x256xf32>
    %get3A_9 = arith.constant 0 : index
    %get3A_10 = arith.constant 0 : index
    %get3A_11 = arith.constant 0 : index
    %get3A_12 = vector.load %arg2[%get3A_9, %get3A_10, %get3A_11] : memref<1x2048x256xf32, #tpu.memory_space<vmem>>, vector<1x2048x256xf32>
    %get3A_13 = vector.shape_cast %get3A_12 : vector<1x2048x256xf32> to vector<2048x256xf32>
    %mul3A = vector.broadcast %get3A_5 : vector<1x256xf32> to vector<2048x256xf32>
    %mul3A_14 = arith.mulf %get3A_13, %mul3A : vector<2048x256xf32>
    %add3A = vector.broadcast %get3A_8 : vector<1x256xf32> to vector<2048x256xf32>
    %add3A_15 = arith.addf %mul3A_14, %add3A : vector<2048x256xf32>
    %max3A = arith.constant 0.000000e+00 : f32
    %max3A_16 = vector.broadcast %max3A : f32 to vector<2048x256xf32>
    %max3A_17 = arith.maximumf %add3A_15, %max3A_16 : vector<2048x256xf32>
    %get3A_18 = arith.constant 0 : index
    %get3A_19 = arith.constant 0 : index
    %get3A_20 = arith.constant 0 : index
    %get3A_21 = vector.load %arg3[%get3A_18, %get3A_19, %get3A_20] : memref<1x2048x256xf32, #tpu.memory_space<vmem>>, vector<1x2048x256xf32>
    %get3A_22 = vector.shape_cast %get3A_21 : vector<1x2048x256xf32> to vector<2048x256xf32>
    %mul3A_23 = vector.broadcast %get3A_5 : vector<1x256xf32> to vector<2048x256xf32>
    %mul3A_24 = arith.mulf %get3A_22, %mul3A_23 : vector<2048x256xf32>
    %add3A_25 = vector.broadcast %get3A_8 : vector<1x256xf32> to vector<2048x256xf32>
    %add3A_26 = arith.addf %mul3A_24, %add3A_25 : vector<2048x256xf32>
    %max3A_27 = arith.constant 0.000000e+00 : f32
    %max3A_28 = vector.broadcast %max3A_27 : f32 to vector<2048x256xf32>
    %max3A_29 = arith.maximumf %add3A_26, %max3A_28 : vector<2048x256xf32>
    %get3A_30 = arith.constant 0 : index
    %get3A_31 = arith.constant 0 : index
    %get3A_32 = arith.constant 0 : index
    %get3A_33 = vector.load %arg6[%get3A_30, %get3A_31, %get3A_32] : memref<1x256x256xf32, #tpu.memory_space<vmem>>, vector<1x256x256xf32>
    %get3A_34 = vector.shape_cast %get3A_33 : vector<1x256x256xf32> to vector<256x256xf32>
    %dot_general3A = arith.constant dense<0.000000e+00> : vector<2048x256xf32>
    %dot_general3A_35 = tpu.matmul %max3A_17, %get3A_34, %dot_general3A {dimension_numbers = #tpu.dot_dimension_numbers<[1], [0], [0], [1], [0, 0, 1, 1], [], []>, transpose_lhs_hint = false} : vector<2048x256xf32>, vector<256x256xf32>, vector<2048x256xf32> -> vector<2048x256xf32>
    %get3A_36 = arith.constant 0 : index
    %get3A_37 = arith.constant 0 : index
    %get3A_38 = arith.constant 0 : index
    %get3A_39 = vector.load %arg7[%get3A_36, %get3A_37, %get3A_38] : memref<1x256x256xf32, #tpu.memory_space<vmem>>, vector<1x256x256xf32>
    %get3A_40 = vector.shape_cast %get3A_39 : vector<1x256x256xf32> to vector<256x256xf32>
    %dot_general3A_41 = arith.constant dense<0.000000e+00> : vector<2048x256xf32>
    %dot_general3A_42 = tpu.matmul %max3A_29, %get3A_40, %dot_general3A_41 {dimension_numbers = #tpu.dot_dimension_numbers<[1], [0], [0], [1], [0, 0, 1, 1], [], []>, transpose_lhs_hint = false} : vector<2048x256xf32>, vector<256x256xf32>, vector<2048x256xf32> -> vector<2048x256xf32>
    %add3A_43 = arith.addf %dot_general3A_35, %dot_general3A_42 : vector<2048x256xf32>
    %get3A_44 = arith.constant 0 : index
    %get3A_45 = arith.constant 0 : index
    %get3A_46 = vector.load %arg8[%get3A_44, %get3A_45] : memref<1x256xf32, #tpu.memory_space<vmem>>, vector<1x256xf32>
    %add3A_47 = vector.broadcast %get3A_46 : vector<1x256xf32> to vector<2048x256xf32>
    %add3A_48 = arith.addf %add3A_43, %add3A_47 : vector<2048x256xf32>
    %swap3A = arith.constant 0 : index
    %swap3A_49 = arith.constant 0 : index
    %swap3A_50 = arith.constant 0 : index
    %swap3A_51 = vector.load %arg11[%swap3A, %swap3A_49, %swap3A_50] : memref<1x2048x256xf32, #tpu.memory_space<vmem>>, vector<1x2048x256xf32>
    %swap3A_52 = vector.shape_cast %swap3A_51 : vector<1x2048x256xf32> to vector<2048x256xf32>
    %swap3A_53 = vector.shape_cast %add3A_48 : vector<2048x256xf32> to vector<1x2048x256xf32>
    tpu.vector_store %arg11[%swap3A, %swap3A_49, %swap3A_50], %swap3A_53 {strides = array<i32>} : memref<1x2048x256xf32, #tpu.memory_space<vmem>>, vector<1x2048x256xf32>,
    %get3A_54 = arith.constant 0 : index
    %get3A_55 = arith.constant 0 : index
    %get3A_56 = vector.load %arg14[%get3A_54, %get3A_55] : memref<2x256xf32, #tpu.memory_space<vmem>>, vector<1x256xf32>
    %reduce_sum3A = arith.constant dense<0.000000e+00> : vector<256xf32>
    %reduce_sum3A_57 = vector.multi_reduction <add>, %add3A_48, %reduce_sum3A [0] : vector<2048x256xf32> to vector<256xf32>
    %broadcast_in_dim3A = vector.shape_cast %reduce_sum3A_57 : vector<256xf32> to vector<1x256xf32>
    %add3A_58 = arith.addf %get3A_56, %broadcast_in_dim3A : vector<1x256xf32>
    %swap3A_59 = arith.constant 0 : index
    %swap3A_60 = arith.constant 0 : index
    %swap3A_61 = vector.load %arg14[%swap3A_59, %swap3A_60] : memref<2x256xf32, #tpu.memory_space<vmem>>, vector<1x256xf32>
    tpu.vector_store %arg14[%swap3A_59, %swap3A_60], %add3A_58 {strides = array<i32>} : memref<2x256xf32, #tpu.memory_space<vmem>>, vector<1x256xf32>,
    %get3A_62 = arith.constant 1 : index
    %get3A_63 = arith.constant 0 : index
    %get3A_64 = vector.load %arg14[%get3A_62, %get3A_63] : memref<2x256xf32, #tpu.memory_space<vmem>>, vector<1x256xf32>
    %mul3A_65 = arith.mulf %add3A_48, %add3A_48 : vector<2048x256xf32>
    %reduce_sum3A_66 = arith.constant dense<0.000000e+00> : vector<256xf32>
    %reduce_sum3A_67 = vector.multi_reduction <add>, %mul3A_65, %reduce_sum3A_66 [0] : vector<2048x256xf32> to vector<256xf32>
    %broadcast_in_dim3A_68 = vector.shape_cast %reduce_sum3A_67 : vector<256xf32> to vector<1x256xf32>
    %add3A_69 = arith.addf %get3A_64, %broadcast_in_dim3A_68 : vector<1x256xf32>
    %swap3A_70 = arith.constant 1 : index
    %swap3A_71 = arith.constant 0 : index
    %swap3A_72 = vector.load %arg14[%swap3A_70, %swap3A_71] : memref<2x256xf32, #tpu.memory_space<vmem>>, vector<1x256xf32>
    tpu.vector_store %arg14[%swap3A_70, %swap3A_71], %add3A_69 {strides = array<i32>} : memref<2x256xf32, #tpu.memory_space<vmem>>, vector<1x256xf32>,
    %eq3A_73 = arith.constant 0 : i32
    %eq3A_74 = arith.cmpi eq, %arg0, %eq3A_73 : i32
    %eq3A_75 = arith.constant 3 : i32
    %eq3A_76 = arith.cmpi eq, %arg1, %eq3A_75 : i32
    %and3A_77 = arith.andi %eq3A_74, %eq3A_76 : i1
    %convert_element_type3A_78 = arith.extui %and3A_77 : i1 to i32
    %cond3A_79 = arith.constant 0 : i32
    %cond3A_80 = arith.cmpi ne, %convert_element_type3A_78, %cond3A_79 : i32
    scf.if %cond3A_80 {
      %get3A_81 = arith.constant 0 : index
      %get3A_82 = arith.constant 0 : index
      %get3A_83 = vector.load %arg14[%get3A_81, %get3A_82] : memref<2x256xf32, #tpu.memory_space<vmem>>, vector<1x256xf32>
      %mul3A_84 = arith.constant 1.22070313E-4 : f32
      %mul3A_85 = vector.broadcast %mul3A_84 : f32 to vector<1x256xf32>
      %mul3A_86 = arith.mulf %get3A_83, %mul3A_85 : vector<1x256xf32>
      %get3A_87 = arith.constant 1 : index
      %get3A_88 = arith.constant 0 : index
      %get3A_89 = vector.load %arg14[%get3A_87, %get3A_88] : memref<2x256xf32, #tpu.memory_space<vmem>>, vector<1x256xf32>
      %mul3A_90 = arith.constant 1.22070313E-4 : f32
      %mul3A_91 = vector.broadcast %mul3A_90 : f32 to vector<1x256xf32>
      %mul3A_92 = arith.mulf %get3A_89, %mul3A_91 : vector<1x256xf32>
      %mul3A_93 = arith.mulf %mul3A_86, %mul3A_86 : vector<1x256xf32>
      %sub3A = arith.subf %mul3A_92, %mul3A_93 : vector<1x256xf32>
      %get3A_94 = arith.constant 0 : index
      %get3A_95 = arith.constant 0 : index
      %get3A_96 = vector.load %arg9[%get3A_94, %get3A_95] : memref<1x256xf32, #tpu.memory_space<vmem>>, vector<1x256xf32>
      %add3A_97 = arith.constant 9.99999974E-6 : f32
      %add3A_98 = vector.broadcast %add3A_97 : f32 to vector<1x256xf32>
      %add3A_99 = arith.addf %sub3A, %add3A_98 : vector<1x256xf32>
      %sqrt3A = math.sqrt %add3A_99 : vector<1x256xf32>
      %div3A = arith.divf %get3A_96, %sqrt3A : vector<1x256xf32>
      %swap3A_100 = arith.constant 0 : index
      %swap3A_101 = arith.constant 0 : index
      %swap3A_102 = vector.load %arg12[%swap3A_100, %swap3A_101] : memref<1x256xf32, #tpu.memory_space<vmem>>, vector<1x256xf32>
      tpu.vector_store %arg12[%swap3A_100, %swap3A_101], %div3A {strides = array<i32>} : memref<1x256xf32, #tpu.memory_space<vmem>>, vector<1x256xf32>,
      %get3A_103 = arith.constant 0 : index
      %get3A_104 = arith.constant 0 : index
      %get3A_105 = vector.load %arg10[%get3A_103, %get3A_104] : memref<1x256xf32, #tpu.memory_space<vmem>>, vector<1x256xf32>
      %mul3A_106 = arith.mulf %mul3A_86, %div3A : vector<1x256xf32>
      %sub3A_107 = arith.subf %get3A_105, %mul3A_106 : vector<1x256xf32>
      %swap3A_108 = arith.constant 0 : index
      %swap3A_109 = arith.constant 0 : index
      %swap3A_110 = vector.load %arg13[%swap3A_108, %swap3A_109] : memref<1x256xf32, #tpu.memory_space<vmem>>, vector<1x256xf32>
      tpu.vector_store %arg13[%swap3A_108, %swap3A_109], %sub3A_107 {strides = array<i32>} : memref<1x256xf32, #tpu.memory_space<vmem>>, vector<1x256xf32>,
    } else {
    }
    return
  }
  func.func @transform_0(%arg0: i32, %arg1: i32) -> (i32, i32, i32) {
    %mul3A = arith.constant 2 : i32
    %mul3A_0 = arith.muli %mul3A, %arg0 : i32
    %c0_i32 = arith.constant 0 : i32
    %c0_i32_1 = arith.constant 0 : i32
    return %mul3A_0, %arg1, %c0_i32 : i32, i32, i32
  }
  func.func @transform_1(%arg0: i32, %arg1: i32) -> (i32, i32, i32) {
    %mul3A = arith.constant 2 : i32
    %mul3A_0 = arith.muli %mul3A, %arg0 : i32
    %add3A = arith.constant 1 : i32
    %add3A_1 = arith.addi %mul3A_0, %add3A : i32
    %c0_i32 = arith.constant 0 : i32
    %c0_i32_2 = arith.constant 0 : i32
    return %add3A_1, %arg1, %c0_i32 : i32, i32, i32
  }
  func.func @transform_2(%arg0: i32, %arg1: i32) -> (i32, i32) {
    %c0_i32 = arith.constant 0 : i32
    %c0_i32_0 = arith.constant 0 : i32
    %c0_i32_1 = arith.constant 0 : i32
    return %c0_i32, %c0_i32_0 : i32, i32
  }
  func.func @transform_3(%arg0: i32, %arg1: i32) -> (i32, i32) {
    %c0_i32 = arith.constant 0 : i32
    %c0_i32_0 = arith.constant 0 : i32
    %c0_i32_1 = arith.constant 0 : i32
    return %c0_i32, %c0_i32_0 : i32, i32
  }
  func.func @transform_4(%arg0: i32, %arg1: i32) -> (i32, i32, i32) {
    %c0_i32 = arith.constant 0 : i32
    %c0_i32_0 = arith.constant 0 : i32
    %c0_i32_1 = arith.constant 0 : i32
    %c0_i32_2 = arith.constant 0 : i32
    return %c0_i32, %c0_i32_0, %c0_i32_1 : i32, i32, i32
  }
  func.func @transform_5(%arg0: i32, %arg1: i32) -> (i32, i32, i32) {
    %c1_i32 = arith.constant 1 : i32
    %c0_i32 = arith.constant 0 : i32
    %c0_i32_0 = arith.constant 0 : i32
    %c0_i32_1 = arith.constant 0 : i32
    return %c1_i32, %c0_i32, %c0_i32_0 : i32, i32, i32
  }
  func.func @transform_6(%arg0: i32, %arg1: i32) -> (i32, i32) {
    %c0_i32 = arith.constant 0 : i32
    %c0_i32_0 = arith.constant 0 : i32
    %c0_i32_1 = arith.constant 0 : i32
    return %c0_i32, %c0_i32_0 : i32, i32
  }
  func.func @transform_7(%arg0: i32, %arg1: i32) -> (i32, i32) {
    %c0_i32 = arith.constant 0 : i32
    %c0_i32_0 = arith.constant 0 : i32
    %c0_i32_1 = arith.constant 0 : i32
    return %c0_i32, %c0_i32_0 : i32, i32
  }
  func.func @transform_8(%arg0: i32, %arg1: i32) -> (i32, i32) {
    %c0_i32 = arith.constant 0 : i32
    %c0_i32_0 = arith.constant 0 : i32
    %c0_i32_1 = arith.constant 0 : i32
    return %c0_i32, %c0_i32_0 : i32, i32
  }
  func.func @transform_9(%arg0: i32, %arg1: i32) -> (i32, i32, i32) {
    %c0_i32 = arith.constant 0 : i32
    %c0_i32_0 = arith.constant 0 : i32
    return %arg0, %arg1, %c0_i32 : i32, i32, i32
  }
  func.func @transform_10(%arg0: i32, %arg1: i32) -> (i32, i32) {
    %c0_i32 = arith.constant 0 : i32
    %c0_i32_0 = arith.constant 0 : i32
    %c0_i32_1 = arith.constant 0 : i32
    return %c0_i32, %c0_i32_0 : i32, i32
  }
  func.func @transform_11(%arg0: i32, %arg1: i32) -> (i32, i32) {
    %c0_i32 = arith.constant 0 : i32
    %c0_i32_0 = arith.constant 0 : i32
    %c0_i32_1 = arith.constant 0 : i32
    return %c0_i32, %c0_i32_0 : i32, i32
  }
}

module attributes {stable_mosaic.version = 14 : i64} {
  func.func @_table_affine_body(%arg0: i32, %arg1: i32, %arg2: memref<512x256xf32, #tpu.memory_space<vmem>>, %arg3: memref<1x256xf32, #tpu.memory_space<vmem>>, %arg4: memref<1x256xf32, #tpu.memory_space<vmem>>, %arg5: memref<512x8xf32, #tpu.memory_space<vmem>>, %arg6: memref<1x256x256xf32, #tpu.memory_space<vmem>>, %arg7: memref<1x8x256xf32, #tpu.memory_space<vmem>>, %arg8: memref<1x512x128xi32, #tpu.memory_space<vmem>>) attributes {dimension_semantics = [#tpu.dimension_semantics<arbitrary>, #tpu.dimension_semantics<arbitrary>], iteration_bounds = array<i64: 2, 16>, scalar_prefetch = 0 : i64, scratch_operands = 0 : i64, tpu.core_type = #tpu.core_type<tc>, window_params = [{transform_indices = @transform_0, window_bounds = array<i64: 512, 256>}, {pipeline_mode = #tpu.pipeline_mode<synchronous>, transform_indices = @transform_1, window_bounds = array<i64: 1, 256>}, {pipeline_mode = #tpu.pipeline_mode<synchronous>, transform_indices = @transform_2, window_bounds = array<i64: 1, 256>}, {transform_indices = @transform_3, window_bounds = array<i64: 512, 8>}, {transform_indices = @transform_4, window_bounds = array<i64: 1, 256, 256>}, {transform_indices = @transform_5, window_bounds = array<i64: 1, 8, 256>}, {transform_indices = @transform_6, window_bounds = array<i64: 1, 512, 128>}]} {
    %get3A = arith.constant 0 : index
    %get3A_0 = arith.constant 0 : index
    %get3A_1 = vector.load %arg2[%get3A, %get3A_0] : memref<512x256xf32, #tpu.memory_space<vmem>>, vector<512x256xf32>
    %get3A_2 = arith.constant 0 : index
    %get3A_3 = arith.constant 0 : index
    %get3A_4 = vector.load %arg3[%get3A_2, %get3A_3] : memref<1x256xf32, #tpu.memory_space<vmem>>, vector<1x256xf32>
    %mul3A = vector.broadcast %get3A_4 : vector<1x256xf32> to vector<512x256xf32>
    %mul3A_5 = arith.mulf %get3A_1, %mul3A : vector<512x256xf32>
    %get3A_6 = arith.constant 0 : index
    %get3A_7 = arith.constant 0 : index
    %get3A_8 = vector.load %arg4[%get3A_6, %get3A_7] : memref<1x256xf32, #tpu.memory_space<vmem>>, vector<1x256xf32>
    %add3A = vector.broadcast %get3A_8 : vector<1x256xf32> to vector<512x256xf32>
    %add3A_9 = arith.addf %mul3A_5, %add3A : vector<512x256xf32>
    %max3A = arith.constant 0.000000e+00 : f32
    %max3A_10 = vector.broadcast %max3A : f32 to vector<512x256xf32>
    %max3A_11 = arith.maximumf %add3A_9, %max3A_10 : vector<512x256xf32>
    %get3A_12 = arith.constant 0 : index
    %get3A_13 = arith.constant 0 : index
    %get3A_14 = arith.constant 0 : index
    %get3A_15 = vector.load %arg6[%get3A_12, %get3A_13, %get3A_14] : memref<1x256x256xf32, #tpu.memory_space<vmem>>, vector<1x256x256xf32>
    %get3A_16 = vector.shape_cast %get3A_15 : vector<1x256x256xf32> to vector<256x256xf32>
    %dot_general3A = arith.constant dense<0.000000e+00> : vector<512x256xf32>
    %dot_general3A_17 = tpu.matmul %max3A_11, %get3A_16, %dot_general3A {dimension_numbers = #tpu.dot_dimension_numbers<[1], [0], [0], [1], [0, 0, 1, 1], [], []>, transpose_lhs_hint = false} : vector<512x256xf32>, vector<256x256xf32>, vector<512x256xf32> -> vector<512x256xf32>
    %get3A_18 = arith.constant 0 : index
    %get3A_19 = arith.constant 0 : index
    %get3A_20 = vector.load %arg5[%get3A_18, %get3A_19] : memref<512x8xf32, #tpu.memory_space<vmem>>, vector<512x8xf32>
    %get3A_21 = arith.constant 0 : index
    %get3A_22 = arith.constant 0 : index
    %get3A_23 = arith.constant 0 : index
    %get3A_24 = vector.load %arg7[%get3A_21, %get3A_22, %get3A_23] : memref<1x8x256xf32, #tpu.memory_space<vmem>>, vector<1x8x256xf32>
    %get3A_25 = vector.shape_cast %get3A_24 : vector<1x8x256xf32> to vector<8x256xf32>
    %dot_general3A_26 = arith.constant dense<0.000000e+00> : vector<512x256xf32>
    %dot_general3A_27 = tpu.matmul %get3A_20, %get3A_25, %dot_general3A_26 {dimension_numbers = #tpu.dot_dimension_numbers<[1], [0], [0], [1], [0, 0, 1, 1], [], []>, transpose_lhs_hint = false} : vector<512x8xf32>, vector<8x256xf32>, vector<512x256xf32> -> vector<512x256xf32>
    %add3A_28 = arith.addf %dot_general3A_17, %dot_general3A_27 : vector<512x256xf32>
    %convert_element_type3A = arith.truncf %add3A_28 : vector<512x256xf32> to vector<512x256xbf16>
    %slice3A = vector.extract_strided_slice %convert_element_type3A {offsets = [0, 0], sizes = [512, 128], strides = [1, 1]} : vector<512x256xbf16> to vector<512x128xbf16>
    %bitcast_convert_type3A = tpu.bitcast %slice3A : vector<512x128xbf16> -> vector<512x128xi16>
    %convert_element_type3A_29 = arith.extui %bitcast_convert_type3A : vector<512x128xi16> to vector<512x128xi32>
    %slice3A_30 = vector.extract_strided_slice %convert_element_type3A {offsets = [0, 128], sizes = [512, 128], strides = [1, 1]} : vector<512x256xbf16> to vector<512x128xbf16>
    %bitcast_convert_type3A_31 = tpu.bitcast %slice3A_30 : vector<512x128xbf16> -> vector<512x128xi16>
    %convert_element_type3A_32 = arith.extui %bitcast_convert_type3A_31 : vector<512x128xi16> to vector<512x128xi32>
    %shift_left3A = arith.constant 16 : i32
    %shift_left3A_33 = vector.broadcast %shift_left3A : i32 to vector<512x128xi32>
    %shift_left3A_34 = arith.shli %convert_element_type3A_32, %shift_left3A_33 : vector<512x128xi32>
    %or3A = arith.ori %convert_element_type3A_29, %shift_left3A_34 : vector<512x128xi32>
    %swap3A = arith.constant 0 : index
    %swap3A_35 = arith.constant 0 : index
    %swap3A_36 = arith.constant 0 : index
    %swap3A_37 = vector.load %arg8[%swap3A, %swap3A_35, %swap3A_36] : memref<1x512x128xi32, #tpu.memory_space<vmem>>, vector<1x512x128xi32>
    %swap3A_38 = vector.shape_cast %swap3A_37 : vector<1x512x128xi32> to vector<512x128xi32>
    %swap3A_39 = vector.shape_cast %or3A : vector<512x128xi32> to vector<1x512x128xi32>
    tpu.vector_store %arg8[%swap3A, %swap3A_35, %swap3A_36], %swap3A_39 {strides = array<i32>} : memref<1x512x128xi32, #tpu.memory_space<vmem>>, vector<1x512x128xi32>,
    return
  }
  func.func @transform_0(%arg0: i32, %arg1: i32) -> (i32, i32) {
    %c0_i32 = arith.constant 0 : i32
    %c0_i32_0 = arith.constant 0 : i32
    return %arg1, %c0_i32 : i32, i32
  }
  func.func @transform_1(%arg0: i32, %arg1: i32) -> (i32, i32) {
    %c0_i32 = arith.constant 0 : i32
    %c0_i32_0 = arith.constant 0 : i32
    %c0_i32_1 = arith.constant 0 : i32
    return %c0_i32, %c0_i32_0 : i32, i32
  }
  func.func @transform_2(%arg0: i32, %arg1: i32) -> (i32, i32) {
    %c0_i32 = arith.constant 0 : i32
    %c0_i32_0 = arith.constant 0 : i32
    %c0_i32_1 = arith.constant 0 : i32
    return %c0_i32, %c0_i32_0 : i32, i32
  }
  func.func @transform_3(%arg0: i32, %arg1: i32) -> (i32, i32) {
    %c0_i32 = arith.constant 0 : i32
    %c0_i32_0 = arith.constant 0 : i32
    return %arg1, %c0_i32 : i32, i32
  }
  func.func @transform_4(%arg0: i32, %arg1: i32) -> (i32, i32, i32) {
    %c0_i32 = arith.constant 0 : i32
    %c0_i32_0 = arith.constant 0 : i32
    %c0_i32_1 = arith.constant 0 : i32
    return %arg0, %c0_i32, %c0_i32_0 : i32, i32, i32
  }
  func.func @transform_5(%arg0: i32, %arg1: i32) -> (i32, i32, i32) {
    %c0_i32 = arith.constant 0 : i32
    %c0_i32_0 = arith.constant 0 : i32
    %c0_i32_1 = arith.constant 0 : i32
    return %arg0, %c0_i32, %c0_i32_0 : i32, i32, i32
  }
  func.func @transform_6(%arg0: i32, %arg1: i32) -> (i32, i32, i32) {
    %c0_i32 = arith.constant 0 : i32
    %c0_i32_0 = arith.constant 0 : i32
    return %arg0, %arg1, %c0_i32 : i32, i32, i32
  }
}

module attributes {stable_mosaic.version = 14 : i64} {
  func.func @_final_body(%arg0: i32, %arg1: memref<2048x256xf32, #tpu.memory_space<vmem>>, %arg2: memref<1x256xf32, #tpu.memory_space<vmem>>, %arg3: memref<1x256xf32, #tpu.memory_space<vmem>>, %arg4: memref<2048x256xf32, #tpu.memory_space<vmem>>, %arg5: memref<2048x256xf32, #tpu.memory_space<vmem>>) attributes {dimension_semantics = [#tpu.dimension_semantics<arbitrary>], iteration_bounds = array<i64: 4>, scalar_prefetch = 0 : i64, scratch_operands = 0 : i64, tpu.core_type = #tpu.core_type<tc>, window_params = [{transform_indices = @transform_0, window_bounds = array<i64: 2048, 256>}, {pipeline_mode = #tpu.pipeline_mode<synchronous>, transform_indices = @transform_1, window_bounds = array<i64: 1, 256>}, {pipeline_mode = #tpu.pipeline_mode<synchronous>, transform_indices = @transform_2, window_bounds = array<i64: 1, 256>}, {transform_indices = @transform_3, window_bounds = array<i64: 2048, 256>}, {transform_indices = @transform_4, window_bounds = array<i64: 2048, 256>}]} {
    %get3A = arith.constant 0 : index
    %get3A_0 = arith.constant 0 : index
    %get3A_1 = vector.load %arg1[%get3A, %get3A_0] : memref<2048x256xf32, #tpu.memory_space<vmem>>, vector<2048x256xf32>
    %get3A_2 = arith.constant 0 : index
    %get3A_3 = arith.constant 0 : index
    %get3A_4 = vector.load %arg2[%get3A_2, %get3A_3] : memref<1x256xf32, #tpu.memory_space<vmem>>, vector<1x256xf32>
    %mul3A = vector.broadcast %get3A_4 : vector<1x256xf32> to vector<2048x256xf32>
    %mul3A_5 = arith.mulf %get3A_1, %mul3A : vector<2048x256xf32>
    %get3A_6 = arith.constant 0 : index
    %get3A_7 = arith.constant 0 : index
    %get3A_8 = vector.load %arg3[%get3A_6, %get3A_7] : memref<1x256xf32, #tpu.memory_space<vmem>>, vector<1x256xf32>
    %add3A = vector.broadcast %get3A_8 : vector<1x256xf32> to vector<2048x256xf32>
    %add3A_9 = arith.addf %mul3A_5, %add3A : vector<2048x256xf32>
    %get3A_10 = arith.constant 0 : index
    %get3A_11 = arith.constant 0 : index
    %get3A_12 = vector.load %arg4[%get3A_10, %get3A_11] : memref<2048x256xf32, #tpu.memory_space<vmem>>, vector<2048x256xf32>
    %add3A_13 = arith.addf %add3A_9, %get3A_12 : vector<2048x256xf32>
    %max3A = arith.constant 0.000000e+00 : f32
    %max3A_14 = vector.broadcast %max3A : f32 to vector<2048x256xf32>
    %max3A_15 = arith.maximumf %add3A_13, %max3A_14 : vector<2048x256xf32>
    %swap3A = arith.constant 0 : index
    %swap3A_16 = arith.constant 0 : index
    %swap3A_17 = vector.load %arg5[%swap3A, %swap3A_16] : memref<2048x256xf32, #tpu.memory_space<vmem>>, vector<2048x256xf32>
    tpu.vector_store %arg5[%swap3A, %swap3A_16], %max3A_15 {strides = array<i32>} : memref<2048x256xf32, #tpu.memory_space<vmem>>, vector<2048x256xf32>,
    return
  }
  func.func @transform_0(%arg0: i32) -> (i32, i32) {
    %c0_i32 = arith.constant 0 : i32
    %c0_i32_0 = arith.constant 0 : i32
    return %arg0, %c0_i32 : i32, i32
  }
  func.func @transform_1(%arg0: i32) -> (i32, i32) {
    %c0_i32 = arith.constant 0 : i32
    %c0_i32_0 = arith.constant 0 : i32
    %c0_i32_1 = arith.constant 0 : i32
    return %c0_i32, %c0_i32_0 : i32, i32
  }
  func.func @transform_2(%arg0: i32) -> (i32, i32) {
    %c0_i32 = arith.constant 0 : i32
    %c0_i32_0 = arith.constant 0 : i32
    %c0_i32_1 = arith.constant 0 : i32
    return %c0_i32, %c0_i32_0 : i32, i32
  }
  func.func @transform_3(%arg0: i32) -> (i32, i32) {
    %c0_i32 = arith.constant 0 : i32
    %c0_i32_0 = arith.constant 0 : i32
    return %arg0, %c0_i32 : i32, i32
  }
  func.func @transform_4(%arg0: i32) -> (i32, i32) {
    %c0_i32 = arith.constant 0 : i32
    %c0_i32_0 = arith.constant 0 : i32
    return %arg0, %c0_i32 : i32, i32
  }
}

</mosaic_0001>

<sc_bundles>
// kernel: kernel.14.cloned.1.call-start
scs
__scs_entry_jumppad:
0x0: {  	(pc) =	sbr.rel $0x88, $3  }
0x1: {  	(tag) =	ssettag $0x0;
	lr =	simm.s32 $0x1  }
0x2: {  	[smem:$0x3F87] =	sst lr;
	_ =	strace $0xD0000000  }
0x3: {  	_ = 	snop  }
0x4: {  	_ = 	snop  }
0x5: {  	_ = 	snop  }
0x6: {  	_ = 	snop  }
0x7: {  	_ = 	snop  }
__scs_overlays_trampoline_lowered:
0x8: {  	[smem:$0x3F96] =	sst s0  }
0x9: {  	[smem:$0x3F97] =	sst s1  }
0xa: {  	[smem:$0x3F98] =	sst s2  }
0xb: {  	[smem:$0x3F99] =	sst s3  }
0xc: {  	[smem:$0x3F9A] =	sst s4  }
0xd: {  	[smem:$0x3F9B] =	sst s5  }
0xe: {  	[smem:$0x3F9C] =	sst s6  }
0xf: {  	[smem:$0x3F9D] =	sst s7  }
0x10: {  	[smem:$0x3F9E] =	sst s8  }
0x11: {  	[smem:$0x3F9F] =	sst s9;
	s0 =	simm.s32 @!p0 $0x0  }
0x12: {  	s1 =	sld [smem:$0x3F85];
	s0 =	simm.s32 @p0 $0x1  }
0x13: {  	[smem:$0x3FA0] =	sst s0;
	s0 =	simm.s32 @!p1 $0x0  }
0x14: {  	s2 =	sld [smem:$0x3F84];
	s0 =	simm.s32 @p1 $0x1  }
0x15: {  	[smem:$0x3FA1] =	sst s0;
	s0 =	simm.s32 @!p2 $0x0  }
0x16: {  	s3 =	sld [smem:$0x3FDB];
	s0 =	simm.s32 @p2 $0x1  }
0x17: {  	s4 =	simm.s32 $0x1BF5;
	[smem:$0x3FA3] =	sst s0  }
0x18: {  	s0 =	sld [smem:$0x3F86];
	_ =	swait.ge [sflag:s4], $0x0  }
0x19: {  	s7 =	sld [smem:$0x3F87]  }
0x1a: {  	s8 =	sadd.s32 $0xFFFFE003, lr  }
0x1b: {  	s9 =	sadd.s32 $0xFFFFFEF7, lr;
	s5 =	simm.s32 $0xFFFFFFFF;
	p2 =	slt.u32 s8, $0xFFFFF086  }
0x1c: {  	p1 =	slt.u32 s9, $0xF7A;
	s5 =	simm.s32 @!p2 $0x0  }
0x1d: {  	s5 =	simm.s32 @p1 $0x1;
	p0 =	seq.s32 s7, s2  }
0x1e: {  	s7 =	smul.u32 @!p0 $0xF7A, s2;
	p2 =	seq.s32 @!p0 s5, $0x0  }
0x1f: {  	s9 =	smul.u32 $0xF7A, s1;
	s8 =	simm.s32 @!p0 $0x1BF5;
	p2 =	por !p2, p0  }
0x20: {  	[sflag:s8] =	ssyncset.s32 @!p0 $0xFFFFF086;
	s6 =	sadd.s32 @!p0 s3, s7;
	s7 =	simm.s32 @!p0 $0x108  }
0x21: {  	s3 =	sadd.s32 s3, s9;
	s6 =	sadd.s32 @!p0 $0x88, s6;
	s7 =	simm.s32 @p2 $0x1082  }
0x22: {  	[simem:s7], [sflag:s8] =	dma.local @!p0 [hbm:s6], $0xF7A  }
0x23: {  	s9 =	sor.u32 $0xD0000000, s2;
	s6 =	simm.s32 $0x108;
	_ =	swait.ge @!p0 [sflag:s8], $0x0  }
0x24: {  	s3 =	sadd.s32 $0x88, s3;
	s6 =	simm.s32 @!p1 $0x1082;
	[sflag:s4] =	ssyncset.s32 $0xFFFFF086  }
0x25: {  	[simem:s6], [sflag:s4] =	dma.local [hbm:s3], $0xF7A  }
0x26: {  	[smem:$0x3F87] =	sst s1;
	(tag) =	ssettag s2;
	_ =	strace s9  }
0x27: {  	s1 =	sld [smem:$0x3F97]  }
0x28: {  	s2 =	sld [smem:$0x3F98]  }
0x29: {  	s4 =	sld [smem:$0x3F9A]  }
0x2a: {  	p0 =	seq.s32 s5, $0x0;
	s5 =	sld [smem:$0x3F9B]  }
0x2b: {  	s6 =	sld [smem:$0x3F9C]  }
0x2c: {  	s7 =	sld [smem:$0x3F9D]  }
0x2d: {  	s3 =	simm.s32 $0x108;
	s8 =	sld [smem:$0x3F9E]  }
0x2e: {  	s3 =	simm.s32 @!p0 $0x1082;
	s9 =	sld [smem:$0x3F9F]  }
0x2f: {  	lr =	sadd.s32 s0, s3;
	s0 =	sld [smem:$0x3F96]  }
0x30: {  	s3 =	sld [smem:$0x3F99]  }
0x31: {  	[smem:$0x3FA2] =	sst s10  }
0x32: {  	s10 =	sld [smem:$0x3FA0];
	_ =	sdelay $0x3  }
0x33: {  	p0 =	seq.s32 s10, $0x1;
	s10 =	sld [smem:$0x3FA2];
	_ =	sdelay $0x3  }
0x34: {  	[smem:$0x3FA2] =	sst s10  }
0x35: {  	s10 =	sld [smem:$0x3FA1];
	_ =	sdelay $0x3  }
0x36: {  	p1 =	seq.s32 s10, $0x1;
	s10 =	sld [smem:$0x3FA2];
	_ =	sdelay $0x3  }
0x37: {  	[smem:$0x3FA2] =	sst s10  }
0x38: {  	s10 =	sld [smem:$0x3FA3]  }
0x39: {  	_ = 	snop;
	(pc) =	sbr.ind lr, $3  }
0x3a: {  	_ = 	snop  }
0x3b: {  	_ = 	snop  }
0x3c: {  	p2 =	seq.s32 s10, $0x1;
	s10 =	sld [smem:$0x3FA2]  }
0x3d: {  	_ =	shalt  }
0x3e: {  	_ =	shalt  }
0x3f: {  	_ =	shalt  }
0x40: {  	_ =	shalt  }
0x41: {  	_ =	shalt  }
0x42: {  	_ =	shalt  }
0x43: {  	_ =	shalt  }
0x44: {  	_ =	shalt  }
0x45: {  	_ =	shalt  }
0x46: {  	_ =	shalt  }
0x47: {  	_ =	shalt  }
0x48: {  	_ =	shalt  }
0x49: {  	_ =	shalt  }
0x4a: {  	_ =	shalt  }
0x4b: {  	_ =	shalt  }
0x4c: {  	_ =	shalt  }
0x4d: {  	_ =	shalt  }
0x4e: {  	_ =	shalt  }
0x4f: {  	_ =	shalt  }
0x50: {  	_ =	shalt  }
0x51: {  	_ =	shalt  }
0x52: {  	_ =	shalt  }
0x53: {  	_ =	shalt  }
0x54: {  	_ =	shalt  }
0x55: {  	_ =	shalt  }
0x56: {  	_ =	shalt  }
0x57: {  	_ =	shalt  }
0x58: {  	_ =	shalt  }
0x59: {  	_ =	shalt  }
0x5a: {  	_ =	shalt  }
0x5b: {  	_ =	shalt  }
0x5c: {  	_ =	shalt  }
0x5d: {  	_ =	shalt  }
0x5e: {  	_ =	shalt  }
0x5f: {  	_ =	shalt  }
0x60: {  	_ =	shalt  }
0x61: {  	_ =	shalt  }
0x62: {  	_ =	shalt  }
0x63: {  	_ =	shalt  }
0x64: {  	_ =	shalt  }
0x65: {  	_ =	shalt  }
0x66: {  	_ =	shalt  }
0x67: {  	_ =	shalt  }
0x68: {  	_ =	shalt  }
0x69: {  	_ =	shalt  }
0x6a: {  	_ =	shalt  }
0x6b: {  	_ =	shalt  }
0x6c: {  	_ =	shalt  }
0x6d: {  	_ =	shalt  }
0x6e: {  	_ =	shalt  }
0x6f: {  	_ =	shalt  }
0x70: {  	_ =	shalt  }
0x71: {  	_ =	shalt  }
0x72: {  	_ =	shalt  }
0x73: {  	_ =	shalt  }
0x74: {  	_ =	shalt  }
0x75: {  	_ =	shalt  }
0x76: {  	_ =	shalt  }
0x77: {  	_ =	shalt  }
0x78: {  	_ =	shalt  }
0x79: {  	_ =	shalt  }
0x7a: {  	_ =	shalt  }
0x7b: {  	_ =	shalt  }
0x7c: {  	_ =	shalt  }
0x7d: {  	_ =	shalt  }
0x7e: {  	_ =	shalt  }
0x7f: {  	_ =	shalt  }
0x80: {  	_ =	shalt  }
0x81: {  	_ =	shalt  }
0x82: {  	_ =	shalt  }
0x83: {  	_ =	shalt  }
0x84: {  	_ =	shalt  }
0x85: {  	_ =	shalt  }
0x86: {  	_ =	shalt  }
0x87: {  	_ =	shalt  }
.Lfunc_end0:
.L_simem_size_0:
called_computation_lowered:
.L_overlay_start_0:
0x88: {  	s2 =	sld [smem:$0x3FD9]  }
0x89: {  	s3 =	sld [smem:$0x3FFE];
	_ =	sdelay $0x1  }
0x8a: {  	s1 =	srdreg.scid  }
0x8b: {  	s0 =	sand.u32 $0x1, s1  }
0x8c: {  	s14 =	sshll.u32 s0, $0xA;
	s2 =	sadd.s32 s3, s2  }
0x8d: {  	s2 =	sadd.s32 s2, s14  }
0x8e: {  	[smem:$0x3FAE] =	sst s2  }
0x8f: {  	_ = 	snop  }
0x90: {  	s2 =	sld [smem:$0x3FD0];
	_ =	sdelay $0x2  }
0x91: {  	s15 =	simm.s32 $0xA;
	s4 =	simm.s32 $0x10  }
0x92: {  	[smem:s4], [sflag:s15] =	dma.local [hbm:s2], $0x1  }
0x93: {  	_ =	swait.eq [sflag:s15], $0x1  }
0x94: {  	[sflag:s15] =	ssyncset.done $0x0  }
0x95: {  	[sflag:s15] =	ssyncadd.s32 $0xFFFFFFFF  }
0x96: {  	s16 =	sld [smem:$0x11];
	(tm) =	ssettm $0x1  }
0x97: {  	s17 =	sld [smem:$0x3FFB];
	_ =	sdelay $0x3  }
0x98: {  	_ =	strace s17  }
0x99: {  	s3 =	sld [smem:$0x3FFC];
	_ =	sdelay $0x3  }
0x9a: {  	_ =	strace s3  }
0x9b: {  	s3 =	sld [smem:$0x3FFD];
	_ =	sdelay $0x3  }
0x9c: {  	_ =	strace s3  }
0x9d: {  	_ =	strace $0x8FFFFFFF  }
0x9e: {  	s18 =	sld [smem:$0x3FDB];
	_ =	sdelay $0x1  }
0x9f: {  	s19 =	simm.s32 $_scs_section_size  }
0xa0: {  	s5 =	simm.s32 $_size__tile_overlayer_lowered;
	s6 =	simm.s32 $_tile_overlayer_lowered  }
0xa1: {  	s22 =	simm.s32 $0x1BFF;
	s21 =	sshll.u32 s6, $0x1;
	s3 =	sadd.s32 s19, s18  }
0xa2: {  	s7 =	simm.s32 $0x0;
	s20 =	sshll.u32 s5, $0x1;
	s5 =	sadd.s32 s21, s3  }
0xa3: {  	[timem:s7], [sflag:s22] =	dma.local [hbm:s5], s20  }
0xa4: {  	_ =	swait.ge [sflag:s22], s20  }
0xa5: {  	s4 =	ssub.s32 $0x0, s20;
	[sflag:s22] =	ssyncset.done $0x0  }
0xa6: {  	[sflag:s22] =	ssyncadd.s32 s4;
	_ =	sdelay $0x1  }
0xa7: {  	s23 =	simm.s32 $0x1B8B  }
0xa8: {  	_ =	swait.ge [sflag:s23], $0x1  }
0xa9: {  	[sflag:s23] =	ssyncset.done $0x0  }
0xaa: {  	s25 =	simm.s32 $0x1B8E;
	s24 =	sld [smem:$0x3FFE];
	[sflag:s23] =	ssyncadd.s32 $0xFFFFFFFF  }
0xab: {  	s26 =	simm.s32 $execute0_lowered;
	[smem:$0x3FD2] =	sst s25  }
0xac: {  	s5 =	sshll.u32 s26, $0x1;
	_ =	strace $0x80000046;
	[dreg:$0x1] =	wrdreg $0xFFFFFFFF  }
0xad: {  	s28 =	simm.s32 $_size_execute0_lowered;
	s3 =	sadd.s32 s3, s5;
	[dreg:$0x0] =	wrdreg $0x0  }
0xae: {  	s5 =	sshll.u32 s28, $0x1;
	[dreg:$0x2] =	wrdreg s3  }
0xaf: {  	[dreg:$0x3] =	wrdreg s5  }
0xb0: {  	[dreg:$0x4] =	wrdreg $0xC0  }
0xb1: {  	_ =	task [dreg:s7], $0x5FFFF  }
0xb2: {  	[dreg:$0x1] =	wrdreg $0xFFFFFFFF  }
0xb3: {  	[dreg:$0x0] =	wrdreg $0x60  }
0xb4: {  	[dreg:$0x2] =	wrdreg s16  }
0xb5: {  	[dreg:$0x3] =	wrdreg s24  }
0xb6: {  	[dreg:$0x4] =	wrdreg $0x9  }
0xb7: {  	_ =	task.clear_ibuf [dreg:s7], $0x5FFFF;
	_ =	strace $0x90000046  }
0xb8: {  	s29 =	simm.s32 $0x9;
	_ =	strace $0x80000048  }
0xb9: {  	_ =	swait.ge [sflag:s29], $0x1  }
0xba: {  	[sflag:s29] =	ssyncadd.s32 $0xFFFFFFFF  }
0xbb: {  	_ =	strace $0x90000048  }
0xbc: {  	_ =	sfence  }
0xbd: {  	s30 =	sld [smem:$0x0];
	_ =	sdelay $0x2  }
0xbe: {  	s31 =	sshll.u32 s1, $0xD;
	s1 =	sshrl.u32 s1, $0x2  }
0xbf: {  	s3 =	sand.u32 $0x4000, s31;
	s1 =	sadd.s32 s1, s30  }
0xc0: {  	s0 =	sor.u32 s3, s0;
	s1 =	sshll.u32 s1, $0x11  }
0xc1: {  	s0 =	sor.u32 s1, s0  }
0xc2: {  	s0 =	sadd.s32 $0x8F2B, s0  }
0xc3: {  	[sflag:s0] =	ssyncadd.remote.s32 $0x1  }
0xc4: {  	_ =	sfence.sel $0xFFFF  }
0xc5: {  	[dreg:$0x0] =	wrdreg $0xFFFFFFFF;
	(pc) =	sbr.abs _section_cstart, $3  }
0xc6: {  	[dreg:$0x1] =	wrdreg $0xFFFFFFFF  }
0xc7: {  	_ =	task.clear_ibuf [dreg:s7], $0x2FFFF;
	_ =	strace $0x9FFFFFFF  }
0xc8: {  	(tm) =	ssettm $0x7FFFFFFF  }
0xc9: {  	_ =	shalt  }
tec
execute0_lowered:
.L_overlay_start_1:
0x0: {  	(tag) =	ssettag $0x1  }
0x1: {  	s0 =	srdreg.scid  }
0x2: {  	s1 =	stileid.u32;
	s0 =	sand.u32 $0x1, s0  }
0x3: {  	s3 =	rddreg [dreg:$0x0];
	s1 =	sshll.u32 s1, $0xC;
	s2 =	sshll.u32 s0, $0xB  }
0x4: {  	s4 =	rddreg [dreg:$0x1];
	s1 =	sor.u32 s2, s1;
	s2 =	simm.s32 $0x0  }
0x5: {  	s26 =	simm.s32 $0x100;
	s5 =	sshrl.u32 s1, $0x3;
	[smem:$0x7FF] =	sst s2  }
0x6: {  	s1 =	sshll.u32 s1, $0x4;
	s5 =	sadd.s32 s5, s4;
	_ =	strace $0x80000047  }
0x7: {  	s1 =	sadd.s32 s1, s4;
	[dreg:$0x14] =	wrdreg s26;
	s9 =	sadd.s32 $0x7000, s5  }
0x8: {  	s30 =	simm.s32 $0x9;
	s10 =	sadd.s32 $0x9000, s1;
	[dreg:$0x3] =	wrdreg s9  }
0x9: {  	s31 =	simm.s32 $0x180;
	s11 =	sadd.s32 $0x9800, s1;
	[dreg:$0x4] =	wrdreg s10  }
0xa: {  	s8 =	simm.s32 $0xC800;
	s12 =	sadd.s32 $0xA000, s1;
	[dreg:$0x5] =	wrdreg s11  }
0xb: {  	s29 =	simm.s32 $0x200;
	s13 =	sadd.s32 $0xA800, s1;
	[dreg:$0x6] =	wrdreg s12  }
0xc: {  	s28 =	simm.s32 $0x280;
	s14 =	sadd.s32 $0xB000, s1;
	[dreg:$0x7] =	wrdreg s13  }
0xd: {  	s6 =	simm.s32 $0x7;
	s15 =	sadd.s32 $0xB800, s1;
	[dreg:$0x8] =	wrdreg s14  }
0xe: {  	s7 =	simm.s32 $0x8;
	s16 =	sadd.s32 $0xC000, s1;
	[dreg:$0x9] =	wrdreg s15  }
0xf: {  	p0 =	por $0x0, $0x0;
	s17 =	sadd.s32 $0xC800, s1;
	[dreg:$0xa] =	wrdreg s16  }
0x10: {  	s0 =	ssub.s32 $0x2, s0;
	s18 =	sadd.s32 $0xD000, s1;
	[dreg:$0xb] =	wrdreg s17  }
0x11: {  	s24 =	sshrl.u32 s0, $0x1;
	s19 =	sadd.s32 $0xD800, s1;
	[dreg:$0xc] =	wrdreg s18  }
0x12: {  	s0 =	ssub.s32 s0, s24;
	s20 =	sadd.s32 $0xE000, s1;
	[dreg:$0xd] =	wrdreg s19  }
0x13: {  	s24 =	simm.s32 $0x400;
	s21 =	sadd.s32 $0xE800, s1;
	[dreg:$0xe] =	wrdreg s20  }
0x14: {  	s0 =	smax.u32 s0, $0x1;
	s22 =	sadd.s32 $0xF000, s1;
	[dreg:$0xf] =	wrdreg s21  }
0x15: {  	s4 =	simm.s32 $0x5;
	s23 =	sadd.s32 $0xF800, s1;
	[dreg:$0x10] =	wrdreg s22  }
0x16: {  	s26 =	simm.s32 $0x300;
	s25 =	sadd.s32 $0x10000, s1;
	[dreg:$0x11] =	wrdreg s23  }
0x17: {  	s1 =	sadd.s32 $0x10800, s1;
	s5 =	simm.s32 $0x6;
	[dreg:$0x12] =	wrdreg s25  }
0x18: {  	p1 =	sne.s32 s0, $0x1;
	[dreg:$0x13] =	wrdreg s1;
	s13 =	simm.s32 $0x80  }
0x19: {  	s11 =	simm.s32 $0x800;
	s10 =	simm.s32 $0x4800;
	s9 =	simm.s32 $0x8800  }
.Ltmp0:
0x1a: {  	s16 =	simm.s32 $0x1;
	s15 =	simm.s32 $0x2;
	(pc) =	sbr.rel @!p1 .LBB2_3-.Ltmp0, $4  }
0x1b: {  	s14 =	simm.s32 $0x3;
	s12 =	simm.s32 $0x4;
	s25 =	simm.s32 $0x380  }
0x1c: {  	s23 =	simm.s32 $0x480;
	s1 =	sadd.s32 $0xFFFFFFFF, s0;
	s22 =	simm.s32 $0x500  }
0x1d: {  	s21 =	simm.s32 $0x580;
	s20 =	simm.s32 $0x600;
	s19 =	simm.s32 $0x680  }
0x1e: {  	s18 =	simm.s32 $0x700;
	s17 =	simm.s32 $0x780;
	s0 =	rddreg [dreg:$0x3]  }
0x1f: {  	[tilespmem:s2], [sflag:$0x9] =	stream.linear.gather [hbm4b:s0+s2], $0x800, $0x38;
	[tilespmem:$0x10800] =	vst v63  }
0x20: {  	_ =	swait.ge [sflag:s30], $0x800  }
0x21: {  	[sflag:s30] =	ssyncset.done $0x0  }
0x22: {  	[sflag:s30] =	ssyncadd.s32 $0xFFFFF800  }
0x23: {  	[tilespmem:s11], [sflag:$0x1] =	stream.indirect.gather [hbm4b:s3+s13], $0x80, s2, s13, $0xb8;
	[tilespmem:$0x10800] =	vst v63  }
0x24: {  	_ = 	snop  }
0x25: {  	[tilespmem:s10], [sflag:$0x2] =	stream.indirect.gather [hbm4b:s3+s13], $0x80, s13, s13, $0xb8;
	[tilespmem:$0x10800] =	vst v63  }
0x26: {  	s0 =	rddreg [dreg:$0x14]  }
0x27: {  	[tilespmem:s9], [sflag:$0x3] =	stream.indirect.gather [hbm4b:s3+s13], $0x80, s0, s13, $0xb8;
	[tilespmem:$0x10800] =	vst v63  }
0x28: {  	_ = 	snop  }
0x29: {  	[tilespmem:s8], [sflag:$0x4] =	stream.indirect.gather [hbm4b:s3+s13], $0x80, s31, s13, $0xb8;
	[tilespmem:$0x10800] =	vst v63  }
0x2a: {  	_ =	swait.ge [sflag:s16], $0x4000  }
0x2b: {  	[sflag:s16] =	ssyncset.done $0x0  }
0x2c: {  	s0 =	rddreg [dreg:$0x4];
	[sflag:s16] =	ssyncadd.s32 $0xFFFFC000  }
0x2d: {  	[hbm4b:s0+s2] =	stream.linear.scatter [tilespmem:s11], [sflag:$0x5], $0x4000, $0x38;
	[tilespmem:$0x10800] =	vst v63  }
0x2e: {  	_ =	swait.ge [sflag:s4], $0x4000  }
0x2f: {  	[sflag:s4] =	ssyncset.done $0x0  }
0x30: {  	[sflag:s4] =	ssyncadd.s32 $0xFFFFC000  }
0x31: {  	[tilespmem:s11], [sflag:$0x1] =	stream.indirect.gather [hbm4b:s3+s13], $0x80, s29, s13, $0xb8;
	[tilespmem:$0x10800] =	vst v63  }
0x32: {  	_ =	swait.ge [sflag:s15], $0x4000  }
0x33: {  	[sflag:s15] =	ssyncset.done $0x0  }
0x34: {  	s0 =	rddreg [dreg:$0x5];
	[sflag:s15] =	ssyncadd.s32 $0xFFFFC000  }
0x35: {  	[hbm4b:s0+s2] =	stream.linear.scatter [tilespmem:s10], [sflag:$0x6], $0x4000, $0x38;
	[tilespmem:$0x10800] =	vst v63  }
0x36: {  	_ =	swait.ge [sflag:s5], $0x4000  }
0x37: {  	[sflag:s5] =	ssyncset.done $0x0  }
0x38: {  	[sflag:s5] =	ssyncadd.s32 $0xFFFFC000  }
0x39: {  	[tilespmem:s10], [sflag:$0x2] =	stream.indirect.gather [hbm4b:s3+s13], $0x80, s28, s13, $0xb8;
	[tilespmem:$0x10800] =	vst v63  }
0x3a: {  	_ =	swait.ge [sflag:s14], $0x4000  }
0x3b: {  	[sflag:s14] =	ssyncset.done $0x0  }
0x3c: {  	s0 =	rddreg [dreg:$0x6];
	[sflag:s14] =	ssyncadd.s32 $0xFFFFC000  }
0x3d: {  	[hbm4b:s0+s2] =	stream.linear.scatter [tilespmem:s9], [sflag:$0x7], $0x4000, $0x38;
	[tilespmem:$0x10800] =	vst v63  }
0x3e: {  	_ =	swait.ge [sflag:s6], $0x4000  }
0x3f: {  	[sflag:s6] =	ssyncset.done $0x0  }
0x40: {  	[sflag:s6] =	ssyncadd.s32 $0xFFFFC000  }
0x41: {  	[tilespmem:s9], [sflag:$0x3] =	stream.indirect.gather [hbm4b:s3+s13], $0x80, s26, s13, $0xb8;
	[tilespmem:$0x10800] =	vst v63  }
0x42: {  	_ =	swait.ge [sflag:s12], $0x4000  }
0x43: {  	[sflag:s12] =	ssyncset.done $0x0  }
0x44: {  	s0 =	rddreg [dreg:$0x7];
	[sflag:s12] =	ssyncadd.s32 $0xFFFFC000  }
0x45: {  	[hbm4b:s0+s2] =	stream.linear.scatter [tilespmem:s8], [sflag:$0x8], $0x4000, $0x38;
	[tilespmem:$0x10800] =	vst v63  }
0x46: {  	_ =	swait.ge [sflag:s7], $0x4000  }
0x47: {  	[sflag:s7] =	ssyncset.done $0x0  }
0x48: {  	[sflag:s7] =	ssyncadd.s32 $0xFFFFC000  }
0x49: {  	[tilespmem:s8], [sflag:$0x4] =	stream.indirect.gather [hbm4b:s3+s13], $0x80, s25, s13, $0xb8;
	[tilespmem:$0x10800] =	vst v63  }
0x4a: {  	_ =	swait.ge [sflag:s16], $0x4000  }
0x4b: {  	[sflag:s16] =	ssyncset.done $0x0  }
0x4c: {  	s0 =	rddreg [dreg:$0x8];
	[sflag:s16] =	ssyncadd.s32 $0xFFFFC000  }
0x4d: {  	[hbm4b:s0+s2] =	stream.linear.scatter [tilespmem:s11], [sflag:$0x5], $0x4000, $0x38;
	[tilespmem:$0x10800] =	vst v63  }
0x4e: {  	_ =	swait.ge [sflag:s4], $0x4000  }
0x4f: {  	[sflag:s4] =	ssyncset.done $0x0  }
0x50: {  	[sflag:s4] =	ssyncadd.s32 $0xFFFFC000  }
0x51: {  	[tilespmem:s11], [sflag:$0x1] =	stream.indirect.gather [hbm4b:s3+s13], $0x80, s24, s13, $0xb8;
	[tilespmem:$0x10800] =	vst v63  }
0x52: {  	_ =	swait.ge [sflag:s15], $0x4000  }
0x53: {  	[sflag:s15] =	ssyncset.done $0x0  }
0x54: {  	s0 =	rddreg [dreg:$0x9];
	[sflag:s15] =	ssyncadd.s32 $0xFFFFC000  }
0x55: {  	[hbm4b:s0+s2] =	stream.linear.scatter [tilespmem:s10], [sflag:$0x6], $0x4000, $0x38;
	[tilespmem:$0x10800] =	vst v63  }
0x56: {  	_ =	swait.ge [sflag:s5], $0x4000  }
0x57: {  	[sflag:s5] =	ssyncset.done $0x0  }
0x58: {  	[sflag:s5] =	ssyncadd.s32 $0xFFFFC000  }
0x59: {  	[tilespmem:s10], [sflag:$0x2] =	stream.indirect.gather [hbm4b:s3+s13], $0x80, s23, s13, $0xb8;
	[tilespmem:$0x10800] =	vst v63  }
0x5a: {  	_ =	swait.ge [sflag:s14], $0x4000  }
0x5b: {  	[sflag:s14] =	ssyncset.done $0x0  }
0x5c: {  	s0 =	rddreg [dreg:$0xa];
	[sflag:s14] =	ssyncadd.s32 $0xFFFFC000  }
0x5d: {  	[hbm4b:s0+s2] =	stream.linear.scatter [tilespmem:s9], [sflag:$0x7], $0x4000, $0x38;
	[tilespmem:$0x10800] =	vst v63  }
0x5e: {  	_ =	swait.ge [sflag:s6], $0x4000  }
0x5f: {  	[sflag:s6] =	ssyncset.done $0x0  }
0x60: {  	[sflag:s6] =	ssyncadd.s32 $0xFFFFC000  }
0x61: {  	[tilespmem:s9], [sflag:$0x3] =	stream.indirect.gather [hbm4b:s3+s13], $0x80, s22, s13, $0xb8;
	[tilespmem:$0x10800] =	vst v63  }
0x62: {  	_ =	swait.ge [sflag:s12], $0x4000  }
0x63: {  	[sflag:s12] =	ssyncset.done $0x0  }
0x64: {  	s0 =	rddreg [dreg:$0xb];
	[sflag:s12] =	ssyncadd.s32 $0xFFFFC000  }
0x65: {  	[hbm4b:s0+s2] =	stream.linear.scatter [tilespmem:s8], [sflag:$0x8], $0x4000, $0x38;
	[tilespmem:$0x10800] =	vst v63  }
0x66: {  	_ =	swait.ge [sflag:s7], $0x4000  }
0x67: {  	[sflag:s7] =	ssyncset.done $0x0  }
0x68: {  	[sflag:s7] =	ssyncadd.s32 $0xFFFFC000  }
0x69: {  	[tilespmem:s8], [sflag:$0x4] =	stream.indirect.gather [hbm4b:s3+s13], $0x80, s21, s13, $0xb8;
	[tilespmem:$0x10800] =	vst v63  }
0x6a: {  	_ =	swait.ge [sflag:s16], $0x4000  }
0x6b: {  	[sflag:s16] =	ssyncset.done $0x0  }
0x6c: {  	s0 =	rddreg [dreg:$0xc];
	[sflag:s16] =	ssyncadd.s32 $0xFFFFC000  }
0x6d: {  	[hbm4b:s0+s2] =	stream.linear.scatter [tilespmem:s11], [sflag:$0x5], $0x4000, $0x38;
	[tilespmem:$0x10800] =	vst v63  }
0x6e: {  	_ =	swait.ge [sflag:s4], $0x4000  }
0x6f: {  	[sflag:s4] =	ssyncset.done $0x0  }
0x70: {  	[sflag:s4] =	ssyncadd.s32 $0xFFFFC000  }
0x71: {  	[tilespmem:s11], [sflag:$0x1] =	stream.indirect.gather [hbm4b:s3+s13], $0x80, s20, s13, $0xb8;
	[tilespmem:$0x10800] =	vst v63  }
0x72: {  	_ =	swait.ge [sflag:s15], $0x4000  }
0x73: {  	[sflag:s15] =	ssyncset.done $0x0  }
0x74: {  	s0 =	rddreg [dreg:$0xd];
	[sflag:s15] =	ssyncadd.s32 $0xFFFFC000  }
0x75: {  	[hbm4b:s0+s2] =	stream.linear.scatter [tilespmem:s10], [sflag:$0x6], $0x4000, $0x38;
	[tilespmem:$0x10800] =	vst v63  }
0x76: {  	_ =	swait.ge [sflag:s5], $0x4000  }
0x77: {  	[sflag:s5] =	ssyncset.done $0x0  }
0x78: {  	[sflag:s5] =	ssyncadd.s32 $0xFFFFC000  }
0x79: {  	[tilespmem:s10], [sflag:$0x2] =	stream.indirect.gather [hbm4b:s3+s13], $0x80, s19, s13, $0xb8;
	[tilespmem:$0x10800] =	vst v63  }
0x7a: {  	_ =	swait.ge [sflag:s14], $0x4000  }
0x7b: {  	[sflag:s14] =	ssyncset.done $0x0  }
0x7c: {  	s0 =	rddreg [dreg:$0xe];
	[sflag:s14] =	ssyncadd.s32 $0xFFFFC000  }
0x7d: {  	[hbm4b:s0+s2] =	stream.linear.scatter [tilespmem:s9], [sflag:$0x7], $0x4000, $0x38;
	[tilespmem:$0x10800] =	vst v63  }
0x7e: {  	_ =	swait.ge [sflag:s6], $0x4000  }
0x7f: {  	[sflag:s6] =	ssyncset.done $0x0  }
0x80: {  	[sflag:s6] =	ssyncadd.s32 $0xFFFFC000  }
0x81: {  	[tilespmem:s9], [sflag:$0x3] =	stream.indirect.gather [hbm4b:s3+s13], $0x80, s18, s13, $0xb8;
	[tilespmem:$0x10800] =	vst v63  }
0x82: {  	_ =	swait.ge [sflag:s12], $0x4000  }
0x83: {  	[sflag:s12] =	ssyncset.done $0x0  }
0x84: {  	s0 =	rddreg [dreg:$0xf];
	[sflag:s12] =	ssyncadd.s32 $0xFFFFC000  }
0x85: {  	[hbm4b:s0+s2] =	stream.linear.scatter [tilespmem:s8], [sflag:$0x8], $0x4000, $0x38;
	[tilespmem:$0x10800] =	vst v63  }
0x86: {  	_ =	swait.ge [sflag:s7], $0x4000  }
0x87: {  	[sflag:s7] =	ssyncset.done $0x0  }
0x88: {  	[sflag:s7] =	ssyncadd.s32 $0xFFFFC000  }
0x89: {  	[tilespmem:s8], [sflag:$0x4] =	stream.indirect.gather [hbm4b:s3+s13], $0x80, s17, s13, $0xb8;
	[tilespmem:$0x10800] =	vst v63  }
0x8a: {  	_ =	swait.ge [sflag:s16], $0x4000  }
0x8b: {  	[sflag:s16] =	ssyncset.done $0x0  }
0x8c: {  	s0 =	rddreg [dreg:$0x10];
	[sflag:s16] =	ssyncadd.s32 $0xFFFFC000  }
0x8d: {  	[hbm4b:s0+s2] =	stream.linear.scatter [tilespmem:s11], [sflag:$0x5], $0x4000, $0x38;
	[tilespmem:$0x10800] =	vst v63  }
0x8e: {  	_ =	swait.ge [sflag:s15], $0x4000  }
0x8f: {  	[sflag:s15] =	ssyncset.done $0x0  }
0x90: {  	s0 =	rddreg [dreg:$0x11];
	[sflag:s15] =	ssyncadd.s32 $0xFFFFC000  }
0x91: {  	[hbm4b:s0+s2] =	stream.linear.scatter [tilespmem:s10], [sflag:$0x6], $0x4000, $0x38;
	[tilespmem:$0x10800] =	vst v63  }
0x92: {  	_ =	swait.ge [sflag:s14], $0x4000  }
0x93: {  	[sflag:s14] =	ssyncset.done $0x0  }
0x94: {  	s0 =	rddreg [dreg:$0x12];
	[sflag:s14] =	ssyncadd.s32 $0xFFFFC000  }
0x95: {  	[hbm4b:s0+s2] =	stream.linear.scatter [tilespmem:s9], [sflag:$0x7], $0x4000, $0x38;
	[tilespmem:$0x10800] =	vst v63  }
0x96: {  	_ =	swait.ge [sflag:s12], $0x4000  }
0x97: {  	[sflag:s12] =	ssyncset.done $0x0  }
0x98: {  	s0 =	rddreg [dreg:$0x13];
	[sflag:s12] =	ssyncadd.s32 $0xFFFFC000  }
0x99: {  	[hbm4b:s0+s2] =	stream.linear.scatter [tilespmem:s8], [sflag:$0x8], $0x4000, $0x38;
	[tilespmem:$0x10800] =	vst v63  }
0x9a: {  	_ =	swait.ge [sflag:s4], $0x4000  }
0x9b: {  	[sflag:s4] =	ssyncset.done $0x0  }
0x9c: {  	[sflag:s4] =	ssyncadd.s32 $0xFFFFC000  }
0x9d: {  	_ =	swait.ge [sflag:s5], $0x4000  }
0x9e: {  	[sflag:s5] =	ssyncset.done $0x0  }
0x9f: {  	p1 =	sne.s32 s1, $0x1;
	[sflag:s5] =	ssyncadd.s32 $0xFFFFC000  }
.Ltmp1:
0xa0: {  	_ =	swait.ge [sflag:s6], $0x4000;
	(pc) =	sbr.rel @!p1 .LBB2_3-.Ltmp1, $4  }
0xa1: {  	[sflag:s6] =	ssyncset.done $0x0  }
0xa2: {  	[sflag:s6] =	ssyncadd.s32 $0xFFFFC000  }
0xa3: {  	s1 =	sadd.s32 $0xFFFFFFFF, s1;
	_ =	swait.ge [sflag:s7], $0x4000  }
0xa4: {  	p0 =	por $0x1, $0x1;
	s0 =	rddreg [dreg:$0x3];
	[sflag:s7] =	ssyncset.done $0x0  }
.LBB2_2:
0xa5: {  	[sflag:s7] =	ssyncadd.s32 $0xFFFFC000  }
0xa6: {  	[tilespmem:s2], [sflag:$0x9] =	stream.linear.gather [hbm4b:s0+s2], $0x800, $0x38;
	[tilespmem:$0x10800] =	vst v63  }
0xa7: {  	_ =	swait.ge [sflag:s30], $0x800  }
0xa8: {  	[sflag:s30] =	ssyncset.done $0x0  }
0xa9: {  	[sflag:s30] =	ssyncadd.s32 $0xFFFFF800  }
0xaa: {  	[tilespmem:s11], [sflag:$0x1] =	stream.indirect.gather [hbm4b:s3+s13], $0x80, s2, s13, $0xb8;
	[tilespmem:$0x10800] =	vst v63  }
0xab: {  	_ = 	snop  }
0xac: {  	[tilespmem:s10], [sflag:$0x2] =	stream.indirect.gather [hbm4b:s3+s13], $0x80, s13, s13, $0xb8;
	[tilespmem:$0x10800] =	vst v63  }
0xad: {  	s0 =	rddreg [dreg:$0x14]  }
0xae: {  	[tilespmem:s9], [sflag:$0x3] =	stream.indirect.gather [hbm4b:s3+s13], $0x80, s0, s13, $0xb8;
	[tilespmem:$0x10800] =	vst v63  }
0xaf: {  	_ = 	snop  }
0xb0: {  	[tilespmem:s8], [sflag:$0x4] =	stream.indirect.gather [hbm4b:s3+s13], $0x80, s31, s13, $0xb8;
	[tilespmem:$0x10800] =	vst v63  }
0xb1: {  	_ =	swait.ge [sflag:s16], $0x4000  }
0xb2: {  	[sflag:s16] =	ssyncset.done $0x0  }
0xb3: {  	s0 =	rddreg [dreg:$0x4];
	[sflag:s16] =	ssyncadd.s32 $0xFFFFC000  }
0xb4: {  	[hbm4b:s0+s2] =	stream.linear.scatter [tilespmem:s11], [sflag:$0x5], $0x4000, $0x38;
	[tilespmem:$0x10800] =	vst v63  }
0xb5: {  	_ =	swait.ge [sflag:s4], $0x4000  }
0xb6: {  	[sflag:s4] =	ssyncset.done $0x0  }
0xb7: {  	[sflag:s4] =	ssyncadd.s32 $0xFFFFC000  }
0xb8: {  	[tilespmem:s11], [sflag:$0x1] =	stream.indirect.gather [hbm4b:s3+s13], $0x80, s29, s13, $0xb8;
	[tilespmem:$0x10800] =	vst v63  }
0xb9: {  	_ =	swait.ge [sflag:s15], $0x4000  }
0xba: {  	[sflag:s15] =	ssyncset.done $0x0  }
0xbb: {  	s0 =	rddreg [dreg:$0x5];
	[sflag:s15] =	ssyncadd.s32 $0xFFFFC000  }
0xbc: {  	[hbm4b:s0+s2] =	stream.linear.scatter [tilespmem:s10], [sflag:$0x6], $0x4000, $0x38;
	[tilespmem:$0x10800] =	vst v63  }
0xbd: {  	_ =	swait.ge [sflag:s5], $0x4000  }
0xbe: {  	[sflag:s5] =	ssyncset.done $0x0  }
0xbf: {  	[sflag:s5] =	ssyncadd.s32 $0xFFFFC000  }
0xc0: {  	[tilespmem:s10], [sflag:$0x2] =	stream.indirect.gather [hbm4b:s3+s13], $0x80, s28, s13, $0xb8;
	[tilespmem:$0x10800] =	vst v63  }
0xc1: {  	_ =	swait.ge [sflag:s14], $0x4000  }
0xc2: {  	[sflag:s14] =	ssyncset.done $0x0  }
0xc3: {  	s0 =	rddreg [dreg:$0x6];
	[sflag:s14] =	ssyncadd.s32 $0xFFFFC000  }
0xc4: {  	[hbm4b:s0+s2] =	stream.linear.scatter [tilespmem:s9], [sflag:$0x7], $0x4000, $0x38;
	[tilespmem:$0x10800] =	vst v63  }
0xc5: {  	_ =	swait.ge [sflag:s6], $0x4000  }
0xc6: {  	[sflag:s6] =	ssyncset.done $0x0  }
0xc7: {  	[sflag:s6] =	ssyncadd.s32 $0xFFFFC000  }
0xc8: {  	[tilespmem:s9], [sflag:$0x3] =	stream.indirect.gather [hbm4b:s3+s13], $0x80, s26, s13, $0xb8;
	[tilespmem:$0x10800] =	vst v63  }
0xc9: {  	_ =	swait.ge [sflag:s12], $0x4000  }
0xca: {  	[sflag:s12] =	ssyncset.done $0x0  }
0xcb: {  	s0 =	rddreg [dreg:$0x7];
	[sflag:s12] =	ssyncadd.s32 $0xFFFFC000  }
0xcc: {  	[hbm4b:s0+s2] =	stream.linear.scatter [tilespmem:s8], [sflag:$0x8], $0x4000, $0x38;
	[tilespmem:$0x10800] =	vst v63  }
0xcd: {  	_ =	swait.ge [sflag:s7], $0x4000  }
0xce: {  	[sflag:s7] =	ssyncset.done $0x0  }
0xcf: {  	[sflag:s7] =	ssyncadd.s32 $0xFFFFC000  }
0xd0: {  	[tilespmem:s8], [sflag:$0x4] =	stream.indirect.gather [hbm4b:s3+s13], $0x80, s25, s13, $0xb8;
	[tilespmem:$0x10800] =	vst v63  }
0xd1: {  	_ =	swait.ge [sflag:s16], $0x4000  }
0xd2: {  	[sflag:s16] =	ssyncset.done $0x0  }
0xd3: {  	s0 =	rddreg [dreg:$0x8];
	[sflag:s16] =	ssyncadd.s32 $0xFFFFC000  }
0xd4: {  	[hbm4b:s0+s2] =	stream.linear.scatter [tilespmem:s11], [sflag:$0x5], $0x4000, $0x38;
	[tilespmem:$0x10800] =	vst v63  }
0xd5: {  	_ =	swait.ge [sflag:s4], $0x4000  }
0xd6: {  	[sflag:s4] =	ssyncset.done $0x0  }
0xd7: {  	[sflag:s4] =	ssyncadd.s32 $0xFFFFC000  }
0xd8: {  	[tilespmem:s11], [sflag:$0x1] =	stream.indirect.gather [hbm4b:s3+s13], $0x80, s24, s13, $0xb8;
	[tilespmem:$0x10800] =	vst v63  }
0xd9: {  	_ =	swait.ge [sflag:s15], $0x4000  }
0xda: {  	[sflag:s15] =	ssyncset.done $0x0  }
0xdb: {  	s0 =	rddreg [dreg:$0x9];
	[sflag:s15] =	ssyncadd.s32 $0xFFFFC000  }
0xdc: {  	[hbm4b:s0+s2] =	stream.linear.scatter [tilespmem:s10], [sflag:$0x6], $0x4000, $0x38;
	[tilespmem:$0x10800] =	vst v63  }
0xdd: {  	_ =	swait.ge [sflag:s5], $0x4000  }
0xde: {  	[sflag:s5] =	ssyncset.done $0x0  }
0xdf: {  	[sflag:s5] =	ssyncadd.s32 $0xFFFFC000  }
0xe0: {  	[tilespmem:s10], [sflag:$0x2] =	stream.indirect.gather [hbm4b:s3+s13], $0x80, s23, s13, $0xb8;
	[tilespmem:$0x10800] =	vst v63  }
0xe1: {  	_ =	swait.ge [sflag:s14], $0x4000  }
0xe2: {  	[sflag:s14] =	ssyncset.done $0x0  }
0xe3: {  	s0 =	rddreg [dreg:$0xa];
	[sflag:s14] =	ssyncadd.s32 $0xFFFFC000  }
0xe4: {  	[hbm4b:s0+s2] =	stream.linear.scatter [tilespmem:s9], [sflag:$0x7], $0x4000, $0x38;
	[tilespmem:$0x10800] =	vst v63  }
0xe5: {  	_ =	swait.ge [sflag:s6], $0x4000  }
0xe6: {  	[sflag:s6] =	ssyncset.done $0x0  }
0xe7: {  	[sflag:s6] =	ssyncadd.s32 $0xFFFFC000  }
0xe8: {  	[tilespmem:s9], [sflag:$0x3] =	stream.indirect.gather [hbm4b:s3+s13], $0x80, s22, s13, $0xb8;
	[tilespmem:$0x10800] =	vst v63  }
0xe9: {  	_ =	swait.ge [sflag:s12], $0x4000  }
0xea: {  	[sflag:s12] =	ssyncset.done $0x0  }
0xeb: {  	s0 =	rddreg [dreg:$0xb];
	[sflag:s12] =	ssyncadd.s32 $0xFFFFC000  }
0xec: {  	[hbm4b:s0+s2] =	stream.linear.scatter [tilespmem:s8], [sflag:$0x8], $0x4000, $0x38;
	[tilespmem:$0x10800] =	vst v63  }
0xed: {  	_ =	swait.ge [sflag:s7], $0x4000  }
0xee: {  	[sflag:s7] =	ssyncset.done $0x0  }
0xef: {  	[sflag:s7] =	ssyncadd.s32 $0xFFFFC000  }
0xf0: {  	[tilespmem:s8], [sflag:$0x4] =	stream.indirect.gather [hbm4b:s3+s13], $0x80, s21, s13, $0xb8;
	[tilespmem:$0x10800] =	vst v63  }
0xf1: {  	_ =	swait.ge [sflag:s16], $0x4000  }
0xf2: {  	[sflag:s16] =	ssyncset.done $0x0  }
0xf3: {  	s0 =	rddreg [dreg:$0xc];
	[sflag:s16] =	ssyncadd.s32 $0xFFFFC000  }
0xf4: {  	[hbm4b:s0+s2] =	stream.linear.scatter [tilespmem:s11], [sflag:$0x5], $0x4000, $0x38;
	[tilespmem:$0x10800] =	vst v63  }
0xf5: {  	_ =	swait.ge [sflag:s4], $0x4000  }
0xf6: {  	[sflag:s4] =	ssyncset.done $0x0  }
0xf7: {  	[sflag:s4] =	ssyncadd.s32 $0xFFFFC000  }
0xf8: {  	[tilespmem:s11], [sflag:$0x1] =	stream.indirect.gather [hbm4b:s3+s13], $0x80, s20, s13, $0xb8;
	[tilespmem:$0x10800] =	vst v63  }
0xf9: {  	_ =	swait.ge [sflag:s15], $0x4000  }
0xfa: {  	[sflag:s15] =	ssyncset.done $0x0  }
0xfb: {  	s0 =	rddreg [dreg:$0xd];
	[sflag:s15] =	ssyncadd.s32 $0xFFFFC000  }
0xfc: {  	[hbm4b:s0+s2] =	stream.linear.scatter [tilespmem:s10], [sflag:$0x6], $0x4000, $0x38;
	[tilespmem:$0x10800] =	vst v63  }
0xfd: {  	_ =	swait.ge [sflag:s5], $0x4000  }
0xfe: {  	[sflag:s5] =	ssyncset.done $0x0  }
0xff: {  	[sflag:s5] =	ssyncadd.s32 $0xFFFFC000  }
0x100: {  	[tilespmem:s10], [sflag:$0x2] =	stream.indirect.gather [hbm4b:s3+s13], $0x80, s19, s13, $0xb8;
	[tilespmem:$0x10800] =	vst v63  }
0x101: {  	_ =	swait.ge [sflag:s14], $0x4000  }
0x102: {  	[sflag:s14] =	ssyncset.done $0x0  }
0x103: {  	s0 =	rddreg [dreg:$0xe];
	[sflag:s14] =	ssyncadd.s32 $0xFFFFC000  }
0x104: {  	[hbm4b:s0+s2] =	stream.linear.scatter [tilespmem:s9], [sflag:$0x7], $0x4000, $0x38;
	[tilespmem:$0x10800] =	vst v63  }
0x105: {  	_ =	swait.ge [sflag:s6], $0x4000  }
0x106: {  	[sflag:s6] =	ssyncset.done $0x0  }
0x107: {  	[sflag:s6] =	ssyncadd.s32 $0xFFFFC000  }
0x108: {  	[tilespmem:s9], [sflag:$0x3] =	stream.indirect.gather [hbm4b:s3+s13], $0x80, s18, s13, $0xb8;
	[tilespmem:$0x10800] =	vst v63  }
0x109: {  	_ =	swait.ge [sflag:s12], $0x4000  }
0x10a: {  	[sflag:s12] =	ssyncset.done $0x0  }
0x10b: {  	s0 =	rddreg [dreg:$0xf];
	[sflag:s12] =	ssyncadd.s32 $0xFFFFC000  }
0x10c: {  	[hbm4b:s0+s2] =	stream.linear.scatter [tilespmem:s8], [sflag:$0x8], $0x4000, $0x38;
	[tilespmem:$0x10800] =	vst v63  }
0x10d: {  	_ =	swait.ge [sflag:s7], $0x4000  }
0x10e: {  	[sflag:s7] =	ssyncset.done $0x0  }
0x10f: {  	[sflag:s7] =	ssyncadd.s32 $0xFFFFC000  }
0x110: {  	[tilespmem:s8], [sflag:$0x4] =	stream.indirect.gather [hbm4b:s3+s13], $0x80, s17, s13, $0xb8;
	[tilespmem:$0x10800] =	vst v63  }
0x111: {  	_ =	swait.ge [sflag:s16], $0x4000  }
0x112: {  	[sflag:s16] =	ssyncset.done $0x0  }
0x113: {  	s0 =	rddreg [dreg:$0x10];
	[sflag:s16] =	ssyncadd.s32 $0xFFFFC000  }
0x114: {  	[hbm4b:s0+s2] =	stream.linear.scatter [tilespmem:s11], [sflag:$0x5], $0x4000, $0x38;
	[tilespmem:$0x10800] =	vst v63  }
0x115: {  	_ =	swait.ge [sflag:s15], $0x4000  }
0x116: {  	[sflag:s15] =	ssyncset.done $0x0  }
0x117: {  	s0 =	rddreg [dreg:$0x11];
	[sflag:s15] =	ssyncadd.s32 $0xFFFFC000  }
0x118: {  	[hbm4b:s0+s2] =	stream.linear.scatter [tilespmem:s10], [sflag:$0x6], $0x4000, $0x38;
	[tilespmem:$0x10800] =	vst v63  }
0x119: {  	_ =	swait.ge [sflag:s14], $0x4000  }
0x11a: {  	[sflag:s14] =	ssyncset.done $0x0  }
0x11b: {  	s0 =	rddreg [dreg:$0x12];
	[sflag:s14] =	ssyncadd.s32 $0xFFFFC000  }
0x11c: {  	[hbm4b:s0+s2] =	stream.linear.scatter [tilespmem:s9], [sflag:$0x7], $0x4000, $0x38;
	[tilespmem:$0x10800] =	vst v63  }
0x11d: {  	_ =	swait.ge [sflag:s12], $0x4000  }
0x11e: {  	[sflag:s12] =	ssyncset.done $0x0  }
0x11f: {  	s0 =	rddreg [dreg:$0x13];
	[sflag:s12] =	ssyncadd.s32 $0xFFFFC000  }
0x120: {  	[hbm4b:s0+s2] =	stream.linear.scatter [tilespmem:s8], [sflag:$0x8], $0x4000, $0x38;
	[tilespmem:$0x10800] =	vst v63  }
0x121: {  	_ =	swait.ge [sflag:s4], $0x4000  }
0x122: {  	[sflag:s4] =	ssyncset.done $0x0  }
0x123: {  	[sflag:s4] =	ssyncadd.s32 $0xFFFFC000  }
0x124: {  	_ =	swait.ge [sflag:s5], $0x4000  }
0x125: {  	[sflag:s5] =	ssyncset.done $0x0  }
0x126: {  	p1 =	sne.s32 s1, $0x1;
	[sflag:s5] =	ssyncadd.s32 $0xFFFFC000  }
.Ltmp2:
0x127: {  	_ =	swait.ge [sflag:s6], $0x4000;
	(pc) =	sbr.rel @p1 .LBB2_2-.Ltmp2, $4  }
0x128: {  	[sflag:s6] =	ssyncset.done $0x0  }
0x129: {  	[sflag:s6] =	ssyncadd.s32 $0xFFFFC000  }
0x12a: {  	_ =	swait.ge [sflag:s7], $0x4000  }
0x12b: {  	s1 =	sadd.s32 $0xFFFFFFFF, s1;
	s0 =	rddreg [dreg:$0x3];
	[sflag:s7] =	ssyncset.done $0x0  }
.LBB2_3:
0x12c: {  	[sflag:s7] =	ssyncadd.s32 @p0 $0xFFFFC000  }
0x12d: {  	[tilespmem:s2], [sflag:$0x9] =	stream.linear.gather [hbm4b:s0+s2], $0x800, $0x38;
	[tilespmem:$0x10800] =	vst v63  }
0x12e: {  	_ =	swait.ge [sflag:s30], $0x800  }
0x12f: {  	[sflag:s30] =	ssyncset.done $0x0  }
0x130: {  	[sflag:s30] =	ssyncadd.s32 $0xFFFFF800  }
0x131: {  	[tilespmem:s11], [sflag:$0x1] =	stream.indirect.gather [hbm4b:s3+s13], $0x80, s2, s13, $0xb8;
	[tilespmem:$0x10800] =	vst v63  }
0x132: {  	_ = 	snop  }
0x133: {  	[tilespmem:s10], [sflag:$0x2] =	stream.indirect.gather [hbm4b:s3+s13], $0x80, s13, s13, $0xb8;
	[tilespmem:$0x10800] =	vst v63  }
0x134: {  	s1 =	rddreg [dreg:$0x14]  }
0x135: {  	[tilespmem:s9], [sflag:$0x3] =	stream.indirect.gather [hbm4b:s3+s13], $0x80, s1, s13, $0xb8;
	[tilespmem:$0x10800] =	vst v63  }
0x136: {  	_ = 	snop  }
0x137: {  	[tilespmem:s8], [sflag:$0x4] =	stream.indirect.gather [hbm4b:s3+s13], $0x80, s31, s13, $0xb8;
	[tilespmem:$0x10800] =	vst v63  }
0x138: {  	_ =	swait.ge [sflag:s16], $0x4000  }
0x139: {  	[sflag:s16] =	ssyncset.done $0x0  }
0x13a: {  	s30 =	rddreg [dreg:$0x4];
	[sflag:s16] =	ssyncadd.s32 $0xFFFFC000  }
0x13b: {  	[hbm4b:s30+s2] =	stream.linear.scatter [tilespmem:s11], [sflag:$0x5], $0x4000, $0x38;
	[tilespmem:$0x10800] =	vst v63  }
0x13c: {  	_ =	swait.ge [sflag:s4], $0x4000  }
0x13d: {  	[sflag:s4] =	ssyncset.done $0x0  }
0x13e: {  	[sflag:s4] =	ssyncadd.s32 $0xFFFFC000  }
0x13f: {  	[tilespmem:s11], [sflag:$0x1] =	stream.indirect.gather [hbm4b:s3+s13], $0x80, s29, s13, $0xb8;
	[tilespmem:$0x10800] =	vst v63  }
0x140: {  	_ =	swait.ge [sflag:s15], $0x4000  }
0x141: {  	[sflag:s15] =	ssyncset.done $0x0  }
0x142: {  	s31 =	rddreg [dreg:$0x5];
	[sflag:s15] =	ssyncadd.s32 $0xFFFFC000  }
0x143: {  	[hbm4b:s31+s2] =	stream.linear.scatter [tilespmem:s10], [sflag:$0x6], $0x4000, $0x38;
	[tilespmem:$0x10800] =	vst v63  }
0x144: {  	_ =	swait.ge [sflag:s5], $0x4000  }
0x145: {  	[sflag:s5] =	ssyncset.done $0x0  }
0x146: {  	[sflag:s5] =	ssyncadd.s32 $0xFFFFC000  }
0x147: {  	[tilespmem:s10], [sflag:$0x2] =	stream.indirect.gather [hbm4b:s3+s13], $0x80, s28, s13, $0xb8;
	[tilespmem:$0x10800] =	vst v63  }
0x148: {  	_ =	swait.ge [sflag:s14], $0x4000  }
0x149: {  	[sflag:s14] =	ssyncset.done $0x0  }
0x14a: {  	s1 =	rddreg [dreg:$0x6];
	[sflag:s14] =	ssyncadd.s32 $0xFFFFC000  }
0x14b: {  	[hbm4b:s1+s2] =	stream.linear.scatter [tilespmem:s9], [sflag:$0x7], $0x4000, $0x38;
	[tilespmem:$0x10800] =	vst v63  }
0x14c: {  	_ =	swait.ge [sflag:s6], $0x4000  }
0x14d: {  	[sflag:s6] =	ssyncset.done $0x0  }
0x14e: {  	[sflag:s6] =	ssyncadd.s32 $0xFFFFC000  }
0x14f: {  	[tilespmem:s9], [sflag:$0x3] =	stream.indirect.gather [hbm4b:s3+s13], $0x80, s26, s13, $0xb8;
	[tilespmem:$0x10800] =	vst v63  }
0x150: {  	_ =	swait.ge [sflag:s12], $0x4000  }
0x151: {  	[sflag:s12] =	ssyncset.done $0x0  }
0x152: {  	s28 =	rddreg [dreg:$0x7];
	[sflag:s12] =	ssyncadd.s32 $0xFFFFC000  }
0x153: {  	[hbm4b:s28+s2] =	stream.linear.scatter [tilespmem:s8], [sflag:$0x8], $0x4000, $0x38;
	[tilespmem:$0x10800] =	vst v63  }
0x154: {  	_ =	swait.ge [sflag:s7], $0x4000  }
0x155: {  	[sflag:s7] =	ssyncset.done $0x0  }
0x156: {  	[sflag:s7] =	ssyncadd.s32 $0xFFFFC000  }
0x157: {  	[tilespmem:s8], [sflag:$0x4] =	stream.indirect.gather [hbm4b:s3+s13], $0x80, s25, s13, $0xb8;
	[tilespmem:$0x10800] =	vst v63  }
0x158: {  	_ =	swait.ge [sflag:s16], $0x4000  }
0x159: {  	[sflag:s16] =	ssyncset.done $0x0  }
0x15a: {  	s29 =	rddreg [dreg:$0x8];
	[sflag:s16] =	ssyncadd.s32 $0xFFFFC000  }
0x15b: {  	[hbm4b:s29+s2] =	stream.linear.scatter [tilespmem:s11], [sflag:$0x5], $0x4000, $0x38;
	[tilespmem:$0x10800] =	vst v63  }
0x15c: {  	_ =	swait.ge [sflag:s4], $0x4000  }
0x15d: {  	[sflag:s4] =	ssyncset.done $0x0  }
0x15e: {  	[sflag:s4] =	ssyncadd.s32 $0xFFFFC000  }
0x15f: {  	[tilespmem:s11], [sflag:$0x1] =	stream.indirect.gather [hbm4b:s3+s13], $0x80, s24, s13, $0xb8;
	[tilespmem:$0x10800] =	vst v63  }
0x160: {  	_ =	swait.ge [sflag:s15], $0x4000  }
0x161: {  	[sflag:s15] =	ssyncset.done $0x0  }
0x162: {  	s30 =	rddreg [dreg:$0x9];
	[sflag:s15] =	ssyncadd.s32 $0xFFFFC000  }
0x163: {  	[hbm4b:s30+s2] =	stream.linear.scatter [tilespmem:s10], [sflag:$0x6], $0x4000, $0x38;
	[tilespmem:$0x10800] =	vst v63  }
0x164: {  	_ =	swait.ge [sflag:s5], $0x4000  }
0x165: {  	[sflag:s5] =	ssyncset.done $0x0  }
0x166: {  	[sflag:s5] =	ssyncadd.s32 $0xFFFFC000  }
0x167: {  	[tilespmem:s10], [sflag:$0x2] =	stream.indirect.gather [hbm4b:s3+s13], $0x80, s23, s13, $0xb8;
	[tilespmem:$0x10800] =	vst v63  }
0x168: {  	_ =	swait.ge [sflag:s14], $0x4000  }
0x169: {  	[sflag:s14] =	ssyncset.done $0x0  }
0x16a: {  	s31 =	rddreg [dreg:$0xa];
	[sflag:s14] =	ssyncadd.s32 $0xFFFFC000  }
0x16b: {  	[hbm4b:s31+s2] =	stream.linear.scatter [tilespmem:s9], [sflag:$0x7], $0x4000, $0x38;
	[tilespmem:$0x10800] =	vst v63  }
0x16c: {  	_ =	swait.ge [sflag:s6], $0x4000  }
0x16d: {  	[sflag:s6] =	ssyncset.done $0x0  }
0x16e: {  	[sflag:s6] =	ssyncadd.s32 $0xFFFFC000  }
0x16f: {  	[tilespmem:s9], [sflag:$0x3] =	stream.indirect.gather [hbm4b:s3+s13], $0x80, s22, s13, $0xb8;
	[tilespmem:$0x10800] =	vst v63  }
0x170: {  	_ =	swait.ge [sflag:s12], $0x4000  }
0x171: {  	[sflag:s12] =	ssyncset.done $0x0  }
0x172: {  	s1 =	rddreg [dreg:$0xb];
	[sflag:s12] =	ssyncadd.s32 $0xFFFFC000  }
0x173: {  	[hbm4b:s1+s2] =	stream.linear.scatter [tilespmem:s8], [sflag:$0x8], $0x4000, $0x38;
	[tilespmem:$0x10800] =	vst v63  }
0x174: {  	_ =	swait.ge [sflag:s7], $0x4000  }
0x175: {  	[sflag:s7] =	ssyncset.done $0x0  }
0x176: {  	[sflag:s7] =	ssyncadd.s32 $0xFFFFC000  }
0x177: {  	[tilespmem:s8], [sflag:$0x4] =	stream.indirect.gather [hbm4b:s3+s13], $0x80, s21, s13, $0xb8;
	[tilespmem:$0x10800] =	vst v63  }
0x178: {  	_ =	swait.ge [sflag:s16], $0x4000  }
0x179: {  	[sflag:s16] =	ssyncset.done $0x0  }
0x17a: {  	s22 =	rddreg [dreg:$0xc];
	[sflag:s16] =	ssyncadd.s32 $0xFFFFC000  }
0x17b: {  	[hbm4b:s22+s2] =	stream.linear.scatter [tilespmem:s11], [sflag:$0x5], $0x4000, $0x38;
	[tilespmem:$0x10800] =	vst v63  }
0x17c: {  	_ =	swait.ge [sflag:s4], $0x4000  }
0x17d: {  	[sflag:s4] =	ssyncset.done $0x0  }
0x17e: {  	[sflag:s4] =	ssyncadd.s32 $0xFFFFC000  }
0x17f: {  	[tilespmem:s11], [sflag:$0x1] =	stream.indirect.gather [hbm4b:s3+s13], $0x80, s20, s13, $0xb8;
	[tilespmem:$0x10800] =	vst v63  }
0x180: {  	_ =	swait.ge [sflag:s15], $0x4000  }
0x181: {  	[sflag:s15] =	ssyncset.done $0x0  }
0x182: {  	s23 =	rddreg [dreg:$0xd];
	[sflag:s15] =	ssyncadd.s32 $0xFFFFC000  }
0x183: {  	[hbm4b:s23+s2] =	stream.linear.scatter [tilespmem:s10], [sflag:$0x6], $0x4000, $0x38;
	[tilespmem:$0x10800] =	vst v63  }
0x184: {  	_ =	swait.ge [sflag:s5], $0x4000  }
0x185: {  	[sflag:s5] =	ssyncset.done $0x0  }
0x186: {  	[sflag:s5] =	ssyncadd.s32 $0xFFFFC000  }
0x187: {  	[tilespmem:s10], [sflag:$0x2] =	stream.indirect.gather [hbm4b:s3+s13], $0x80, s19, s13, $0xb8;
	[tilespmem:$0x10800] =	vst v63  }
0x188: {  	_ =	swait.ge [sflag:s14], $0x4000  }
0x189: {  	[sflag:s14] =	ssyncset.done $0x0  }
0x18a: {  	s24 =	rddreg [dreg:$0xe];
	[sflag:s14] =	ssyncadd.s32 $0xFFFFC000  }
0x18b: {  	[hbm4b:s24+s2] =	stream.linear.scatter [tilespmem:s9], [sflag:$0x7], $0x4000, $0x38;
	[tilespmem:$0x10800] =	vst v63  }
0x18c: {  	_ =	swait.ge [sflag:s6], $0x4000  }
0x18d: {  	[sflag:s6] =	ssyncset.done $0x0  }
0x18e: {  	[sflag:s6] =	ssyncadd.s32 $0xFFFFC000  }
0x18f: {  	[tilespmem:s9], [sflag:$0x3] =	stream.indirect.gather [hbm4b:s3+s13], $0x80, s18, s13, $0xb8;
	[tilespmem:$0x10800] =	vst v63  }
0x190: {  	_ =	swait.ge [sflag:s12], $0x4000  }
0x191: {  	[sflag:s12] =	ssyncset.done $0x0  }
0x192: {  	s25 =	rddreg [dreg:$0xf];
	[sflag:s12] =	ssyncadd.s32 $0xFFFFC000  }
0x193: {  	[hbm4b:s25+s2] =	stream.linear.scatter [tilespmem:s8], [sflag:$0x8], $0x4000, $0x38;
	[tilespmem:$0x10800] =	vst v63  }
0x194: {  	_ =	swait.ge [sflag:s7], $0x4000  }
0x195: {  	[sflag:s7] =	ssyncset.done $0x0  }
0x196: {  	[sflag:s7] =	ssyncadd.s32 $0xFFFFC000  }
0x197: {  	[tilespmem:s8], [sflag:$0x4] =	stream.indirect.gather [hbm4b:s3+s13], $0x80, s17, s13, $0xb8;
	[tilespmem:$0x10800] =	vst v63  }
0x198: {  	_ =	swait.ge [sflag:s16], $0x4000  }
0x199: {  	[sflag:s16] =	ssyncset.done $0x0  }
0x19a: {  	s26 =	rddreg [dreg:$0x10];
	[sflag:s16] =	ssyncadd.s32 $0xFFFFC000  }
0x19b: {  	[hbm4b:s26+s2] =	stream.linear.scatter [tilespmem:s11], [sflag:$0x5], $0x4000, $0x38;
	[tilespmem:$0x10800] =	vst v63  }
0x19c: {  	_ =	swait.ge [sflag:s15], $0x4000  }
0x19d: {  	[sflag:s15] =	ssyncset.done $0x0  }
0x19e: {  	s28 =	rddreg [dreg:$0x11];
	[sflag:s15] =	ssyncadd.s32 $0xFFFFC000  }
0x19f: {  	[hbm4b:s28+s2] =	stream.linear.scatter [tilespmem:s10], [sflag:$0x6], $0x4000, $0x38;
	[tilespmem:$0x10800] =	vst v63  }
0x1a0: {  	_ =	swait.ge [sflag:s14], $0x4000  }
0x1a1: {  	[sflag:s14] =	ssyncset.done $0x0  }
0x1a2: {  	s29 =	rddreg [dreg:$0x12];
	[sflag:s14] =	ssyncadd.s32 $0xFFFFC000  }
0x1a3: {  	[hbm4b:s29+s2] =	stream.linear.scatter [tilespmem:s9], [sflag:$0x7], $0x4000, $0x38;
	[tilespmem:$0x10800] =	vst v63  }
0x1a4: {  	_ =	swait.ge [sflag:s12], $0x4000  }
0x1a5: {  	[sflag:s12] =	ssyncset.done $0x0  }
0x1a6: {  	s30 =	rddreg [dreg:$0x13];
	[sflag:s12] =	ssyncadd.s32 $0xFFFFC000  }
0x1a7: {  	[hbm4b:s30+s2] =	stream.linear.scatter [tilespmem:s8], [sflag:$0x8], $0x4000, $0x38;
	[tilespmem:$0x10800] =	vst v63  }
0x1a8: {  	_ =	swait.ge [sflag:s4], $0x4000  }
0x1a9: {  	[sflag:s4] =	ssyncset.done $0x0  }
0x1aa: {  	[sflag:s4] =	ssyncadd.s32 $0xFFFFC000  }
0x1ab: {  	_ =	swait.ge [sflag:s5], $0x4000  }
0x1ac: {  	[sflag:s5] =	ssyncset.done $0x0  }
0x1ad: {  	[sflag:s5] =	ssyncadd.s32 $0xFFFFC000  }
0x1ae: {  	_ =	swait.ge [sflag:s6], $0x4000  }
0x1af: {  	[sflag:s6] =	ssyncset.done $0x0  }
0x1b0: {  	[sflag:s6] =	ssyncadd.s32 $0xFFFFC000  }
0x1b1: {  	_ =	swait.ge [sflag:s7], $0x4000  }
0x1b2: {  	[sflag:s7] =	ssyncset.done $0x0  }
0x1b3: {  	[sflag:s7] =	ssyncadd.s32 $0xFFFFC000  }
0x1b4: {  	_ =	sfence.sel $0x180000  }
0x1b5: {  	[bflag:$0x0] =	sbarrier.arrive $0xFFFF  }
0x1b6: {  	_ =	strace $0x90000047  }
0x1b7: {  	s31 =	stileid.u32;
	[bflag:$0x2] =	sbarrier.arrive $0xFFFF  }
0x1b8: {  	p0 =	sne.s32 s31, $0x0;
	s0 =	rddreg [dreg:$0x2]  }
0x1b9: {  	s0 =	sadd.s32 @!p0 $0x100000, s0  }
0x1ba: {  	[sflag:s0] =	ssyncadd.tile.s32 @!p0 $0x1;
	_ =	shalt  }
.Lfunc_end2:
_tile_overlayer_lowered:
.L_overlay_start_2:
0x1bb: {  	(tag) =	ssettag $0x2  }
0x1bc: {  	s0 =	rddreg [dreg:$0x0];
	s2 =	stileid.u32  }
0x1bd: {  	s1 =	rddreg [dreg:$0x1];
	p0 =	sne.s32 s2, $0x0  }
0x1be: {  	s3 =	rddreg [dreg:$0x2];
	[bflag:$0x3] =	sbarrier.arrive $0xFFFF;
	s2 =	simm.s32 @!p0 $0x1C09  }
0x1bf: {  	[timem:s3], [sflag:s2] =	dma.local @!p0 [hbm:s0], s1  }
0x1c0: {  	s0 =	simm.s32 @!p0 $0x9  }
0x1c1: {  	_ =	swait.ge @!p0 [sflag:s0], s1  }
0x1c2: {  	s1 =	ssub.s32 @!p0 $0x0, s1;
	[sflag:s0] =	ssyncset.done @!p0 $0x0  }
0x1c3: {  	[sflag:s0] =	ssyncadd.s32 @!p0 s1  }
0x1c4: {  	[bflag:$0x3] =	sbarrier.arrive $0xFFFF  }
0x1c5: {  	_ =	shalt  }

// kernel: kernel.17.cloned.1.call-start
scs
__scs_entry_jumppad:
0x0: {  	(pc) =	sbr.rel $0x88, $3  }
0x1: {  	(tag) =	ssettag $0x0;
	lr =	simm.s32 $0x1  }
0x2: {  	[smem:$0x3F87] =	sst lr;
	_ =	strace $0xD0000000  }
0x3: {  	_ = 	snop  }
0x4: {  	_ = 	snop  }
0x5: {  	_ = 	snop  }
0x6: {  	_ = 	snop  }
0x7: {  	_ = 	snop  }
__scs_overlays_trampoline_lowered:
0x8: {  	[smem:$0x3F96] =	sst s0  }
0x9: {  	[smem:$0x3F97] =	sst s1  }
0xa: {  	[smem:$0x3F98] =	sst s2  }
0xb: {  	[smem:$0x3F99] =	sst s3  }
0xc: {  	[smem:$0x3F9A] =	sst s4  }
0xd: {  	[smem:$0x3F9B] =	sst s5  }
0xe: {  	[smem:$0x3F9C] =	sst s6  }
0xf: {  	[smem:$0x3F9D] =	sst s7  }
0x10: {  	[smem:$0x3F9E] =	sst s8  }
0x11: {  	[smem:$0x3F9F] =	sst s9;
	s0 =	simm.s32 @!p0 $0x0  }
0x12: {  	s1 =	sld [smem:$0x3F85];
	s0 =	simm.s32 @p0 $0x1  }
0x13: {  	[smem:$0x3FA0] =	sst s0;
	s0 =	simm.s32 @!p1 $0x0  }
0x14: {  	s2 =	sld [smem:$0x3F84];
	s0 =	simm.s32 @p1 $0x1  }
0x15: {  	[smem:$0x3FA1] =	sst s0;
	s0 =	simm.s32 @!p2 $0x0  }
0x16: {  	s3 =	sld [smem:$0x3FDB];
	s0 =	simm.s32 @p2 $0x1  }
0x17: {  	s4 =	simm.s32 $0x1BF5;
	[smem:$0x3FA3] =	sst s0  }
0x18: {  	s0 =	sld [smem:$0x3F86];
	_ =	swait.ge [sflag:s4], $0x0  }
0x19: {  	s7 =	sld [smem:$0x3F87]  }
0x1a: {  	s8 =	sadd.s32 $0xFFFFE003, lr  }
0x1b: {  	s9 =	sadd.s32 $0xFFFFFEF7, lr;
	s5 =	simm.s32 $0xFFFFFFFF;
	p2 =	slt.u32 s8, $0xFFFFF086  }
0x1c: {  	p1 =	slt.u32 s9, $0xF7A;
	s5 =	simm.s32 @!p2 $0x0  }
0x1d: {  	s5 =	simm.s32 @p1 $0x1;
	p0 =	seq.s32 s7, s2  }
0x1e: {  	s7 =	smul.u32 @!p0 $0xF7A, s2;
	p2 =	seq.s32 @!p0 s5, $0x0  }
0x1f: {  	s9 =	smul.u32 $0xF7A, s1;
	s8 =	simm.s32 @!p0 $0x1BF5;
	p2 =	por !p2, p0  }
0x20: {  	[sflag:s8] =	ssyncset.s32 @!p0 $0xFFFFF086;
	s6 =	sadd.s32 @!p0 s3, s7;
	s7 =	simm.s32 @!p0 $0x108  }
0x21: {  	s3 =	sadd.s32 s3, s9;
	s6 =	sadd.s32 @!p0 $0x88, s6;
	s7 =	simm.s32 @p2 $0x1082  }
0x22: {  	[simem:s7], [sflag:s8] =	dma.local @!p0 [hbm:s6], $0xF7A  }
0x23: {  	s9 =	sor.u32 $0xD0000000, s2;
	s6 =	simm.s32 $0x108;
	_ =	swait.ge @!p0 [sflag:s8], $0x0  }
0x24: {  	s3 =	sadd.s32 $0x88, s3;
	s6 =	simm.s32 @!p1 $0x1082;
	[sflag:s4] =	ssyncset.s32 $0xFFFFF086  }
0x25: {  	[simem:s6], [sflag:s4] =	dma.local [hbm:s3], $0xF7A  }
0x26: {  	[smem:$0x3F87] =	sst s1;
	(tag) =	ssettag s2;
	_ =	strace s9  }
0x27: {  	s1 =	sld [smem:$0x3F97]  }
0x28: {  	s2 =	sld [smem:$0x3F98]  }
0x29: {  	s4 =	sld [smem:$0x3F9A]  }
0x2a: {  	p0 =	seq.s32 s5, $0x0;
	s5 =	sld [smem:$0x3F9B]  }
0x2b: {  	s6 =	sld [smem:$0x3F9C]  }
0x2c: {  	s7 =	sld [smem:$0x3F9D]  }
0x2d: {  	s3 =	simm.s32 $0x108;
	s8 =	sld [smem:$0x3F9E]  }
0x2e: {  	s3 =	simm.s32 @!p0 $0x1082;
	s9 =	sld [smem:$0x3F9F]  }
0x2f: {  	lr =	sadd.s32 s0, s3;
	s0 =	sld [smem:$0x3F96]  }
0x30: {  	s3 =	sld [smem:$0x3F99]  }
0x31: {  	[smem:$0x3FA2] =	sst s10  }
0x32: {  	s10 =	sld [smem:$0x3FA0];
	_ =	sdelay $0x3  }
0x33: {  	p0 =	seq.s32 s10, $0x1;
	s10 =	sld [smem:$0x3FA2];
	_ =	sdelay $0x3  }
0x34: {  	[smem:$0x3FA2] =	sst s10  }
0x35: {  	s10 =	sld [smem:$0x3FA1];
	_ =	sdelay $0x3  }
0x36: {  	p1 =	seq.s32 s10, $0x1;
	s10 =	sld [smem:$0x3FA2];
	_ =	sdelay $0x3  }
0x37: {  	[smem:$0x3FA2] =	sst s10  }
0x38: {  	s10 =	sld [smem:$0x3FA3]  }
0x39: {  	_ = 	snop;
	(pc) =	sbr.ind lr, $3  }
0x3a: {  	_ = 	snop  }
0x3b: {  	_ = 	snop  }
0x3c: {  	p2 =	seq.s32 s10, $0x1;
	s10 =	sld [smem:$0x3FA2]  }
0x3d: {  	_ =	shalt  }
0x3e: {  	_ =	shalt  }
0x3f: {  	_ =	shalt  }
0x40: {  	_ =	shalt  }
0x41: {  	_ =	shalt  }
0x42: {  	_ =	shalt  }
0x43: {  	_ =	shalt  }
0x44: {  	_ =	shalt  }
0x45: {  	_ =	shalt  }
0x46: {  	_ =	shalt  }
0x47: {  	_ =	shalt  }
0x48: {  	_ =	shalt  }
0x49: {  	_ =	shalt  }
0x4a: {  	_ =	shalt  }
0x4b: {  	_ =	shalt  }
0x4c: {  	_ =	shalt  }
0x4d: {  	_ =	shalt  }
0x4e: {  	_ =	shalt  }
0x4f: {  	_ =	shalt  }
0x50: {  	_ =	shalt  }
0x51: {  	_ =	shalt  }
0x52: {  	_ =	shalt  }
0x53: {  	_ =	shalt  }
0x54: {  	_ =	shalt  }
0x55: {  	_ =	shalt  }
0x56: {  	_ =	shalt  }
0x57: {  	_ =	shalt  }
0x58: {  	_ =	shalt  }
0x59: {  	_ =	shalt  }
0x5a: {  	_ =	shalt  }
0x5b: {  	_ =	shalt  }
0x5c: {  	_ =	shalt  }
0x5d: {  	_ =	shalt  }
0x5e: {  	_ =	shalt  }
0x5f: {  	_ =	shalt  }
0x60: {  	_ =	shalt  }
0x61: {  	_ =	shalt  }
0x62: {  	_ =	shalt  }
0x63: {  	_ =	shalt  }
0x64: {  	_ =	shalt  }
0x65: {  	_ =	shalt  }
0x66: {  	_ =	shalt  }
0x67: {  	_ =	shalt  }
0x68: {  	_ =	shalt  }
0x69: {  	_ =	shalt  }
0x6a: {  	_ =	shalt  }
0x6b: {  	_ =	shalt  }
0x6c: {  	_ =	shalt  }
0x6d: {  	_ =	shalt  }
0x6e: {  	_ =	shalt  }
0x6f: {  	_ =	shalt  }
0x70: {  	_ =	shalt  }
0x71: {  	_ =	shalt  }
0x72: {  	_ =	shalt  }
0x73: {  	_ =	shalt  }
0x74: {  	_ =	shalt  }
0x75: {  	_ =	shalt  }
0x76: {  	_ =	shalt  }
0x77: {  	_ =	shalt  }
0x78: {  	_ =	shalt  }
0x79: {  	_ =	shalt  }
0x7a: {  	_ =	shalt  }
0x7b: {  	_ =	shalt  }
0x7c: {  	_ =	shalt  }
0x7d: {  	_ =	shalt  }
0x7e: {  	_ =	shalt  }
0x7f: {  	_ =	shalt  }
0x80: {  	_ =	shalt  }
0x81: {  	_ =	shalt  }
0x82: {  	_ =	shalt  }
0x83: {  	_ =	shalt  }
0x84: {  	_ =	shalt  }
0x85: {  	_ =	shalt  }
0x86: {  	_ =	shalt  }
0x87: {  	_ =	shalt  }
.Lfunc_end0:
.L_simem_size_0:
called_computation.1_lowered:
.L_overlay_start_0:
0x88: {  	s2 =	sld [smem:$0x3FD9]  }
0x89: {  	s3 =	sld [smem:$0x3FFE];
	_ =	sdelay $0x1  }
0x8a: {  	s1 =	srdreg.scid  }
0x8b: {  	s0 =	sand.u32 $0x1, s1  }
0x8c: {  	s14 =	sshll.u32 s0, $0xA;
	s2 =	sadd.s32 s3, s2  }
0x8d: {  	s2 =	sadd.s32 s2, s14  }
0x8e: {  	[smem:$0x3FAE] =	sst s2  }
0x8f: {  	_ = 	snop  }
0x90: {  	s2 =	sld [smem:$0x3FD0];
	_ =	sdelay $0x2  }
0x91: {  	s15 =	simm.s32 $0xA;
	s4 =	simm.s32 $0x10  }
0x92: {  	[smem:s4], [sflag:s15] =	dma.local [hbm:s2], $0x1  }
0x93: {  	_ =	swait.eq [sflag:s15], $0x1  }
0x94: {  	[sflag:s15] =	ssyncset.done $0x0  }
0x95: {  	[sflag:s15] =	ssyncadd.s32 $0xFFFFFFFF  }
0x96: {  	s16 =	sld [smem:$0x11];
	(tm) =	ssettm $0x1  }
0x97: {  	s17 =	sld [smem:$0x3FFB];
	_ =	sdelay $0x3  }
0x98: {  	_ =	strace s17  }
0x99: {  	s3 =	sld [smem:$0x3FFC];
	_ =	sdelay $0x3  }
0x9a: {  	_ =	strace s3  }
0x9b: {  	s3 =	sld [smem:$0x3FFD];
	_ =	sdelay $0x3  }
0x9c: {  	_ =	strace s3  }
0x9d: {  	_ =	strace $0x8FFFFFFF  }
0x9e: {  	s18 =	sld [smem:$0x3FDB];
	_ =	sdelay $0x1  }
0x9f: {  	s19 =	simm.s32 $_scs_section_size  }
0xa0: {  	s5 =	simm.s32 $_size__tile_overlayer_lowered;
	s6 =	simm.s32 $_tile_overlayer_lowered  }
0xa1: {  	s22 =	simm.s32 $0x1BFF;
	s21 =	sshll.u32 s6, $0x1;
	s3 =	sadd.s32 s19, s18  }
0xa2: {  	s7 =	simm.s32 $0x0;
	s20 =	sshll.u32 s5, $0x1;
	s5 =	sadd.s32 s21, s3  }
0xa3: {  	[timem:s7], [sflag:s22] =	dma.local [hbm:s5], s20  }
0xa4: {  	_ =	swait.ge [sflag:s22], s20  }
0xa5: {  	s4 =	ssub.s32 $0x0, s20;
	[sflag:s22] =	ssyncset.done $0x0  }
0xa6: {  	[sflag:s22] =	ssyncadd.s32 s4;
	_ =	sdelay $0x1  }
0xa7: {  	s23 =	simm.s32 $0x1B8B  }
0xa8: {  	_ =	swait.ge [sflag:s23], $0x1  }
0xa9: {  	[sflag:s23] =	ssyncset.done $0x0  }
0xaa: {  	s25 =	simm.s32 $0x1B8E;
	s24 =	sld [smem:$0x3FFE];
	[sflag:s23] =	ssyncadd.s32 $0xFFFFFFFF  }
0xab: {  	s26 =	simm.s32 $execute0_lowered;
	[smem:$0x3FD2] =	sst s25  }
0xac: {  	s5 =	sshll.u32 s26, $0x1;
	_ =	strace $0x80000049;
	[dreg:$0x1] =	wrdreg $0xFFFFFFFF  }
0xad: {  	s28 =	simm.s32 $_size_execute0_lowered;
	s3 =	sadd.s32 s3, s5;
	[dreg:$0x0] =	wrdreg $0x0  }
0xae: {  	s5 =	sshll.u32 s28, $0x1;
	[dreg:$0x2] =	wrdreg s3  }
0xaf: {  	[dreg:$0x3] =	wrdreg s5  }
0xb0: {  	[dreg:$0x4] =	wrdreg $0xC0  }
0xb1: {  	_ =	task [dreg:s7], $0x5FFFF  }
0xb2: {  	[dreg:$0x1] =	wrdreg $0xFFFFFFFF  }
0xb3: {  	[dreg:$0x0] =	wrdreg $0x60  }
0xb4: {  	[dreg:$0x2] =	wrdreg s16  }
0xb5: {  	[dreg:$0x3] =	wrdreg s24  }
0xb6: {  	[dreg:$0x4] =	wrdreg $0x9  }
0xb7: {  	_ =	task.clear_ibuf [dreg:s7], $0x5FFFF;
	_ =	strace $0x90000049  }
0xb8: {  	s29 =	simm.s32 $0x9;
	_ =	strace $0x8000004B  }
0xb9: {  	_ =	swait.ge [sflag:s29], $0x1  }
0xba: {  	[sflag:s29] =	ssyncadd.s32 $0xFFFFFFFF  }
0xbb: {  	_ =	strace $0x9000004B  }
0xbc: {  	_ =	sfence  }
0xbd: {  	s30 =	sld [smem:$0x0];
	_ =	sdelay $0x2  }
0xbe: {  	s31 =	sshll.u32 s1, $0xD;
	s1 =	sshrl.u32 s1, $0x2  }
0xbf: {  	s3 =	sand.u32 $0x4000, s31;
	s1 =	sadd.s32 s1, s30  }
0xc0: {  	s0 =	sor.u32 s3, s0;
	s1 =	sshll.u32 s1, $0x11  }
0xc1: {  	s0 =	sor.u32 s1, s0  }
0xc2: {  	s0 =	sadd.s32 $0x8F2B, s0  }
0xc3: {  	[sflag:s0] =	ssyncadd.remote.s32 $0x1  }
0xc4: {  	_ =	sfence.sel $0xFFFF  }
0xc5: {  	[dreg:$0x0] =	wrdreg $0xFFFFFFFF;
	(pc) =	sbr.abs _section_cstart, $3  }
0xc6: {  	[dreg:$0x1] =	wrdreg $0xFFFFFFFF  }
0xc7: {  	_ =	task.clear_ibuf [dreg:s7], $0x2FFFF;
	_ =	strace $0x9FFFFFFF  }
0xc8: {  	(tm) =	ssettm $0x7FFFFFFF  }
0xc9: {  	_ =	shalt  }
tec
execute0_lowered:
.L_overlay_start_1:
0x0: {  	(tag) =	ssettag $0x1  }
0x1: {  	s0 =	srdreg.scid  }
0x2: {  	s1 =	stileid.u32;
	s0 =	sand.u32 $0x1, s0  }
0x3: {  	s3 =	rddreg [dreg:$0x0];
	s1 =	sshll.u32 s1, $0xC;
	s2 =	sshll.u32 s0, $0xB  }
0x4: {  	s4 =	rddreg [dreg:$0x1];
	s1 =	sor.u32 s2, s1;
	s2 =	simm.s32 $0x0  }
0x5: {  	s26 =	simm.s32 $0x100;
	s5 =	sshrl.u32 s1, $0x3;
	[smem:$0x7FF] =	sst s2  }
0x6: {  	s1 =	sshll.u32 s1, $0x4;
	s5 =	sadd.s32 s5, s4;
	_ =	strace $0x8000004A  }
0x7: {  	s1 =	sadd.s32 s1, s4;
	[dreg:$0x14] =	wrdreg s26;
	s9 =	sadd.s32 $0x7000, s5  }
0x8: {  	s30 =	simm.s32 $0x9;
	s10 =	sadd.s32 $0x9000, s1;
	[dreg:$0x3] =	wrdreg s9  }
0x9: {  	s31 =	simm.s32 $0x180;
	s11 =	sadd.s32 $0x9800, s1;
	[dreg:$0x4] =	wrdreg s10  }
0xa: {  	s8 =	simm.s32 $0xC800;
	s12 =	sadd.s32 $0xA000, s1;
	[dreg:$0x5] =	wrdreg s11  }
0xb: {  	s29 =	simm.s32 $0x200;
	s13 =	sadd.s32 $0xA800, s1;
	[dreg:$0x6] =	wrdreg s12  }
0xc: {  	s28 =	simm.s32 $0x280;
	s14 =	sadd.s32 $0xB000, s1;
	[dreg:$0x7] =	wrdreg s13  }
0xd: {  	s6 =	simm.s32 $0x7;
	s15 =	sadd.s32 $0xB800, s1;
	[dreg:$0x8] =	wrdreg s14  }
0xe: {  	s7 =	simm.s32 $0x8;
	s16 =	sadd.s32 $0xC000, s1;
	[dreg:$0x9] =	wrdreg s15  }
0xf: {  	p0 =	por $0x0, $0x0;
	s17 =	sadd.s32 $0xC800, s1;
	[dreg:$0xa] =	wrdreg s16  }
0x10: {  	s0 =	ssub.s32 $0x2, s0;
	s18 =	sadd.s32 $0xD000, s1;
	[dreg:$0xb] =	wrdreg s17  }
0x11: {  	s24 =	sshrl.u32 s0, $0x1;
	s19 =	sadd.s32 $0xD800, s1;
	[dreg:$0xc] =	wrdreg s18  }
0x12: {  	s0 =	ssub.s32 s0, s24;
	s20 =	sadd.s32 $0xE000, s1;
	[dreg:$0xd] =	wrdreg s19  }
0x13: {  	s24 =	simm.s32 $0x400;
	s21 =	sadd.s32 $0xE800, s1;
	[dreg:$0xe] =	wrdreg s20  }
0x14: {  	s0 =	smax.u32 s0, $0x1;
	s22 =	sadd.s32 $0xF000, s1;
	[dreg:$0xf] =	wrdreg s21  }
0x15: {  	s4 =	simm.s32 $0x5;
	s23 =	sadd.s32 $0xF800, s1;
	[dreg:$0x10] =	wrdreg s22  }
0x16: {  	s26 =	simm.s32 $0x300;
	s25 =	sadd.s32 $0x10000, s1;
	[dreg:$0x11] =	wrdreg s23  }
0x17: {  	s1 =	sadd.s32 $0x10800, s1;
	s5 =	simm.s32 $0x6;
	[dreg:$0x12] =	wrdreg s25  }
0x18: {  	p1 =	sne.s32 s0, $0x1;
	[dreg:$0x13] =	wrdreg s1;
	s13 =	simm.s32 $0x80  }
0x19: {  	s11 =	simm.s32 $0x800;
	s10 =	simm.s32 $0x4800;
	s9 =	simm.s32 $0x8800  }
.Ltmp0:
0x1a: {  	s16 =	simm.s32 $0x1;
	s15 =	simm.s32 $0x2;
	(pc) =	sbr.rel @!p1 .LBB2_3-.Ltmp0, $4  }
0x1b: {  	s14 =	simm.s32 $0x3;
	s12 =	simm.s32 $0x4;
	s25 =	simm.s32 $0x380  }
0x1c: {  	s23 =	simm.s32 $0x480;
	s1 =	sadd.s32 $0xFFFFFFFF, s0;
	s22 =	simm.s32 $0x500  }
0x1d: {  	s21 =	simm.s32 $0x580;
	s20 =	simm.s32 $0x600;
	s19 =	simm.s32 $0x680  }
0x1e: {  	s18 =	simm.s32 $0x700;
	s17 =	simm.s32 $0x780;
	s0 =	rddreg [dreg:$0x3]  }
0x1f: {  	[tilespmem:s2], [sflag:$0x9] =	stream.linear.gather [hbm4b:s0+s2], $0x800, $0x38;
	[tilespmem:$0x10800] =	vst v63  }
0x20: {  	_ =	swait.ge [sflag:s30], $0x800  }
0x21: {  	[sflag:s30] =	ssyncset.done $0x0  }
0x22: {  	[sflag:s30] =	ssyncadd.s32 $0xFFFFF800  }
0x23: {  	[tilespmem:s11], [sflag:$0x1] =	stream.indirect.gather [hbm4b:s3+s13], $0x80, s2, s13, $0xb8;
	[tilespmem:$0x10800] =	vst v63  }
0x24: {  	_ = 	snop  }
0x25: {  	[tilespmem:s10], [sflag:$0x2] =	stream.indirect.gather [hbm4b:s3+s13], $0x80, s13, s13, $0xb8;
	[tilespmem:$0x10800] =	vst v63  }
0x26: {  	s0 =	rddreg [dreg:$0x14]  }
0x27: {  	[tilespmem:s9], [sflag:$0x3] =	stream.indirect.gather [hbm4b:s3+s13], $0x80, s0, s13, $0xb8;
	[tilespmem:$0x10800] =	vst v63  }
0x28: {  	_ = 	snop  }
0x29: {  	[tilespmem:s8], [sflag:$0x4] =	stream.indirect.gather [hbm4b:s3+s13], $0x80, s31, s13, $0xb8;
	[tilespmem:$0x10800] =	vst v63  }
0x2a: {  	_ =	swait.ge [sflag:s16], $0x4000  }
0x2b: {  	[sflag:s16] =	ssyncset.done $0x0  }
0x2c: {  	s0 =	rddreg [dreg:$0x4];
	[sflag:s16] =	ssyncadd.s32 $0xFFFFC000  }
0x2d: {  	[hbm4b:s0+s2] =	stream.linear.scatter [tilespmem:s11], [sflag:$0x5], $0x4000, $0x38;
	[tilespmem:$0x10800] =	vst v63  }
0x2e: {  	_ =	swait.ge [sflag:s4], $0x4000  }
0x2f: {  	[sflag:s4] =	ssyncset.done $0x0  }
0x30: {  	[sflag:s4] =	ssyncadd.s32 $0xFFFFC000  }
0x31: {  	[tilespmem:s11], [sflag:$0x1] =	stream.indirect.gather [hbm4b:s3+s13], $0x80, s29, s13, $0xb8;
	[tilespmem:$0x10800] =	vst v63  }
0x32: {  	_ =	swait.ge [sflag:s15], $0x4000  }
0x33: {  	[sflag:s15] =	ssyncset.done $0x0  }
0x34: {  	s0 =	rddreg [dreg:$0x5];
	[sflag:s15] =	ssyncadd.s32 $0xFFFFC000  }
0x35: {  	[hbm4b:s0+s2] =	stream.linear.scatter [tilespmem:s10], [sflag:$0x6], $0x4000, $0x38;
	[tilespmem:$0x10800] =	vst v63  }
0x36: {  	_ =	swait.ge [sflag:s5], $0x4000  }
0x37: {  	[sflag:s5] =	ssyncset.done $0x0  }
0x38: {  	[sflag:s5] =	ssyncadd.s32 $0xFFFFC000  }
0x39: {  	[tilespmem:s10], [sflag:$0x2] =	stream.indirect.gather [hbm4b:s3+s13], $0x80, s28, s13, $0xb8;
	[tilespmem:$0x10800] =	vst v63  }
0x3a: {  	_ =	swait.ge [sflag:s14], $0x4000  }
0x3b: {  	[sflag:s14] =	ssyncset.done $0x0  }
0x3c: {  	s0 =	rddreg [dreg:$0x6];
	[sflag:s14] =	ssyncadd.s32 $0xFFFFC000  }
0x3d: {  	[hbm4b:s0+s2] =	stream.linear.scatter [tilespmem:s9], [sflag:$0x7], $0x4000, $0x38;
	[tilespmem:$0x10800] =	vst v63  }
0x3e: {  	_ =	swait.ge [sflag:s6], $0x4000  }
0x3f: {  	[sflag:s6] =	ssyncset.done $0x0  }
0x40: {  	[sflag:s6] =	ssyncadd.s32 $0xFFFFC000  }
0x41: {  	[tilespmem:s9], [sflag:$0x3] =	stream.indirect.gather [hbm4b:s3+s13], $0x80, s26, s13, $0xb8;
	[tilespmem:$0x10800] =	vst v63  }
0x42: {  	_ =	swait.ge [sflag:s12], $0x4000  }
0x43: {  	[sflag:s12] =	ssyncset.done $0x0  }
0x44: {  	s0 =	rddreg [dreg:$0x7];
	[sflag:s12] =	ssyncadd.s32 $0xFFFFC000  }
0x45: {  	[hbm4b:s0+s2] =	stream.linear.scatter [tilespmem:s8], [sflag:$0x8], $0x4000, $0x38;
	[tilespmem:$0x10800] =	vst v63  }
0x46: {  	_ =	swait.ge [sflag:s7], $0x4000  }
0x47: {  	[sflag:s7] =	ssyncset.done $0x0  }
0x48: {  	[sflag:s7] =	ssyncadd.s32 $0xFFFFC000  }
0x49: {  	[tilespmem:s8], [sflag:$0x4] =	stream.indirect.gather [hbm4b:s3+s13], $0x80, s25, s13, $0xb8;
	[tilespmem:$0x10800] =	vst v63  }
0x4a: {  	_ =	swait.ge [sflag:s16], $0x4000  }
0x4b: {  	[sflag:s16] =	ssyncset.done $0x0  }
0x4c: {  	s0 =	rddreg [dreg:$0x8];
	[sflag:s16] =	ssyncadd.s32 $0xFFFFC000  }
0x4d: {  	[hbm4b:s0+s2] =	stream.linear.scatter [tilespmem:s11], [sflag:$0x5], $0x4000, $0x38;
	[tilespmem:$0x10800] =	vst v63  }
0x4e: {  	_ =	swait.ge [sflag:s4], $0x4000  }
0x4f: {  	[sflag:s4] =	ssyncset.done $0x0  }
0x50: {  	[sflag:s4] =	ssyncadd.s32 $0xFFFFC000  }
0x51: {  	[tilespmem:s11], [sflag:$0x1] =	stream.indirect.gather [hbm4b:s3+s13], $0x80, s24, s13, $0xb8;
	[tilespmem:$0x10800] =	vst v63  }
0x52: {  	_ =	swait.ge [sflag:s15], $0x4000  }
0x53: {  	[sflag:s15] =	ssyncset.done $0x0  }
0x54: {  	s0 =	rddreg [dreg:$0x9];
	[sflag:s15] =	ssyncadd.s32 $0xFFFFC000  }
0x55: {  	[hbm4b:s0+s2] =	stream.linear.scatter [tilespmem:s10], [sflag:$0x6], $0x4000, $0x38;
	[tilespmem:$0x10800] =	vst v63  }
0x56: {  	_ =	swait.ge [sflag:s5], $0x4000  }
0x57: {  	[sflag:s5] =	ssyncset.done $0x0  }
0x58: {  	[sflag:s5] =	ssyncadd.s32 $0xFFFFC000  }
0x59: {  	[tilespmem:s10], [sflag:$0x2] =	stream.indirect.gather [hbm4b:s3+s13], $0x80, s23, s13, $0xb8;
	[tilespmem:$0x10800] =	vst v63  }
0x5a: {  	_ =	swait.ge [sflag:s14], $0x4000  }
0x5b: {  	[sflag:s14] =	ssyncset.done $0x0  }
0x5c: {  	s0 =	rddreg [dreg:$0xa];
	[sflag:s14] =	ssyncadd.s32 $0xFFFFC000  }
0x5d: {  	[hbm4b:s0+s2] =	stream.linear.scatter [tilespmem:s9], [sflag:$0x7], $0x4000, $0x38;
	[tilespmem:$0x10800] =	vst v63  }
0x5e: {  	_ =	swait.ge [sflag:s6], $0x4000  }
0x5f: {  	[sflag:s6] =	ssyncset.done $0x0  }
0x60: {  	[sflag:s6] =	ssyncadd.s32 $0xFFFFC000  }
0x61: {  	[tilespmem:s9], [sflag:$0x3] =	stream.indirect.gather [hbm4b:s3+s13], $0x80, s22, s13, $0xb8;
	[tilespmem:$0x10800] =	vst v63  }
0x62: {  	_ =	swait.ge [sflag:s12], $0x4000  }
0x63: {  	[sflag:s12] =	ssyncset.done $0x0  }
0x64: {  	s0 =	rddreg [dreg:$0xb];
	[sflag:s12] =	ssyncadd.s32 $0xFFFFC000  }
0x65: {  	[hbm4b:s0+s2] =	stream.linear.scatter [tilespmem:s8], [sflag:$0x8], $0x4000, $0x38;
	[tilespmem:$0x10800] =	vst v63  }
0x66: {  	_ =	swait.ge [sflag:s7], $0x4000  }
0x67: {  	[sflag:s7] =	ssyncset.done $0x0  }
0x68: {  	[sflag:s7] =	ssyncadd.s32 $0xFFFFC000  }
0x69: {  	[tilespmem:s8], [sflag:$0x4] =	stream.indirect.gather [hbm4b:s3+s13], $0x80, s21, s13, $0xb8;
	[tilespmem:$0x10800] =	vst v63  }
0x6a: {  	_ =	swait.ge [sflag:s16], $0x4000  }
0x6b: {  	[sflag:s16] =	ssyncset.done $0x0  }
0x6c: {  	s0 =	rddreg [dreg:$0xc];
	[sflag:s16] =	ssyncadd.s32 $0xFFFFC000  }
0x6d: {  	[hbm4b:s0+s2] =	stream.linear.scatter [tilespmem:s11], [sflag:$0x5], $0x4000, $0x38;
	[tilespmem:$0x10800] =	vst v63  }
0x6e: {  	_ =	swait.ge [sflag:s4], $0x4000  }
0x6f: {  	[sflag:s4] =	ssyncset.done $0x0  }
0x70: {  	[sflag:s4] =	ssyncadd.s32 $0xFFFFC000  }
0x71: {  	[tilespmem:s11], [sflag:$0x1] =	stream.indirect.gather [hbm4b:s3+s13], $0x80, s20, s13, $0xb8;
	[tilespmem:$0x10800] =	vst v63  }
0x72: {  	_ =	swait.ge [sflag:s15], $0x4000  }
0x73: {  	[sflag:s15] =	ssyncset.done $0x0  }
0x74: {  	s0 =	rddreg [dreg:$0xd];
	[sflag:s15] =	ssyncadd.s32 $0xFFFFC000  }
0x75: {  	[hbm4b:s0+s2] =	stream.linear.scatter [tilespmem:s10], [sflag:$0x6], $0x4000, $0x38;
	[tilespmem:$0x10800] =	vst v63  }
0x76: {  	_ =	swait.ge [sflag:s5], $0x4000  }
0x77: {  	[sflag:s5] =	ssyncset.done $0x0  }
0x78: {  	[sflag:s5] =	ssyncadd.s32 $0xFFFFC000  }
0x79: {  	[tilespmem:s10], [sflag:$0x2] =	stream.indirect.gather [hbm4b:s3+s13], $0x80, s19, s13, $0xb8;
	[tilespmem:$0x10800] =	vst v63  }
0x7a: {  	_ =	swait.ge [sflag:s14], $0x4000  }
0x7b: {  	[sflag:s14] =	ssyncset.done $0x0  }
0x7c: {  	s0 =	rddreg [dreg:$0xe];
	[sflag:s14] =	ssyncadd.s32 $0xFFFFC000  }
0x7d: {  	[hbm4b:s0+s2] =	stream.linear.scatter [tilespmem:s9], [sflag:$0x7], $0x4000, $0x38;
	[tilespmem:$0x10800] =	vst v63  }
0x7e: {  	_ =	swait.ge [sflag:s6], $0x4000  }
0x7f: {  	[sflag:s6] =	ssyncset.done $0x0  }
0x80: {  	[sflag:s6] =	ssyncadd.s32 $0xFFFFC000  }
0x81: {  	[tilespmem:s9], [sflag:$0x3] =	stream.indirect.gather [hbm4b:s3+s13], $0x80, s18, s13, $0xb8;
	[tilespmem:$0x10800] =	vst v63  }
0x82: {  	_ =	swait.ge [sflag:s12], $0x4000  }
0x83: {  	[sflag:s12] =	ssyncset.done $0x0  }
0x84: {  	s0 =	rddreg [dreg:$0xf];
	[sflag:s12] =	ssyncadd.s32 $0xFFFFC000  }
0x85: {  	[hbm4b:s0+s2] =	stream.linear.scatter [tilespmem:s8], [sflag:$0x8], $0x4000, $0x38;
	[tilespmem:$0x10800] =	vst v63  }
0x86: {  	_ =	swait.ge [sflag:s7], $0x4000  }
0x87: {  	[sflag:s7] =	ssyncset.done $0x0  }
0x88: {  	[sflag:s7] =	ssyncadd.s32 $0xFFFFC000  }
0x89: {  	[tilespmem:s8], [sflag:$0x4] =	stream.indirect.gather [hbm4b:s3+s13], $0x80, s17, s13, $0xb8;
	[tilespmem:$0x10800] =	vst v63  }
0x8a: {  	_ =	swait.ge [sflag:s16], $0x4000  }
0x8b: {  	[sflag:s16] =	ssyncset.done $0x0  }
0x8c: {  	s0 =	rddreg [dreg:$0x10];
	[sflag:s16] =	ssyncadd.s32 $0xFFFFC000  }
0x8d: {  	[hbm4b:s0+s2] =	stream.linear.scatter [tilespmem:s11], [sflag:$0x5], $0x4000, $0x38;
	[tilespmem:$0x10800] =	vst v63  }
0x8e: {  	_ =	swait.ge [sflag:s15], $0x4000  }
0x8f: {  	[sflag:s15] =	ssyncset.done $0x0  }
0x90: {  	s0 =	rddreg [dreg:$0x11];
	[sflag:s15] =	ssyncadd.s32 $0xFFFFC000  }
0x91: {  	[hbm4b:s0+s2] =	stream.linear.scatter [tilespmem:s10], [sflag:$0x6], $0x4000, $0x38;
	[tilespmem:$0x10800] =	vst v63  }
0x92: {  	_ =	swait.ge [sflag:s14], $0x4000  }
0x93: {  	[sflag:s14] =	ssyncset.done $0x0  }
0x94: {  	s0 =	rddreg [dreg:$0x12];
	[sflag:s14] =	ssyncadd.s32 $0xFFFFC000  }
0x95: {  	[hbm4b:s0+s2] =	stream.linear.scatter [tilespmem:s9], [sflag:$0x7], $0x4000, $0x38;
	[tilespmem:$0x10800] =	vst v63  }
0x96: {  	_ =	swait.ge [sflag:s12], $0x4000  }
0x97: {  	[sflag:s12] =	ssyncset.done $0x0  }
0x98: {  	s0 =	rddreg [dreg:$0x13];
	[sflag:s12] =	ssyncadd.s32 $0xFFFFC000  }
0x99: {  	[hbm4b:s0+s2] =	stream.linear.scatter [tilespmem:s8], [sflag:$0x8], $0x4000, $0x38;
	[tilespmem:$0x10800] =	vst v63  }
0x9a: {  	_ =	swait.ge [sflag:s4], $0x4000  }
0x9b: {  	[sflag:s4] =	ssyncset.done $0x0  }
0x9c: {  	[sflag:s4] =	ssyncadd.s32 $0xFFFFC000  }
0x9d: {  	_ =	swait.ge [sflag:s5], $0x4000  }
0x9e: {  	[sflag:s5] =	ssyncset.done $0x0  }
0x9f: {  	p1 =	sne.s32 s1, $0x1;
	[sflag:s5] =	ssyncadd.s32 $0xFFFFC000  }
.Ltmp1:
0xa0: {  	_ =	swait.ge [sflag:s6], $0x4000;
	(pc) =	sbr.rel @!p1 .LBB2_3-.Ltmp1, $4  }
0xa1: {  	[sflag:s6] =	ssyncset.done $0x0  }
0xa2: {  	[sflag:s6] =	ssyncadd.s32 $0xFFFFC000  }
0xa3: {  	s1 =	sadd.s32 $0xFFFFFFFF, s1;
	_ =	swait.ge [sflag:s7], $0x4000  }
0xa4: {  	p0 =	por $0x1, $0x1;
	s0 =	rddreg [dreg:$0x3];
	[sflag:s7] =	ssyncset.done $0x0  }
.LBB2_2:
0xa5: {  	[sflag:s7] =	ssyncadd.s32 $0xFFFFC000  }
0xa6: {  	[tilespmem:s2], [sflag:$0x9] =	stream.linear.gather [hbm4b:s0+s2], $0x800, $0x38;
	[tilespmem:$0x10800] =	vst v63  }
0xa7: {  	_ =	swait.ge [sflag:s30], $0x800  }
0xa8: {  	[sflag:s30] =	ssyncset.done $0x0  }
0xa9: {  	[sflag:s30] =	ssyncadd.s32 $0xFFFFF800  }
0xaa: {  	[tilespmem:s11], [sflag:$0x1] =	stream.indirect.gather [hbm4b:s3+s13], $0x80, s2, s13, $0xb8;
	[tilespmem:$0x10800] =	vst v63  }
0xab: {  	_ = 	snop  }
0xac: {  	[tilespmem:s10], [sflag:$0x2] =	stream.indirect.gather [hbm4b:s3+s13], $0x80, s13, s13, $0xb8;
	[tilespmem:$0x10800] =	vst v63  }
0xad: {  	s0 =	rddreg [dreg:$0x14]  }
0xae: {  	[tilespmem:s9], [sflag:$0x3] =	stream.indirect.gather [hbm4b:s3+s13], $0x80, s0, s13, $0xb8;
	[tilespmem:$0x10800] =	vst v63  }
0xaf: {  	_ = 	snop  }
0xb0: {  	[tilespmem:s8], [sflag:$0x4] =	stream.indirect.gather [hbm4b:s3+s13], $0x80, s31, s13, $0xb8;
	[tilespmem:$0x10800] =	vst v63  }
0xb1: {  	_ =	swait.ge [sflag:s16], $0x4000  }
0xb2: {  	[sflag:s16] =	ssyncset.done $0x0  }
0xb3: {  	s0 =	rddreg [dreg:$0x4];
	[sflag:s16] =	ssyncadd.s32 $0xFFFFC000  }
0xb4: {  	[hbm4b:s0+s2] =	stream.linear.scatter [tilespmem:s11], [sflag:$0x5], $0x4000, $0x38;
	[tilespmem:$0x10800] =	vst v63  }
0xb5: {  	_ =	swait.ge [sflag:s4], $0x4000  }
0xb6: {  	[sflag:s4] =	ssyncset.done $0x0  }
0xb7: {  	[sflag:s4] =	ssyncadd.s32 $0xFFFFC000  }
0xb8: {  	[tilespmem:s11], [sflag:$0x1] =	stream.indirect.gather [hbm4b:s3+s13], $0x80, s29, s13, $0xb8;
	[tilespmem:$0x10800] =	vst v63  }
0xb9: {  	_ =	swait.ge [sflag:s15], $0x4000  }
0xba: {  	[sflag:s15] =	ssyncset.done $0x0  }
0xbb: {  	s0 =	rddreg [dreg:$0x5];
	[sflag:s15] =	ssyncadd.s32 $0xFFFFC000  }
0xbc: {  	[hbm4b:s0+s2] =	stream.linear.scatter [tilespmem:s10], [sflag:$0x6], $0x4000, $0x38;
	[tilespmem:$0x10800] =	vst v63  }
0xbd: {  	_ =	swait.ge [sflag:s5], $0x4000  }
0xbe: {  	[sflag:s5] =	ssyncset.done $0x0  }
0xbf: {  	[sflag:s5] =	ssyncadd.s32 $0xFFFFC000  }
0xc0: {  	[tilespmem:s10], [sflag:$0x2] =	stream.indirect.gather [hbm4b:s3+s13], $0x80, s28, s13, $0xb8;
	[tilespmem:$0x10800] =	vst v63  }
0xc1: {  	_ =	swait.ge [sflag:s14], $0x4000  }
0xc2: {  	[sflag:s14] =	ssyncset.done $0x0  }
0xc3: {  	s0 =	rddreg [dreg:$0x6];
	[sflag:s14] =	ssyncadd.s32 $0xFFFFC000  }
0xc4: {  	[hbm4b:s0+s2] =	stream.linear.scatter [tilespmem:s9], [sflag:$0x7], $0x4000, $0x38;
	[tilespmem:$0x10800] =	vst v63  }
0xc5: {  	_ =	swait.ge [sflag:s6], $0x4000  }
0xc6: {  	[sflag:s6] =	ssyncset.done $0x0  }
0xc7: {  	[sflag:s6] =	ssyncadd.s32 $0xFFFFC000  }
0xc8: {  	[tilespmem:s9], [sflag:$0x3] =	stream.indirect.gather [hbm4b:s3+s13], $0x80, s26, s13, $0xb8;
	[tilespmem:$0x10800] =	vst v63  }
0xc9: {  	_ =	swait.ge [sflag:s12], $0x4000  }
0xca: {  	[sflag:s12] =	ssyncset.done $0x0  }
0xcb: {  	s0 =	rddreg [dreg:$0x7];
	[sflag:s12] =	ssyncadd.s32 $0xFFFFC000  }
0xcc: {  	[hbm4b:s0+s2] =	stream.linear.scatter [tilespmem:s8], [sflag:$0x8], $0x4000, $0x38;
	[tilespmem:$0x10800] =	vst v63  }
0xcd: {  	_ =	swait.ge [sflag:s7], $0x4000  }
0xce: {  	[sflag:s7] =	ssyncset.done $0x0  }
0xcf: {  	[sflag:s7] =	ssyncadd.s32 $0xFFFFC000  }
0xd0: {  	[tilespmem:s8], [sflag:$0x4] =	stream.indirect.gather [hbm4b:s3+s13], $0x80, s25, s13, $0xb8;
	[tilespmem:$0x10800] =	vst v63  }
0xd1: {  	_ =	swait.ge [sflag:s16], $0x4000  }
0xd2: {  	[sflag:s16] =	ssyncset.done $0x0  }
0xd3: {  	s0 =	rddreg [dreg:$0x8];
	[sflag:s16] =	ssyncadd.s32 $0xFFFFC000  }
0xd4: {  	[hbm4b:s0+s2] =	stream.linear.scatter [tilespmem:s11], [sflag:$0x5], $0x4000, $0x38;
	[tilespmem:$0x10800] =	vst v63  }
0xd5: {  	_ =	swait.ge [sflag:s4], $0x4000  }
0xd6: {  	[sflag:s4] =	ssyncset.done $0x0  }
0xd7: {  	[sflag:s4] =	ssyncadd.s32 $0xFFFFC000  }
0xd8: {  	[tilespmem:s11], [sflag:$0x1] =	stream.indirect.gather [hbm4b:s3+s13], $0x80, s24, s13, $0xb8;
	[tilespmem:$0x10800] =	vst v63  }
0xd9: {  	_ =	swait.ge [sflag:s15], $0x4000  }
0xda: {  	[sflag:s15] =	ssyncset.done $0x0  }
0xdb: {  	s0 =	rddreg [dreg:$0x9];
	[sflag:s15] =	ssyncadd.s32 $0xFFFFC000  }
0xdc: {  	[hbm4b:s0+s2] =	stream.linear.scatter [tilespmem:s10], [sflag:$0x6], $0x4000, $0x38;
	[tilespmem:$0x10800] =	vst v63  }
0xdd: {  	_ =	swait.ge [sflag:s5], $0x4000  }
0xde: {  	[sflag:s5] =	ssyncset.done $0x0  }
0xdf: {  	[sflag:s5] =	ssyncadd.s32 $0xFFFFC000  }
0xe0: {  	[tilespmem:s10], [sflag:$0x2] =	stream.indirect.gather [hbm4b:s3+s13], $0x80, s23, s13, $0xb8;
	[tilespmem:$0x10800] =	vst v63  }
0xe1: {  	_ =	swait.ge [sflag:s14], $0x4000  }
0xe2: {  	[sflag:s14] =	ssyncset.done $0x0  }
0xe3: {  	s0 =	rddreg [dreg:$0xa];
	[sflag:s14] =	ssyncadd.s32 $0xFFFFC000  }
0xe4: {  	[hbm4b:s0+s2] =	stream.linear.scatter [tilespmem:s9], [sflag:$0x7], $0x4000, $0x38;
	[tilespmem:$0x10800] =	vst v63  }
0xe5: {  	_ =	swait.ge [sflag:s6], $0x4000  }
0xe6: {  	[sflag:s6] =	ssyncset.done $0x0  }
0xe7: {  	[sflag:s6] =	ssyncadd.s32 $0xFFFFC000  }
0xe8: {  	[tilespmem:s9], [sflag:$0x3] =	stream.indirect.gather [hbm4b:s3+s13], $0x80, s22, s13, $0xb8;
	[tilespmem:$0x10800] =	vst v63  }
0xe9: {  	_ =	swait.ge [sflag:s12], $0x4000  }
0xea: {  	[sflag:s12] =	ssyncset.done $0x0  }
0xeb: {  	s0 =	rddreg [dreg:$0xb];
	[sflag:s12] =	ssyncadd.s32 $0xFFFFC000  }
0xec: {  	[hbm4b:s0+s2] =	stream.linear.scatter [tilespmem:s8], [sflag:$0x8], $0x4000, $0x38;
	[tilespmem:$0x10800] =	vst v63  }
0xed: {  	_ =	swait.ge [sflag:s7], $0x4000  }
0xee: {  	[sflag:s7] =	ssyncset.done $0x0  }
0xef: {  	[sflag:s7] =	ssyncadd.s32 $0xFFFFC000  }
0xf0: {  	[tilespmem:s8], [sflag:$0x4] =	stream.indirect.gather [hbm4b:s3+s13], $0x80, s21, s13, $0xb8;
	[tilespmem:$0x10800] =	vst v63  }
0xf1: {  	_ =	swait.ge [sflag:s16], $0x4000  }
0xf2: {  	[sflag:s16] =	ssyncset.done $0x0  }
0xf3: {  	s0 =	rddreg [dreg:$0xc];
	[sflag:s16] =	ssyncadd.s32 $0xFFFFC000  }
0xf4: {  	[hbm4b:s0+s2] =	stream.linear.scatter [tilespmem:s11], [sflag:$0x5], $0x4000, $0x38;
	[tilespmem:$0x10800] =	vst v63  }
0xf5: {  	_ =	swait.ge [sflag:s4], $0x4000  }
0xf6: {  	[sflag:s4] =	ssyncset.done $0x0  }
0xf7: {  	[sflag:s4] =	ssyncadd.s32 $0xFFFFC000  }
0xf8: {  	[tilespmem:s11], [sflag:$0x1] =	stream.indirect.gather [hbm4b:s3+s13], $0x80, s20, s13, $0xb8;
	[tilespmem:$0x10800] =	vst v63  }
0xf9: {  	_ =	swait.ge [sflag:s15], $0x4000  }
0xfa: {  	[sflag:s15] =	ssyncset.done $0x0  }
0xfb: {  	s0 =	rddreg [dreg:$0xd];
	[sflag:s15] =	ssyncadd.s32 $0xFFFFC000  }
0xfc: {  	[hbm4b:s0+s2] =	stream.linear.scatter [tilespmem:s10], [sflag:$0x6], $0x4000, $0x38;
	[tilespmem:$0x10800] =	vst v63  }
0xfd: {  	_ =	swait.ge [sflag:s5], $0x4000  }
0xfe: {  	[sflag:s5] =	ssyncset.done $0x0  }
0xff: {  	[sflag:s5] =	ssyncadd.s32 $0xFFFFC000  }
0x100: {  	[tilespmem:s10], [sflag:$0x2] =	stream.indirect.gather [hbm4b:s3+s13], $0x80, s19, s13, $0xb8;
	[tilespmem:$0x10800] =	vst v63  }
0x101: {  	_ =	swait.ge [sflag:s14], $0x4000  }
0x102: {  	[sflag:s14] =	ssyncset.done $0x0  }
0x103: {  	s0 =	rddreg [dreg:$0xe];
	[sflag:s14] =	ssyncadd.s32 $0xFFFFC000  }
0x104: {  	[hbm4b:s0+s2] =	stream.linear.scatter [tilespmem:s9], [sflag:$0x7], $0x4000, $0x38;
	[tilespmem:$0x10800] =	vst v63  }
0x105: {  	_ =	swait.ge [sflag:s6], $0x4000  }
0x106: {  	[sflag:s6] =	ssyncset.done $0x0  }
0x107: {  	[sflag:s6] =	ssyncadd.s32 $0xFFFFC000  }
0x108: {  	[tilespmem:s9], [sflag:$0x3] =	stream.indirect.gather [hbm4b:s3+s13], $0x80, s18, s13, $0xb8;
	[tilespmem:$0x10800] =	vst v63  }
0x109: {  	_ =	swait.ge [sflag:s12], $0x4000  }
0x10a: {  	[sflag:s12] =	ssyncset.done $0x0  }
0x10b: {  	s0 =	rddreg [dreg:$0xf];
	[sflag:s12] =	ssyncadd.s32 $0xFFFFC000  }
0x10c: {  	[hbm4b:s0+s2] =	stream.linear.scatter [tilespmem:s8], [sflag:$0x8], $0x4000, $0x38;
	[tilespmem:$0x10800] =	vst v63  }
0x10d: {  	_ =	swait.ge [sflag:s7], $0x4000  }
0x10e: {  	[sflag:s7] =	ssyncset.done $0x0  }
0x10f: {  	[sflag:s7] =	ssyncadd.s32 $0xFFFFC000  }
0x110: {  	[tilespmem:s8], [sflag:$0x4] =	stream.indirect.gather [hbm4b:s3+s13], $0x80, s17, s13, $0xb8;
	[tilespmem:$0x10800] =	vst v63  }
0x111: {  	_ =	swait.ge [sflag:s16], $0x4000  }
0x112: {  	[sflag:s16] =	ssyncset.done $0x0  }
0x113: {  	s0 =	rddreg [dreg:$0x10];
	[sflag:s16] =	ssyncadd.s32 $0xFFFFC000  }
0x114: {  	[hbm4b:s0+s2] =	stream.linear.scatter [tilespmem:s11], [sflag:$0x5], $0x4000, $0x38;
	[tilespmem:$0x10800] =	vst v63  }
0x115: {  	_ =	swait.ge [sflag:s15], $0x4000  }
0x116: {  	[sflag:s15] =	ssyncset.done $0x0  }
0x117: {  	s0 =	rddreg [dreg:$0x11];
	[sflag:s15] =	ssyncadd.s32 $0xFFFFC000  }
0x118: {  	[hbm4b:s0+s2] =	stream.linear.scatter [tilespmem:s10], [sflag:$0x6], $0x4000, $0x38;
	[tilespmem:$0x10800] =	vst v63  }
0x119: {  	_ =	swait.ge [sflag:s14], $0x4000  }
0x11a: {  	[sflag:s14] =	ssyncset.done $0x0  }
0x11b: {  	s0 =	rddreg [dreg:$0x12];
	[sflag:s14] =	ssyncadd.s32 $0xFFFFC000  }
0x11c: {  	[hbm4b:s0+s2] =	stream.linear.scatter [tilespmem:s9], [sflag:$0x7], $0x4000, $0x38;
	[tilespmem:$0x10800] =	vst v63  }
0x11d: {  	_ =	swait.ge [sflag:s12], $0x4000  }
0x11e: {  	[sflag:s12] =	ssyncset.done $0x0  }
0x11f: {  	s0 =	rddreg [dreg:$0x13];
	[sflag:s12] =	ssyncadd.s32 $0xFFFFC000  }
0x120: {  	[hbm4b:s0+s2] =	stream.linear.scatter [tilespmem:s8], [sflag:$0x8], $0x4000, $0x38;
	[tilespmem:$0x10800] =	vst v63  }
0x121: {  	_ =	swait.ge [sflag:s4], $0x4000  }
0x122: {  	[sflag:s4] =	ssyncset.done $0x0  }
0x123: {  	[sflag:s4] =	ssyncadd.s32 $0xFFFFC000  }
0x124: {  	_ =	swait.ge [sflag:s5], $0x4000  }
0x125: {  	[sflag:s5] =	ssyncset.done $0x0  }
0x126: {  	p1 =	sne.s32 s1, $0x1;
	[sflag:s5] =	ssyncadd.s32 $0xFFFFC000  }
.Ltmp2:
0x127: {  	_ =	swait.ge [sflag:s6], $0x4000;
	(pc) =	sbr.rel @p1 .LBB2_2-.Ltmp2, $4  }
0x128: {  	[sflag:s6] =	ssyncset.done $0x0  }
0x129: {  	[sflag:s6] =	ssyncadd.s32 $0xFFFFC000  }
0x12a: {  	_ =	swait.ge [sflag:s7], $0x4000  }
0x12b: {  	s1 =	sadd.s32 $0xFFFFFFFF, s1;
	s0 =	rddreg [dreg:$0x3];
	[sflag:s7] =	ssyncset.done $0x0  }
.LBB2_3:
0x12c: {  	[sflag:s7] =	ssyncadd.s32 @p0 $0xFFFFC000  }
0x12d: {  	[tilespmem:s2], [sflag:$0x9] =	stream.linear.gather [hbm4b:s0+s2], $0x800, $0x38;
	[tilespmem:$0x10800] =	vst v63  }
0x12e: {  	_ =	swait.ge [sflag:s30], $0x800  }
0x12f: {  	[sflag:s30] =	ssyncset.done $0x0  }
0x130: {  	[sflag:s30] =	ssyncadd.s32 $0xFFFFF800  }
0x131: {  	[tilespmem:s11], [sflag:$0x1] =	stream.indirect.gather [hbm4b:s3+s13], $0x80, s2, s13, $0xb8;
	[tilespmem:$0x10800] =	vst v63  }
0x132: {  	_ = 	snop  }
0x133: {  	[tilespmem:s10], [sflag:$0x2] =	stream.indirect.gather [hbm4b:s3+s13], $0x80, s13, s13, $0xb8;
	[tilespmem:$0x10800] =	vst v63  }
0x134: {  	s1 =	rddreg [dreg:$0x14]  }
0x135: {  	[tilespmem:s9], [sflag:$0x3] =	stream.indirect.gather [hbm4b:s3+s13], $0x80, s1, s13, $0xb8;
	[tilespmem:$0x10800] =	vst v63  }
0x136: {  	_ = 	snop  }
0x137: {  	[tilespmem:s8], [sflag:$0x4] =	stream.indirect.gather [hbm4b:s3+s13], $0x80, s31, s13, $0xb8;
	[tilespmem:$0x10800] =	vst v63  }
0x138: {  	_ =	swait.ge [sflag:s16], $0x4000  }
0x139: {  	[sflag:s16] =	ssyncset.done $0x0  }
0x13a: {  	s30 =	rddreg [dreg:$0x4];
	[sflag:s16] =	ssyncadd.s32 $0xFFFFC000  }
0x13b: {  	[hbm4b:s30+s2] =	stream.linear.scatter [tilespmem:s11], [sflag:$0x5], $0x4000, $0x38;
	[tilespmem:$0x10800] =	vst v63  }
0x13c: {  	_ =	swait.ge [sflag:s4], $0x4000  }
0x13d: {  	[sflag:s4] =	ssyncset.done $0x0  }
0x13e: {  	[sflag:s4] =	ssyncadd.s32 $0xFFFFC000  }
0x13f: {  	[tilespmem:s11], [sflag:$0x1] =	stream.indirect.gather [hbm4b:s3+s13], $0x80, s29, s13, $0xb8;
	[tilespmem:$0x10800] =	vst v63  }
0x140: {  	_ =	swait.ge [sflag:s15], $0x4000  }
0x141: {  	[sflag:s15] =	ssyncset.done $0x0  }
0x142: {  	s31 =	rddreg [dreg:$0x5];
	[sflag:s15] =	ssyncadd.s32 $0xFFFFC000  }
0x143: {  	[hbm4b:s31+s2] =	stream.linear.scatter [tilespmem:s10], [sflag:$0x6], $0x4000, $0x38;
	[tilespmem:$0x10800] =	vst v63  }
0x144: {  	_ =	swait.ge [sflag:s5], $0x4000  }
0x145: {  	[sflag:s5] =	ssyncset.done $0x0  }
0x146: {  	[sflag:s5] =	ssyncadd.s32 $0xFFFFC000  }
0x147: {  	[tilespmem:s10], [sflag:$0x2] =	stream.indirect.gather [hbm4b:s3+s13], $0x80, s28, s13, $0xb8;
	[tilespmem:$0x10800] =	vst v63  }
0x148: {  	_ =	swait.ge [sflag:s14], $0x4000  }
0x149: {  	[sflag:s14] =	ssyncset.done $0x0  }
0x14a: {  	s1 =	rddreg [dreg:$0x6];
	[sflag:s14] =	ssyncadd.s32 $0xFFFFC000  }
0x14b: {  	[hbm4b:s1+s2] =	stream.linear.scatter [tilespmem:s9], [sflag:$0x7], $0x4000, $0x38;
	[tilespmem:$0x10800] =	vst v63  }
0x14c: {  	_ =	swait.ge [sflag:s6], $0x4000  }
0x14d: {  	[sflag:s6] =	ssyncset.done $0x0  }
0x14e: {  	[sflag:s6] =	ssyncadd.s32 $0xFFFFC000  }
0x14f: {  	[tilespmem:s9], [sflag:$0x3] =	stream.indirect.gather [hbm4b:s3+s13], $0x80, s26, s13, $0xb8;
	[tilespmem:$0x10800] =	vst v63  }
0x150: {  	_ =	swait.ge [sflag:s12], $0x4000  }
0x151: {  	[sflag:s12] =	ssyncset.done $0x0  }
0x152: {  	s28 =	rddreg [dreg:$0x7];
	[sflag:s12] =	ssyncadd.s32 $0xFFFFC000  }
0x153: {  	[hbm4b:s28+s2] =	stream.linear.scatter [tilespmem:s8], [sflag:$0x8], $0x4000, $0x38;
	[tilespmem:$0x10800] =	vst v63  }
0x154: {  	_ =	swait.ge [sflag:s7], $0x4000  }
0x155: {  	[sflag:s7] =	ssyncset.done $0x0  }
0x156: {  	[sflag:s7] =	ssyncadd.s32 $0xFFFFC000  }
0x157: {  	[tilespmem:s8], [sflag:$0x4] =	stream.indirect.gather [hbm4b:s3+s13], $0x80, s25, s13, $0xb8;
	[tilespmem:$0x10800] =	vst v63  }
0x158: {  	_ =	swait.ge [sflag:s16], $0x4000  }
0x159: {  	[sflag:s16] =	ssyncset.done $0x0  }
0x15a: {  	s29 =	rddreg [dreg:$0x8];
	[sflag:s16] =	ssyncadd.s32 $0xFFFFC000  }
0x15b: {  	[hbm4b:s29+s2] =	stream.linear.scatter [tilespmem:s11], [sflag:$0x5], $0x4000, $0x38;
	[tilespmem:$0x10800] =	vst v63  }
0x15c: {  	_ =	swait.ge [sflag:s4], $0x4000  }
0x15d: {  	[sflag:s4] =	ssyncset.done $0x0  }
0x15e: {  	[sflag:s4] =	ssyncadd.s32 $0xFFFFC000  }
0x15f: {  	[tilespmem:s11], [sflag:$0x1] =	stream.indirect.gather [hbm4b:s3+s13], $0x80, s24, s13, $0xb8;
	[tilespmem:$0x10800] =	vst v63  }
0x160: {  	_ =	swait.ge [sflag:s15], $0x4000  }
0x161: {  	[sflag:s15] =	ssyncset.done $0x0  }
0x162: {  	s30 =	rddreg [dreg:$0x9];
	[sflag:s15] =	ssyncadd.s32 $0xFFFFC000  }
0x163: {  	[hbm4b:s30+s2] =	stream.linear.scatter [tilespmem:s10], [sflag:$0x6], $0x4000, $0x38;
	[tilespmem:$0x10800] =	vst v63  }
0x164: {  	_ =	swait.ge [sflag:s5], $0x4000  }
0x165: {  	[sflag:s5] =	ssyncset.done $0x0  }
0x166: {  	[sflag:s5] =	ssyncadd.s32 $0xFFFFC000  }
0x167: {  	[tilespmem:s10], [sflag:$0x2] =	stream.indirect.gather [hbm4b:s3+s13], $0x80, s23, s13, $0xb8;
	[tilespmem:$0x10800] =	vst v63  }
0x168: {  	_ =	swait.ge [sflag:s14], $0x4000  }
0x169: {  	[sflag:s14] =	ssyncset.done $0x0  }
0x16a: {  	s31 =	rddreg [dreg:$0xa];
	[sflag:s14] =	ssyncadd.s32 $0xFFFFC000  }
0x16b: {  	[hbm4b:s31+s2] =	stream.linear.scatter [tilespmem:s9], [sflag:$0x7], $0x4000, $0x38;
	[tilespmem:$0x10800] =	vst v63  }
0x16c: {  	_ =	swait.ge [sflag:s6], $0x4000  }
0x16d: {  	[sflag:s6] =	ssyncset.done $0x0  }
0x16e: {  	[sflag:s6] =	ssyncadd.s32 $0xFFFFC000  }
0x16f: {  	[tilespmem:s9], [sflag:$0x3] =	stream.indirect.gather [hbm4b:s3+s13], $0x80, s22, s13, $0xb8;
	[tilespmem:$0x10800] =	vst v63  }
0x170: {  	_ =	swait.ge [sflag:s12], $0x4000  }
0x171: {  	[sflag:s12] =	ssyncset.done $0x0  }
0x172: {  	s1 =	rddreg [dreg:$0xb];
	[sflag:s12] =	ssyncadd.s32 $0xFFFFC000  }
0x173: {  	[hbm4b:s1+s2] =	stream.linear.scatter [tilespmem:s8], [sflag:$0x8], $0x4000, $0x38;
	[tilespmem:$0x10800] =	vst v63  }
0x174: {  	_ =	swait.ge [sflag:s7], $0x4000  }
0x175: {  	[sflag:s7] =	ssyncset.done $0x0  }
0x176: {  	[sflag:s7] =	ssyncadd.s32 $0xFFFFC000  }
0x177: {  	[tilespmem:s8], [sflag:$0x4] =	stream.indirect.gather [hbm4b:s3+s13], $0x80, s21, s13, $0xb8;
	[tilespmem:$0x10800] =	vst v63  }
0x178: {  	_ =	swait.ge [sflag:s16], $0x4000  }
0x179: {  	[sflag:s16] =	ssyncset.done $0x0  }
0x17a: {  	s22 =	rddreg [dreg:$0xc];
	[sflag:s16] =	ssyncadd.s32 $0xFFFFC000  }
0x17b: {  	[hbm4b:s22+s2] =	stream.linear.scatter [tilespmem:s11], [sflag:$0x5], $0x4000, $0x38;
	[tilespmem:$0x10800] =	vst v63  }
0x17c: {  	_ =	swait.ge [sflag:s4], $0x4000  }
0x17d: {  	[sflag:s4] =	ssyncset.done $0x0  }
0x17e: {  	[sflag:s4] =	ssyncadd.s32 $0xFFFFC000  }
0x17f: {  	[tilespmem:s11], [sflag:$0x1] =	stream.indirect.gather [hbm4b:s3+s13], $0x80, s20, s13, $0xb8;
	[tilespmem:$0x10800] =	vst v63  }
0x180: {  	_ =	swait.ge [sflag:s15], $0x4000  }
0x181: {  	[sflag:s15] =	ssyncset.done $0x0  }
0x182: {  	s23 =	rddreg [dreg:$0xd];
	[sflag:s15] =	ssyncadd.s32 $0xFFFFC000  }
0x183: {  	[hbm4b:s23+s2] =	stream.linear.scatter [tilespmem:s10], [sflag:$0x6], $0x4000, $0x38;
	[tilespmem:$0x10800] =	vst v63  }
0x184: {  	_ =	swait.ge [sflag:s5], $0x4000  }
0x185: {  	[sflag:s5] =	ssyncset.done $0x0  }
0x186: {  	[sflag:s5] =	ssyncadd.s32 $0xFFFFC000  }
0x187: {  	[tilespmem:s10], [sflag:$0x2] =	stream.indirect.gather [hbm4b:s3+s13], $0x80, s19, s13, $0xb8;
	[tilespmem:$0x10800] =	vst v63  }
0x188: {  	_ =	swait.ge [sflag:s14], $0x4000  }
0x189: {  	[sflag:s14] =	ssyncset.done $0x0  }
0x18a: {  	s24 =	rddreg [dreg:$0xe];
	[sflag:s14] =	ssyncadd.s32 $0xFFFFC000  }
0x18b: {  	[hbm4b:s24+s2] =	stream.linear.scatter [tilespmem:s9], [sflag:$0x7], $0x4000, $0x38;
	[tilespmem:$0x10800] =	vst v63  }
0x18c: {  	_ =	swait.ge [sflag:s6], $0x4000  }
0x18d: {  	[sflag:s6] =	ssyncset.done $0x0  }
0x18e: {  	[sflag:s6] =	ssyncadd.s32 $0xFFFFC000  }
0x18f: {  	[tilespmem:s9], [sflag:$0x3] =	stream.indirect.gather [hbm4b:s3+s13], $0x80, s18, s13, $0xb8;
	[tilespmem:$0x10800] =	vst v63  }
0x190: {  	_ =	swait.ge [sflag:s12], $0x4000  }
0x191: {  	[sflag:s12] =	ssyncset.done $0x0  }
0x192: {  	s25 =	rddreg [dreg:$0xf];
	[sflag:s12] =	ssyncadd.s32 $0xFFFFC000  }
0x193: {  	[hbm4b:s25+s2] =	stream.linear.scatter [tilespmem:s8], [sflag:$0x8], $0x4000, $0x38;
	[tilespmem:$0x10800] =	vst v63  }
0x194: {  	_ =	swait.ge [sflag:s7], $0x4000  }
0x195: {  	[sflag:s7] =	ssyncset.done $0x0  }
0x196: {  	[sflag:s7] =	ssyncadd.s32 $0xFFFFC000  }
0x197: {  	[tilespmem:s8], [sflag:$0x4] =	stream.indirect.gather [hbm4b:s3+s13], $0x80, s17, s13, $0xb8;
	[tilespmem:$0x10800] =	vst v63  }
0x198: {  	_ =	swait.ge [sflag:s16], $0x4000  }
0x199: {  	[sflag:s16] =	ssyncset.done $0x0  }
0x19a: {  	s26 =	rddreg [dreg:$0x10];
	[sflag:s16] =	ssyncadd.s32 $0xFFFFC000  }
0x19b: {  	[hbm4b:s26+s2] =	stream.linear.scatter [tilespmem:s11], [sflag:$0x5], $0x4000, $0x38;
	[tilespmem:$0x10800] =	vst v63  }
0x19c: {  	_ =	swait.ge [sflag:s15], $0x4000  }
0x19d: {  	[sflag:s15] =	ssyncset.done $0x0  }
0x19e: {  	s28 =	rddreg [dreg:$0x11];
	[sflag:s15] =	ssyncadd.s32 $0xFFFFC000  }
0x19f: {  	[hbm4b:s28+s2] =	stream.linear.scatter [tilespmem:s10], [sflag:$0x6], $0x4000, $0x38;
	[tilespmem:$0x10800] =	vst v63  }
0x1a0: {  	_ =	swait.ge [sflag:s14], $0x4000  }
0x1a1: {  	[sflag:s14] =	ssyncset.done $0x0  }
0x1a2: {  	s29 =	rddreg [dreg:$0x12];
	[sflag:s14] =	ssyncadd.s32 $0xFFFFC000  }
0x1a3: {  	[hbm4b:s29+s2] =	stream.linear.scatter [tilespmem:s9], [sflag:$0x7], $0x4000, $0x38;
	[tilespmem:$0x10800] =	vst v63  }
0x1a4: {  	_ =	swait.ge [sflag:s12], $0x4000  }
0x1a5: {  	[sflag:s12] =	ssyncset.done $0x0  }
0x1a6: {  	s30 =	rddreg [dreg:$0x13];
	[sflag:s12] =	ssyncadd.s32 $0xFFFFC000  }
0x1a7: {  	[hbm4b:s30+s2] =	stream.linear.scatter [tilespmem:s8], [sflag:$0x8], $0x4000, $0x38;
	[tilespmem:$0x10800] =	vst v63  }
0x1a8: {  	_ =	swait.ge [sflag:s4], $0x4000  }
0x1a9: {  	[sflag:s4] =	ssyncset.done $0x0  }
0x1aa: {  	[sflag:s4] =	ssyncadd.s32 $0xFFFFC000  }
0x1ab: {  	_ =	swait.ge [sflag:s5], $0x4000  }
0x1ac: {  	[sflag:s5] =	ssyncset.done $0x0  }
0x1ad: {  	[sflag:s5] =	ssyncadd.s32 $0xFFFFC000  }
0x1ae: {  	_ =	swait.ge [sflag:s6], $0x4000  }
0x1af: {  	[sflag:s6] =	ssyncset.done $0x0  }
0x1b0: {  	[sflag:s6] =	ssyncadd.s32 $0xFFFFC000  }
0x1b1: {  	_ =	swait.ge [sflag:s7], $0x4000  }
0x1b2: {  	[sflag:s7] =	ssyncset.done $0x0  }
0x1b3: {  	[sflag:s7] =	ssyncadd.s32 $0xFFFFC000  }
0x1b4: {  	_ =	sfence.sel $0x180000  }
0x1b5: {  	[bflag:$0x0] =	sbarrier.arrive $0xFFFF  }
0x1b6: {  	_ =	strace $0x9000004A  }
0x1b7: {  	s31 =	stileid.u32;
	[bflag:$0x2] =	sbarrier.arrive $0xFFFF  }
0x1b8: {  	p0 =	sne.s32 s31, $0x0;
	s0 =	rddreg [dreg:$0x2]  }
0x1b9: {  	s0 =	sadd.s32 @!p0 $0x100000, s0  }
0x1ba: {  	[sflag:s0] =	ssyncadd.tile.s32 @!p0 $0x1;
	_ =	shalt  }
.Lfunc_end2:
_tile_overlayer_lowered:
.L_overlay_start_2:
0x1bb: {  	(tag) =	ssettag $0x2  }
0x1bc: {  	s0 =	rddreg [dreg:$0x0];
	s2 =	stileid.u32  }
0x1bd: {  	s1 =	rddreg [dreg:$0x1];
	p0 =	sne.s32 s2, $0x0  }
0x1be: {  	s3 =	rddreg [dreg:$0x2];
	[bflag:$0x3] =	sbarrier.arrive $0xFFFF;
	s2 =	simm.s32 @!p0 $0x1C09  }
0x1bf: {  	[timem:s3], [sflag:s2] =	dma.local @!p0 [hbm:s0], s1  }
0x1c0: {  	s0 =	simm.s32 @!p0 $0x9  }
0x1c1: {  	_ =	swait.ge @!p0 [sflag:s0], s1  }
0x1c2: {  	s1 =	ssub.s32 @!p0 $0x0, s1;
	[sflag:s0] =	ssyncset.done @!p0 $0x0  }
0x1c3: {  	[sflag:s0] =	ssyncadd.s32 @!p0 s1  }
0x1c4: {  	[bflag:$0x3] =	sbarrier.arrive $0xFFFF  }
0x1c5: {  	_ =	shalt  }

</sc_bundles>
